<compile_context>
chip_gen: v7x
topology: tpu7x:2x2x1
jax: 0.10.2.dev20260603
libtpu: 0.0.44.dev20260713+nightly
codegen_flags: <defaults>
</compile_context>

<pallas_src>
import functools

import jax
import jax.numpy as jnp
from jax import lax
from jax.experimental import pallas as pl
from jax.experimental.pallas import tpu as pltpu
from jax.experimental.pallas import tpu_sc as plsc

K = 16
NB = 8
BQ = 128
WT = 512
BD = 200
B1 = 200
TW = 384
BIG = 1e10


def _ln(t, g, b):
    m = jnp.mean(t, axis=-1, keepdims=True)
    d = t - m
    v = jnp.mean(d * d, axis=-1, keepdims=True)
    return d * lax.rsqrt(v + 1e-5) * g + b


def _elu(t):
    return jnp.where(t > 0, t, jnp.exp(jnp.minimum(t, 0.0)) - 1.0)


def _proj_body(x_ref, posp_ref, wl_ref, bl_ref, ws_ref, tab_ref):
    x = x_ref[...]
    xl = jnp.dot(x, wl_ref[...], preferred_element_type=jnp.float32) + bl_ref[...]
    asrc = jnp.dot(x, ws_ref[...], preferred_element_type=jnp.float32)
    tab_ref[:, 0:128] = xl
    tab_ref[:, 128:256] = asrc
    tab_ref[:, 256:272] = posp_ref[...]


def _knn_body(lo_ref, nt_ref, posq_ref, qb_ref, posT_ref, kb_ref,
              out_ref, d2_ref):
    i = pl.program_id(0)
    lo = lo_ref[i]
    nt = nt_ref[i]
    posq = posq_ref[...]
    sqq = jnp.sum(posq * posq, axis=1, keepdims=True)
    qb = qb_ref[...]
    qrow = lax.broadcasted_iota(jnp.int32, (BQ, 1), 0) + i * BQ

    def fill(t, _):
        pT = posT_ref[t]
        qk = jnp.dot(posq, pT, preferred_element_type=jnp.float32)
        sqk = jnp.sum(pT * pT, axis=0, keepdims=True)
        d2 = sqq + sqk - 2.0 * qk
        gcol = lax.broadcasted_iota(jnp.int32, (BQ, WT), 1) + t * WT
        bad = (kb_ref[t] != qb) | (gcol == qrow)
        d2_ref[t] = jnp.where(bad, jnp.float32(BIG), d2)
        return 0

    lax.fori_loop(lo, lo + nt, fill, 0)

    imax = jnp.int32(2**30)
    prevv = jnp.full((BQ, 1), -jnp.inf, jnp.float32)
    previ = jnp.full((BQ, 1), -1, jnp.int32)
    for k in range(K):
        def scan(t, carry, prevv=prevv, previ=previ):
            bv, bi = carry
            v = d2_ref[t]
            gcol = lax.broadcasted_iota(jnp.int32, (BQ, WT), 1) + t * WT
            elig = (v > prevv) | ((v == prevv) & (gcol > previ))
            vv = jnp.where(elig, v, jnp.inf)
            tmin = jnp.min(vv, axis=1, keepdims=True)
            ii = jnp.min(jnp.where(elig & (v == tmin), gcol, imax),
                         axis=1, keepdims=True)
            better = (tmin < bv) | ((tmin == bv) & (ii < bi))
            return (jnp.where(better, tmin, bv), jnp.where(better, ii, bi))

        bv, bi = lax.fori_loop(
            lo, lo + nt, scan,
            (jnp.full((BQ, 1), jnp.inf, jnp.float32),
             jnp.full((BQ, 1), imax, jnp.int32)))
        out_ref[:, k:k + 1] = bi
        prevv, previ = bv, bi


def _gather_rows(table, idx3, n_edges):
    rows = n_edges // 128
    trips = (rows + 31) // 32
    mesh = plsc.VectorSubcoreMesh(core_axis_name="c", subcore_axis_name="s")

    @functools.partial(
        pl.kernel, mesh=mesh,
        out_type=jax.ShapeDtypeStruct((n_edges, TW), jnp.float32),
        scratch_types=[
            pltpu.VMEM((trips, 128), jnp.int32),
            pltpu.VMEM((128, TW), jnp.float32),
            pltpu.SemaphoreType.DMA,
        ])
    def gk(tab_hbm, idx_hbm, out_hbm, idx_v, buf, sem):
        w = lax.axis_index("s") * 2 + lax.axis_index("c")
        pltpu.sync_copy(idx_hbm.at[pl.ds(w * trips, trips)], idx_v)
        nrow = jnp.minimum(trips, rows - w * trips)

        def body(j, _):
            row = w * trips + j
            pltpu.async_copy(tab_hbm.at[idx_v.at[j]], buf, sem).wait()
            pltpu.sync_copy(buf, out_hbm.at[pl.ds(row * 128, 128)])
            return 0

        lax.fori_loop(0, nrow, body, 0)

    return gk(table, idx3)


def _edge_body(x_ref, posp_ref, g_ref, wd_ref,
               pw1_ref, pb1_ref, pg1_ref, pbe1_ref,
               pw2_ref, pb2_ref, pg2_ref, pbe2_ref,
               aw1_ref, ab1_ref, ag1_ref, abe1_ref,
               aw2_ref, ab2_ref, ag2_ref, abe2_ref,
               out_ref, a_scr, m_scr):
    x = x_ref[...]
    adst = jnp.dot(x, wd_ref[...], preferred_element_type=jnp.float32)
    posp = posp_ref[...]

    def p1(k, rmax):
        gk = g_ref[k]
        gxl = gk[:, 0:128]
        gas = gk[:, 128:256]
        gpp = gk[:, 256:272]
        rel = posp - gpp
        h = _elu(_ln(jnp.dot(rel, pw1_ref[...],
                             preferred_element_type=jnp.float32) + pb1_ref[...],
                     pg1_ref[...], pbe1_ref[...]))
        delta = _elu(_ln(jnp.dot(h, pw2_ref[...],
                                 preferred_element_type=jnp.float32) + pb2_ref[...],
                         pg2_ref[...], pbe2_ref[...]))
        ai = adst - gas + delta
        h2 = _elu(_ln(jnp.dot(ai, aw1_ref[...],
                              preferred_element_type=jnp.float32) + ab1_ref[...],
                      ag1_ref[...], abe1_ref[...]))
        al = _elu(_ln(jnp.dot(h2, aw2_ref[...],
                              preferred_element_type=jnp.float32) + ab2_ref[...],
                      ag2_ref[...], abe2_ref[...]))
        a_scr[k] = al
        m_scr[k] = gxl + delta
        return jnp.maximum(rmax, al)

    rmax = lax.fori_loop(0, K, p1, jnp.full((BD, 128), -jnp.inf, jnp.float32))

    def p2(k, carry):
        s, acc = carry
        e = jnp.exp(a_scr[k] - rmax)
        return s + e, acc + e * m_scr[k]

    s, acc = lax.fori_loop(
        0, K, p2,
        (jnp.zeros((BD, 128), jnp.float32), jnp.zeros((BD, 128), jnp.float32)))
    out_ref[...] = acc / s


def kernel(x, pos, batch, params):
    n = x.shape[0]
    npad = ((n + WT - 1) // WT) * WT
    nq = npad // BQ
    nt = npad // WT

    batch_i = batch.astype(jnp.int32)
    posp = jnp.pad(pos, ((0, 0), (0, 13)))
    pos8 = jnp.pad(pos, ((0, npad - n), (0, 5)))
    posT3 = pos8.T.reshape(8, nt, WT).transpose(1, 0, 2)
    kb3 = jnp.pad(batch_i, (0, npad - n),
                  constant_values=-1).reshape(nt, 1, WT)
    qb2 = jnp.pad(batch_i, (0, npad - n),
                  constant_values=-2).reshape(npad, 1)

    seg = jnp.searchsorted(batch_i, jnp.arange(NB + 1, dtype=jnp.int32),
                           side='left').astype(jnp.int32)
    starts = jnp.arange(nq, dtype=jnp.int32) * BQ
    first = jnp.minimum(starts, n - 1)
    last = jnp.minimum(starts + BQ - 1, n - 1)
    clo = seg[batch_i[first]]
    chi = seg[batch_i[last] + 1]
    lo_t = clo // WT
    n_t = jnp.where(starts >= n, 0, (chi + WT - 1) // WT - lo_t)

    table = pl.pallas_call(
        _proj_body,
        grid=(n // B1,),
        in_specs=[
            pl.BlockSpec((B1, 128), lambda i: (i, 0)),
            pl.BlockSpec((B1, 16), lambda i: (i, 0)),
            pl.BlockSpec((128, 128), lambda i: (0, 0)),
            pl.BlockSpec((1, 128), lambda i: (0, 0)),
            pl.BlockSpec((128, 128), lambda i: (0, 0)),
        ],
        out_specs=pl.BlockSpec((B1, TW), lambda i: (i, 0)),
        out_shape=jax.ShapeDtypeStruct((n, TW), jnp.float32),
    )(x, posp, params['W_lin'], params['b_lin'].reshape(1, 128),
      params['W_src'])

    idxmat = pl.pallas_call(
        _knn_body,
        grid=(nq,),
        in_specs=[
            pl.BlockSpec(memory_space=pltpu.SMEM),
            pl.BlockSpec(memory_space=pltpu.SMEM),
            pl.BlockSpec((BQ, 8), lambda i: (i, 0)),
            pl.BlockSpec((BQ, 1), lambda i: (i, 0)),
            pl.BlockSpec((nt, 8, WT), lambda i: (0, 0, 0)),
            pl.BlockSpec((nt, 1, WT), lambda i: (0, 0, 0)),
        ],
        out_specs=pl.BlockSpec((BQ, K), lambda i: (i, 0)),
        out_shape=jax.ShapeDtypeStruct((npad, K), jnp.int32),
        scratch_shapes=[pltpu.VMEM((nt, BQ, WT), jnp.float32)],
    )(lo_t, n_t, pos8, qb2, posT3, kb3)

    n_edges = K * n
    rows = n_edges // 128
    trips = (rows + 31) // 32
    idx_flat = idxmat[:n].T.reshape(-1)
    idx3 = jnp.pad(idx_flat, (0, 32 * trips * 128 - n_edges)).reshape(-1, 128)
    g = _gather_rows(table, idx3, n_edges)
    g3 = g.reshape(K, n, TW)

    pw1p = jnp.pad(params['pW1'], ((0, 13), (0, 0)))
    r1 = lambda v: v.reshape(1, 128)
    full = lambda a, b: pl.BlockSpec((a, b), lambda i: (0, 0))
    out = pl.pallas_call(
        _edge_body,
        grid=(n // BD,),
        in_specs=[
            pl.BlockSpec((BD, 128), lambda i: (i, 0)),
            pl.BlockSpec((BD, 16), lambda i: (i, 0)),
            pl.BlockSpec((K, BD, TW), lambda i: (0, i, 0)),
            full(128, 128),
            full(16, 128), full(1, 128), full(1, 128), full(1, 128),
            full(128, 128), full(1, 128), full(1, 128), full(1, 128),
            full(128, 128), full(1, 128), full(1, 128), full(1, 128),
            full(128, 128), full(1, 128), full(1, 128), full(1, 128),
        ],
        out_specs=pl.BlockSpec((BD, 128), lambda i: (i, 0)),
        out_shape=jax.ShapeDtypeStruct((n, 128), jnp.float32),
        scratch_shapes=[pltpu.VMEM((K, BD, 128), jnp.float32),
                        pltpu.VMEM((K, BD, 128), jnp.float32)],
    )(x, posp, g3, params['W_dst'],
      pw1p, r1(params['pb1']), r1(params['pg1']), r1(params['pbe1']),
      params['pW2'], r1(params['pb2']), r1(params['pg2']), r1(params['pbe2']),
      params['aW1'], r1(params['ab1']), r1(params['ag1']), r1(params['abe1']),
      params['aW2'], r1(params['ab2']), r1(params['ag2']), r1(params['abe2']))
    return out

# --- scband reference (transcript-rebuilt; emitter-appended) ---
"""Pipeline reference for scband-transformer-block-res-30021821399848 (READ-ONLY COPY).

The authoritative reference and input builder live on the scoring server;
editing this copy changes nothing except your own understanding.
"""

import jax, jax.numpy as jnp
import numpy as np

N = 10000
IN_C = 128
OUT_C = 128
HID = 128
K = 16
NB = 8


def _lin_init(k, fin, fout):
    s = 1.0 / np.sqrt(fin)
    kw, kb = jax.random.split(k)
    W = jax.random.uniform(kw, (fin, fout), minval=-s, maxval=s, dtype=jnp.float32)
    b = jax.random.uniform(kb, (fout,), minval=-s, maxval=s, dtype=jnp.float32)
    return W, b


def setup_inputs(seed: int = 0):
    key = jax.random.key(seed)
    ks = jax.random.split(key, 12)
    x = jax.random.normal(ks[0], (N, IN_C), dtype=jnp.float32)
    pos = jax.random.uniform(ks[1], (N, 3), dtype=jnp.float32)
    batch = jnp.sort(jax.random.randint(ks[2], (N,), 0, NB))
    params = {}
    params['W_lin'], params['b_lin'] = _lin_init(ks[3], IN_C, OUT_C)
    params['W_src'], _ = _lin_init(ks[4], IN_C, OUT_C)
    params['W_dst'], _ = _lin_init(ks[5], IN_C, OUT_C)
    # pos_nn: Linear(3,HID)+LN+ELU, Linear(HID,OUT)+LN+ELU
    params['pW1'], params['pb1'] = _lin_init(ks[6], 3, HID)
    params['pg1'] = jnp.ones((HID,), jnp.float32)
    params['pbe1'] = jnp.zeros((HID,), jnp.float32)
    params['pW2'], params['pb2'] = _lin_init(ks[7], HID, OUT_C)
    params['pg2'] = jnp.ones((OUT_C,), jnp.float32)
    params['pbe2'] = jnp.zeros((OUT_C,), jnp.float32)
    # attn_nn: Linear(OUT,HID)+LN+ELU, Linear(HID,OUT)+LN+ELU
    params['aW1'], params['ab1'] = _lin_init(ks[8], OUT_C, HID)
    params['ag1'] = jnp.ones((HID,), jnp.float32)
    params['abe1'] = jnp.zeros((HID,), jnp.float32)
    params['aW2'], params['ab2'] = _lin_init(ks[9], HID, OUT_C)
    params['ag2'] = jnp.ones((OUT_C,), jnp.float32)
    params['abe2'] = jnp.zeros((OUT_C,), jnp.float32)
    return {'x': x, 'pos': pos, 'batch': batch, 'params': params}


def _ln(t, g, b):
    m = jnp.mean(t, axis=-1, keepdims=True)
    v = jnp.var(t, axis=-1, keepdims=True)
    return (t - m) * jax.lax.rsqrt(v + 1e-5) * g + b


def _knn_idx(pos, batch, k):
    # knn_graph(pos, k, batch, loop=False, flow='source_to_target')
    n = pos.shape[0]
    sq = jnp.sum(pos * pos, axis=-1)
    d2 = sq[:, None] + sq[None, :] - 2.0 * (pos @ pos.T)
    big = jnp.float32(1e10)
    d2 = jnp.where(batch[:, None] != batch[None, :], big, d2)
    d2 = d2.at[jnp.arange(n), jnp.arange(n)].set(big)  # no self loops
    _, idx = jax.lax.top_k(-d2, k)  # [N, K] source neighbor ids per target
    return idx


def _point_transformer(x, pos, params, idx):
    # PointTransformerConv: alpha_i = lin_dst(x)_i, alpha_j = lin_src(x)_j, x_j = lin(x)_j
    xl = x @ params['W_lin'] + params['b_lin']
    a_src = x @ params['W_src']
    a_dst = x @ params['W_dst']
    x_j = jnp.take(xl, idx, axis=0)                      # [N,K,OUT] gather
    rel = pos[:, None, :] - jnp.take(pos, idx, axis=0)   # pos_i - pos_j, [N,K,3]
    h = jax.nn.elu(_ln(rel @ params['pW1'] + params['pb1'], params['pg1'], params['pbe1']))
    delta = jax.nn.elu(_ln(h @ params['pW2'] + params['pb2'], params['pg2'], params['pbe2']))
    alpha = a_dst[:, None, :] - jnp.take(a_src, idx, axis=0) + delta
    h2 = jax.nn.elu(_ln(alpha @ params['aW1'] + params['ab1'], params['ag1'], params['abe1']))
    alpha = jax.nn.elu(_ln(h2 @ params['aW2'] + params['ab2'], params['ag2'], params['abe2']))
    # PyG softmax(alpha, index): per-destination, per-channel; each target has exactly K edges
    alpha = jax.nn.softmax(alpha, axis=1)
    return jnp.sum(alpha * (x_j + delta), axis=1)        # scatter-add over edges by dst


def reference(x, pos, batch, params):
    idx = _knn_idx(pos, batch, K)
    return _point_transformer(x, pos, params, idx)

if __name__ == "__main__":
    import jax
    _d = setup_inputs()
    print(jax.jit(kernel)(*tuple(_d.values())))

</pallas_src>

<mosaic_0001>
#map = affine_map<(d0, d1) -> (0, 0)>
module attributes {stable_mosaic.version = 14 : i64} {
  func.func @gk(%arg0: i32, %arg1: i32, %arg2: memref<10000x384xf32, #tpu.memory_space<hbm>>, %arg3: memref<1280x128xi32, #tpu.memory_space<hbm>>, %arg4: memref<160000x384xf32, #tpu.memory_space<hbm>>, %arg5: memref<40x128xi32, #tpu.memory_space<vmem>>, %arg6: memref<128x384xf32, #tpu.memory_space<vmem>>, %arg7: memref<!tpu.dma_semaphore, #tpu.memory_space<semaphore_mem>>) attributes {dimension_semantics = [#tpu.dimension_semantics<core_parallel>, #tpu.dimension_semantics<subcore_parallel>], iteration_bounds = array<i64: 2, 16>, scalar_prefetch = 0 : i64, scratch_operands = 3 : i64, tpu.core_type = #tpu.core_type<sc_vector_subcore>, window_params = [{transform_indices = #map}, {transform_indices = #map}, {transform_indices = #map}]} {
    %mul3A = arith.constant 2 : i32
    %mul3A_0 = arith.muli %arg1, %mul3A : i32
    %add3A = arith.addi %mul3A_0, %arg0 : i32
    %mul3A_1 = arith.constant 40 : i32
    %mul3A_2 = arith.muli %add3A, %mul3A_1 : i32
    "tpu.region"() ({
      %run_scoped3A = tpu.sem_alloc : memref<!tpu.dma_semaphore, #tpu.memory_space<semaphore_mem>>
      %dma_start3A = arith.constant 0 : i32
      %dma_start3A_18 = tpu.memref_slice %arg3[%mul3A_2, %dma_start3A] : memref<1280x128xi32, #tpu.memory_space<hbm>> -> memref<40x128xi32, #tpu.memory_space<hbm>>
      %dma_start3A_19 = arith.constant 0 : i32
      %dma_start3A_20 = tpu.memref_slice %arg3[%mul3A_2, %dma_start3A_19] : memref<1280x128xi32, #tpu.memory_space<hbm>> -> memref<40x128xi32, #tpu.memory_space<hbm>>
      tpu.enqueue_dma source(%dma_start3A_20 : memref<40x128xi32, #tpu.memory_space<hbm>>) target(%arg5 : memref<40x128xi32, #tpu.memory_space<vmem>>) target_semaphore(%run_scoped3A : memref<!tpu.dma_semaphore, #tpu.memory_space<semaphore_mem>>)
      %dma_wait3A = arith.constant 0 : i32
      %dma_wait3A_21 = tpu.memref_slice %arg3[%mul3A_2, %dma_wait3A] : memref<1280x128xi32, #tpu.memory_space<hbm>> -> memref<40x128xi32, #tpu.memory_space<hbm>>
      %dma_wait3A_22 = arith.constant 0 : i32
      %dma_wait3A_23 = tpu.memref_slice %arg3[%mul3A_2, %dma_wait3A_22] : memref<1280x128xi32, #tpu.memory_space<hbm>> -> memref<40x128xi32, #tpu.memory_space<hbm>>
      tpu.wait_dma2 semaphore(%run_scoped3A : memref<!tpu.dma_semaphore, #tpu.memory_space<semaphore_mem>>) src(%dma_wait3A_23 : memref<40x128xi32, #tpu.memory_space<hbm>>) dst(%arg5 : memref<40x128xi32, #tpu.memory_space<vmem>>)
      tpu.yield
    }) : () -> ()
    %mul3A_3 = arith.constant 40 : i32
    %mul3A_4 = arith.muli %add3A, %mul3A_3 : i32
    %sub3A = arith.constant 1250 : i32
    %sub3A_5 = arith.subi %sub3A, %mul3A_4 : i32
    %min3A = arith.constant 40 : i32
    %min3A_6 = arith.minsi %min3A, %sub3A_5 : i32
    %while3A = arith.constant 0 : i32
    %while3A_7 = arith.constant 0 : i32
    %while3A_8 = arith.subi %min3A_6, %while3A : i32
    %while3A_9 = arith.addi %while3A, %while3A_8 : i32
    %while3A_10 = arith.constant 1 : i32
    %while3A_11 = arith.divsi %while3A_8, %while3A_10 : i32
    %while3A_12 = arith.muli %while3A_11, %while3A_10 : i32
    %while3A_13 = arith.addi %while3A, %while3A_12 : i32
    %while3A_14 = arith.constant 1 : i32
    %while3A_15 = scf.for %while3A_18 = %while3A to %while3A_13 step %while3A_14 iter_args(%while3A_19 = %while3A_7) -> (i32)  : i32 {
      %mul3A_20 = arith.constant 40 : i32
      %mul3A_21 = arith.muli %add3A, %mul3A_20 : i32
      %add3A_22 = arith.addi %mul3A_21, %while3A_18 : i32
      %dma_start3A = arith.constant 0 : i32
      %dma_start3A_23 = tpu.memref_slice %arg5[%while3A_18, %dma_start3A] : memref<40x128xi32, #tpu.memory_space<vmem>> -> memref<1x128xi32, #tpu.memory_space<vmem>>
      %dma_start3A_24 = tpu.memref_squeeze %dma_start3A_23 : memref<1x128xi32, #tpu.memory_space<vmem>> -> memref<128xi32, #tpu.memory_space<vmem>>
      %dma_start3A_25 = arith.constant 0 : i32
      %dma_start3A_26 = arith.constant 0 : i32
      %dma_start3A_27 = tpu.memref_slice %arg2[%dma_start3A_25, %dma_start3A_26] : memref<10000x384xf32, #tpu.memory_space<hbm>> -> memref<10000x384xf32, #tpu.memory_space<hbm>>
      tpu.enqueue_indirect_dma source(%dma_start3A_27 : memref<10000x384xf32, #tpu.memory_space<hbm>>) target(%arg6 : memref<128x384xf32, #tpu.memory_space<vmem>>) offsets(%dma_start3A_24 : memref<128xi32, #tpu.memory_space<vmem>>) semaphore(%arg7 : memref<!tpu.dma_semaphore, #tpu.memory_space<semaphore_mem>>)
      %dma_wait3A = arith.constant 0 : i32
      %dma_wait3A_28 = tpu.memref_slice %arg5[%while3A_18, %dma_wait3A] : memref<40x128xi32, #tpu.memory_space<vmem>> -> memref<1x128xi32, #tpu.memory_space<vmem>>
      %dma_wait3A_29 = tpu.memref_squeeze %dma_wait3A_28 : memref<1x128xi32, #tpu.memory_space<vmem>> -> memref<128xi32, #tpu.memory_space<vmem>>
      %dma_wait3A_30 = arith.constant 0 : i32
      %dma_wait3A_31 = arith.constant 0 : i32
      %dma_wait3A_32 = tpu.memref_slice %arg2[%dma_wait3A_30, %dma_wait3A_31] : memref<10000x384xf32, #tpu.memory_space<hbm>> -> memref<10000x384xf32, #tpu.memory_space<hbm>>
      tpu.wait_indirect_dma semaphore(%arg7 : memref<!tpu.dma_semaphore, #tpu.memory_space<semaphore_mem>>) src(%dma_wait3A_32 : memref<10000x384xf32, #tpu.memory_space<hbm>>) dst(%arg6 : memref<128x384xf32, #tpu.memory_space<vmem>>)
      %mul3A_33 = arith.constant 128 : i32
      %mul3A_34 = arith.muli %add3A_22, %mul3A_33 : i32
      "tpu.region"() ({
        %run_scoped3A = tpu.sem_alloc : memref<!tpu.dma_semaphore, #tpu.memory_space<semaphore_mem>>
        %dma_start3A_36 = arith.constant 0 : i32
        %dma_start3A_37 = tpu.memref_slice %arg4[%mul3A_34, %dma_start3A_36] : memref<160000x384xf32, #tpu.memory_space<hbm>> -> memref<128x384xf32, #tpu.memory_space<hbm>>
        %dma_start3A_38 = arith.constant 0 : i32
        %dma_start3A_39 = tpu.memref_slice %arg4[%mul3A_34, %dma_start3A_38] : memref<160000x384xf32, #tpu.memory_space<hbm>> -> memref<128x384xf32, #tpu.memory_space<hbm>>
        tpu.enqueue_dma source(%arg6 : memref<128x384xf32, #tpu.memory_space<vmem>>) target(%dma_start3A_39 : memref<128x384xf32, #tpu.memory_space<hbm>>) target_semaphore(%run_scoped3A : memref<!tpu.dma_semaphore, #tpu.memory_space<semaphore_mem>>)
        %dma_wait3A_40 = arith.constant 0 : i32
        %dma_wait3A_41 = tpu.memref_slice %arg4[%mul3A_34, %dma_wait3A_40] : memref<160000x384xf32, #tpu.memory_space<hbm>> -> memref<128x384xf32, #tpu.memory_space<hbm>>
        %dma_wait3A_42 = arith.constant 0 : i32
        %dma_wait3A_43 = tpu.memref_slice %arg4[%mul3A_34, %dma_wait3A_42] : memref<160000x384xf32, #tpu.memory_space<hbm>> -> memref<128x384xf32, #tpu.memory_space<hbm>>
        tpu.wait_dma2 semaphore(%run_scoped3A : memref<!tpu.dma_semaphore, #tpu.memory_space<semaphore_mem>>) src(%arg6 : memref<128x384xf32, #tpu.memory_space<vmem>>) dst(%dma_wait3A_43 : memref<128x384xf32, #tpu.memory_space<hbm>>)
        tpu.yield
      }) : () -> ()
      %while3A_35 = arith.constant 0 : i32
      scf.yield %while3A_35 : i32
    }
    %while3A_16 = arith.constant 1 : i32
    %while3A_17 = scf.for %while3A_18 = %while3A_13 to %while3A_9 step %while3A_16 iter_args(%while3A_19 = %while3A_15) -> (i32)  : i32 {
      %mul3A_20 = arith.constant 40 : i32
      %mul3A_21 = arith.muli %add3A, %mul3A_20 : i32
      %add3A_22 = arith.addi %mul3A_21, %while3A_18 : i32
      %dma_start3A = arith.constant 0 : i32
      %dma_start3A_23 = tpu.memref_slice %arg5[%while3A_18, %dma_start3A] : memref<40x128xi32, #tpu.memory_space<vmem>> -> memref<1x128xi32, #tpu.memory_space<vmem>>
      %dma_start3A_24 = tpu.memref_squeeze %dma_start3A_23 : memref<1x128xi32, #tpu.memory_space<vmem>> -> memref<128xi32, #tpu.memory_space<vmem>>
      %dma_start3A_25 = arith.constant 0 : i32
      %dma_start3A_26 = arith.constant 0 : i32
      %dma_start3A_27 = tpu.memref_slice %arg2[%dma_start3A_25, %dma_start3A_26] : memref<10000x384xf32, #tpu.memory_space<hbm>> -> memref<10000x384xf32, #tpu.memory_space<hbm>>
      tpu.enqueue_indirect_dma source(%dma_start3A_27 : memref<10000x384xf32, #tpu.memory_space<hbm>>) target(%arg6 : memref<128x384xf32, #tpu.memory_space<vmem>>) offsets(%dma_start3A_24 : memref<128xi32, #tpu.memory_space<vmem>>) semaphore(%arg7 : memref<!tpu.dma_semaphore, #tpu.memory_space<semaphore_mem>>)
      %dma_wait3A = arith.constant 0 : i32
      %dma_wait3A_28 = tpu.memref_slice %arg5[%while3A_18, %dma_wait3A] : memref<40x128xi32, #tpu.memory_space<vmem>> -> memref<1x128xi32, #tpu.memory_space<vmem>>
      %dma_wait3A_29 = tpu.memref_squeeze %dma_wait3A_28 : memref<1x128xi32, #tpu.memory_space<vmem>> -> memref<128xi32, #tpu.memory_space<vmem>>
      %dma_wait3A_30 = arith.constant 0 : i32
      %dma_wait3A_31 = arith.constant 0 : i32
      %dma_wait3A_32 = tpu.memref_slice %arg2[%dma_wait3A_30, %dma_wait3A_31] : memref<10000x384xf32, #tpu.memory_space<hbm>> -> memref<10000x384xf32, #tpu.memory_space<hbm>>
      tpu.wait_indirect_dma semaphore(%arg7 : memref<!tpu.dma_semaphore, #tpu.memory_space<semaphore_mem>>) src(%dma_wait3A_32 : memref<10000x384xf32, #tpu.memory_space<hbm>>) dst(%arg6 : memref<128x384xf32, #tpu.memory_space<vmem>>)
      %mul3A_33 = arith.constant 128 : i32
      %mul3A_34 = arith.muli %add3A_22, %mul3A_33 : i32
      "tpu.region"() ({
        %run_scoped3A = tpu.sem_alloc : memref<!tpu.dma_semaphore, #tpu.memory_space<semaphore_mem>>
        %dma_start3A_36 = arith.constant 0 : i32
        %dma_start3A_37 = tpu.memref_slice %arg4[%mul3A_34, %dma_start3A_36] : memref<160000x384xf32, #tpu.memory_space<hbm>> -> memref<128x384xf32, #tpu.memory_space<hbm>>
        %dma_start3A_38 = arith.constant 0 : i32
        %dma_start3A_39 = tpu.memref_slice %arg4[%mul3A_34, %dma_start3A_38] : memref<160000x384xf32, #tpu.memory_space<hbm>> -> memref<128x384xf32, #tpu.memory_space<hbm>>
        tpu.enqueue_dma source(%arg6 : memref<128x384xf32, #tpu.memory_space<vmem>>) target(%dma_start3A_39 : memref<128x384xf32, #tpu.memory_space<hbm>>) target_semaphore(%run_scoped3A : memref<!tpu.dma_semaphore, #tpu.memory_space<semaphore_mem>>)
        %dma_wait3A_40 = arith.constant 0 : i32
        %dma_wait3A_41 = tpu.memref_slice %arg4[%mul3A_34, %dma_wait3A_40] : memref<160000x384xf32, #tpu.memory_space<hbm>> -> memref<128x384xf32, #tpu.memory_space<hbm>>
        %dma_wait3A_42 = arith.constant 0 : i32
        %dma_wait3A_43 = tpu.memref_slice %arg4[%mul3A_34, %dma_wait3A_42] : memref<160000x384xf32, #tpu.memory_space<hbm>> -> memref<128x384xf32, #tpu.memory_space<hbm>>
        tpu.wait_dma2 semaphore(%run_scoped3A : memref<!tpu.dma_semaphore, #tpu.memory_space<semaphore_mem>>) src(%arg6 : memref<128x384xf32, #tpu.memory_space<vmem>>) dst(%dma_wait3A_43 : memref<128x384xf32, #tpu.memory_space<hbm>>)
        tpu.yield
      }) : () -> ()
      %while3A_35 = arith.constant 0 : i32
      scf.yield %while3A_35 : i32
    }
    return
  }
}

module attributes {stable_mosaic.version = 14 : i64} {
  func.func @_knn_body(%arg0: i32, %arg1: memref<80xi32, #tpu.memory_space<smem>>, %arg2: memref<80xi32, #tpu.memory_space<smem>>, %arg3: memref<128x8xf32, #tpu.memory_space<vmem>>, %arg4: memref<128x1xi32, #tpu.memory_space<vmem>>, %arg5: memref<20x8x512xf32, #tpu.memory_space<vmem>>, %arg6: memref<20x1x512xi32, #tpu.memory_space<vmem>>, %arg7: memref<128x16xi32, #tpu.memory_space<vmem>>, %arg8: memref<20x128x512xf32, #tpu.memory_space<vmem>>) attributes {dimension_semantics = [#tpu.dimension_semantics<arbitrary>], iteration_bounds = array<i64: 80>, scalar_prefetch = 0 : i64, scratch_operands = 1 : i64, tpu.core_type = #tpu.core_type<tc>, window_params = [{transform_indices = @transform_0, window_bounds = array<i64: 80>}, {transform_indices = @transform_1, window_bounds = array<i64: 80>}, {transform_indices = @transform_2, window_bounds = array<i64: 128, 8>}, {transform_indices = @transform_3, window_bounds = array<i64: 128, 1>}, {pipeline_mode = #tpu.pipeline_mode<synchronous>, transform_indices = @transform_4, window_bounds = array<i64: 20, 8, 512>}, {pipeline_mode = #tpu.pipeline_mode<synchronous>, transform_indices = @transform_5, window_bounds = array<i64: 20, 1, 512>}, {transform_indices = @transform_6, window_bounds = array<i64: 128, 16>}]} {
    %get3A = arith.index_cast %arg0 : i32 to index
    %get3A_0 = memref.load %arg1[%get3A] : memref<80xi32, #tpu.memory_space<smem>>
    %get3A_1 = arith.index_cast %arg0 : i32 to index
    %get3A_2 = memref.load %arg2[%get3A_1] : memref<80xi32, #tpu.memory_space<smem>>
    %get3A_3 = arith.constant 0 : index
    %get3A_4 = arith.constant 0 : index
    %get3A_5 = vector.load %arg3[%get3A_3, %get3A_4] : memref<128x8xf32, #tpu.memory_space<vmem>>, vector<128x8xf32>
    %mul3A = arith.mulf %get3A_5, %get3A_5 : vector<128x8xf32>
    %reduce_sum3A = arith.constant dense<0.000000e+00> : vector<128xf32>
    %reduce_sum3A_6 = vector.multi_reduction <add>, %mul3A, %reduce_sum3A [1] : vector<128x8xf32> to vector<128xf32>
    %broadcast_in_dim3A = vector.shape_cast %reduce_sum3A_6 : vector<128xf32> to vector<128x1xf32>
    %get3A_7 = arith.constant 0 : index
    %get3A_8 = arith.constant 0 : index
    %get3A_9 = vector.load %arg4[%get3A_7, %get3A_8] : memref<128x1xi32, #tpu.memory_space<vmem>>, vector<128x1xi32>
    %iota3A = tpu.iota {dimensions = array<i32: 0>} : vector<128x1xi32>
    %mul3A_10 = arith.constant 128 : i32
    %mul3A_11 = arith.muli %arg0, %mul3A_10 : i32
    %add3A = vector.broadcast %mul3A_11 : i32 to vector<128x1xi32>
    %add3A_12 = arith.addi %iota3A, %add3A : vector<128x1xi32>
    %add3A_13 = arith.addi %get3A_0, %get3A_2 : i32
    %while3A = arith.constant 0 : i32
    %while3A_14 = arith.subi %add3A_13, %get3A_0 : i32
    %while3A_15 = arith.addi %get3A_0, %while3A_14 : i32
    %while3A_16 = arith.constant 1 : i32
    %while3A_17 = arith.divsi %while3A_14, %while3A_16 : i32
    %while3A_18 = arith.muli %while3A_17, %while3A_16 : i32
    %while3A_19 = arith.addi %get3A_0, %while3A_18 : i32
    %while3A_20 = arith.constant 1 : i32
    %while3A_21 = scf.for %while3A_331 = %get3A_0 to %while3A_19 step %while3A_20 iter_args(%while3A_332 = %while3A) -> (i32)  : i32 {
      %get3A_333 = arith.index_cast %while3A_331 : i32 to index
      %get3A_334 = arith.constant 0 : index
      %get3A_335 = arith.constant 0 : index
      %get3A_336 = vector.load %arg5[%get3A_333, %get3A_334, %get3A_335] : memref<20x8x512xf32, #tpu.memory_space<vmem>>, vector<1x8x512xf32>
      %get3A_337 = vector.shape_cast %get3A_336 : vector<1x8x512xf32> to vector<8x512xf32>
      %dot_general3A = arith.constant dense<0.000000e+00> : vector<128x512xf32>
      %dot_general3A_338 = tpu.matmul %get3A_5, %get3A_337, %dot_general3A {dimension_numbers = #tpu.dot_dimension_numbers<[1], [0], [0], [1], [0, 0, 1, 1], [], []>, transpose_lhs_hint = false} : vector<128x8xf32>, vector<8x512xf32>, vector<128x512xf32> -> vector<128x512xf32>
      %mul3A_339 = arith.mulf %get3A_337, %get3A_337 : vector<8x512xf32>
      %reduce_sum3A_340 = arith.constant dense<0.000000e+00> : vector<512xf32>
      %reduce_sum3A_341 = vector.multi_reduction <add>, %mul3A_339, %reduce_sum3A_340 [0] : vector<8x512xf32> to vector<512xf32>
      %broadcast_in_dim3A_342 = vector.shape_cast %reduce_sum3A_341 : vector<512xf32> to vector<1x512xf32>
      %add3A_343 = vector.broadcast %broadcast_in_dim3A : vector<128x1xf32> to vector<128x512xf32>
      %add3A_344 = vector.broadcast %broadcast_in_dim3A_342 : vector<1x512xf32> to vector<128x512xf32>
      %add3A_345 = arith.addf %add3A_343, %add3A_344 : vector<128x512xf32>
      %mul3A_346 = arith.constant 2.000000e+00 : f32
      %mul3A_347 = vector.broadcast %mul3A_346 : f32 to vector<128x512xf32>
      %mul3A_348 = arith.mulf %mul3A_347, %dot_general3A_338 : vector<128x512xf32>
      %sub3A = arith.subf %add3A_345, %mul3A_348 : vector<128x512xf32>
      %iota3A_349 = tpu.iota {dimensions = array<i32: 1>} : vector<128x512xi32>
      %mul3A_350 = arith.constant 512 : i32
      %mul3A_351 = arith.muli %while3A_331, %mul3A_350 : i32
      %add3A_352 = vector.broadcast %mul3A_351 : i32 to vector<128x512xi32>
      %add3A_353 = arith.addi %iota3A_349, %add3A_352 : vector<128x512xi32>
      %get3A_354 = arith.index_cast %while3A_331 : i32 to index
      %get3A_355 = arith.constant 0 : index
      %get3A_356 = arith.constant 0 : index
      %get3A_357 = vector.load %arg6[%get3A_354, %get3A_355, %get3A_356] : memref<20x1x512xi32, #tpu.memory_space<vmem>>, vector<1x1x512xi32>
      %get3A_358 = vector.shape_cast %get3A_357 : vector<1x1x512xi32> to vector<1x512xi32>
      %ne3A = vector.broadcast %get3A_358 : vector<1x512xi32> to vector<128x512xi32>
      %ne3A_359 = vector.broadcast %get3A_9 : vector<128x1xi32> to vector<128x512xi32>
      %ne3A_360 = arith.cmpi ne, %ne3A, %ne3A_359 : vector<128x512xi32>
      %eq3A = vector.broadcast %add3A_12 : vector<128x1xi32> to vector<128x512xi32>
      %eq3A_361 = arith.cmpi eq, %add3A_353, %eq3A : vector<128x512xi32>
      %or3A = arith.ori %ne3A_360, %eq3A_361 : vector<128x512xi1>
      %jit3A = arith.constant 1.000000e+10 : f32
      %broadcast_in_dim3A_362 = vector.broadcast %jit3A : f32 to vector<128x512xf32>
      %select_n3A = arith.select %or3A, %broadcast_in_dim3A_362, %sub3A : vector<128x512xi1>, vector<128x512xf32>
      %swap3A_363 = arith.index_cast %while3A_331 : i32 to index
      %swap3A_364 = arith.constant 0 : index
      %swap3A_365 = arith.constant 0 : index
      %swap3A_366 = vector.load %arg8[%swap3A_363, %swap3A_364, %swap3A_365] : memref<20x128x512xf32, #tpu.memory_space<vmem>>, vector<1x128x512xf32>
      %swap3A_367 = vector.shape_cast %swap3A_366 : vector<1x128x512xf32> to vector<128x512xf32>
      %swap3A_368 = vector.shape_cast %select_n3A : vector<128x512xf32> to vector<1x128x512xf32>
      tpu.vector_store %arg8[%swap3A_363, %swap3A_364, %swap3A_365], %swap3A_368 {strides = array<i32>} : memref<20x128x512xf32, #tpu.memory_space<vmem>>, vector<1x128x512xf32>,
      %while3A_369 = arith.constant 0 : i32
      scf.yield %while3A_369 : i32
    }
    %while3A_22 = arith.constant 1 : i32
    %while3A_23 = scf.for %while3A_331 = %while3A_19 to %while3A_15 step %while3A_22 iter_args(%while3A_332 = %while3A_21) -> (i32)  : i32 {
      %get3A_333 = arith.index_cast %while3A_331 : i32 to index
      %get3A_334 = arith.constant 0 : index
      %get3A_335 = arith.constant 0 : index
      %get3A_336 = vector.load %arg5[%get3A_333, %get3A_334, %get3A_335] : memref<20x8x512xf32, #tpu.memory_space<vmem>>, vector<1x8x512xf32>
      %get3A_337 = vector.shape_cast %get3A_336 : vector<1x8x512xf32> to vector<8x512xf32>
      %dot_general3A = arith.constant dense<0.000000e+00> : vector<128x512xf32>
      %dot_general3A_338 = tpu.matmul %get3A_5, %get3A_337, %dot_general3A {dimension_numbers = #tpu.dot_dimension_numbers<[1], [0], [0], [1], [0, 0, 1, 1], [], []>, transpose_lhs_hint = false} : vector<128x8xf32>, vector<8x512xf32>, vector<128x512xf32> -> vector<128x512xf32>
      %mul3A_339 = arith.mulf %get3A_337, %get3A_337 : vector<8x512xf32>
      %reduce_sum3A_340 = arith.constant dense<0.000000e+00> : vector<512xf32>
      %reduce_sum3A_341 = vector.multi_reduction <add>, %mul3A_339, %reduce_sum3A_340 [0] : vector<8x512xf32> to vector<512xf32>
      %broadcast_in_dim3A_342 = vector.shape_cast %reduce_sum3A_341 : vector<512xf32> to vector<1x512xf32>
      %add3A_343 = vector.broadcast %broadcast_in_dim3A : vector<128x1xf32> to vector<128x512xf32>
      %add3A_344 = vector.broadcast %broadcast_in_dim3A_342 : vector<1x512xf32> to vector<128x512xf32>
      %add3A_345 = arith.addf %add3A_343, %add3A_344 : vector<128x512xf32>
      %mul3A_346 = arith.constant 2.000000e+00 : f32
      %mul3A_347 = vector.broadcast %mul3A_346 : f32 to vector<128x512xf32>
      %mul3A_348 = arith.mulf %mul3A_347, %dot_general3A_338 : vector<128x512xf32>
      %sub3A = arith.subf %add3A_345, %mul3A_348 : vector<128x512xf32>
      %iota3A_349 = tpu.iota {dimensions = array<i32: 1>} : vector<128x512xi32>
      %mul3A_350 = arith.constant 512 : i32
      %mul3A_351 = arith.muli %while3A_331, %mul3A_350 : i32
      %add3A_352 = vector.broadcast %mul3A_351 : i32 to vector<128x512xi32>
      %add3A_353 = arith.addi %iota3A_349, %add3A_352 : vector<128x512xi32>
      %get3A_354 = arith.index_cast %while3A_331 : i32 to index
      %get3A_355 = arith.constant 0 : index
      %get3A_356 = arith.constant 0 : index
      %get3A_357 = vector.load %arg6[%get3A_354, %get3A_355, %get3A_356] : memref<20x1x512xi32, #tpu.memory_space<vmem>>, vector<1x1x512xi32>
      %get3A_358 = vector.shape_cast %get3A_357 : vector<1x1x512xi32> to vector<1x512xi32>
      %ne3A = vector.broadcast %get3A_358 : vector<1x512xi32> to vector<128x512xi32>
      %ne3A_359 = vector.broadcast %get3A_9 : vector<128x1xi32> to vector<128x512xi32>
      %ne3A_360 = arith.cmpi ne, %ne3A, %ne3A_359 : vector<128x512xi32>
      %eq3A = vector.broadcast %add3A_12 : vector<128x1xi32> to vector<128x512xi32>
      %eq3A_361 = arith.cmpi eq, %add3A_353, %eq3A : vector<128x512xi32>
      %or3A = arith.ori %ne3A_360, %eq3A_361 : vector<128x512xi1>
      %jit3A = arith.constant 1.000000e+10 : f32
      %broadcast_in_dim3A_362 = vector.broadcast %jit3A : f32 to vector<128x512xf32>
      %select_n3A = arith.select %or3A, %broadcast_in_dim3A_362, %sub3A : vector<128x512xi1>, vector<128x512xf32>
      %swap3A_363 = arith.index_cast %while3A_331 : i32 to index
      %swap3A_364 = arith.constant 0 : index
      %swap3A_365 = arith.constant 0 : index
      %swap3A_366 = vector.load %arg8[%swap3A_363, %swap3A_364, %swap3A_365] : memref<20x128x512xf32, #tpu.memory_space<vmem>>, vector<1x128x512xf32>
      %swap3A_367 = vector.shape_cast %swap3A_366 : vector<1x128x512xf32> to vector<128x512xf32>
      %swap3A_368 = vector.shape_cast %select_n3A : vector<128x512xf32> to vector<1x128x512xf32>
      tpu.vector_store %arg8[%swap3A_363, %swap3A_364, %swap3A_365], %swap3A_368 {strides = array<i32>} : memref<20x128x512xf32, #tpu.memory_space<vmem>>, vector<1x128x512xf32>,
      %while3A_369 = arith.constant 0 : i32
      scf.yield %while3A_369 : i32
    }
    %broadcast_in_dim3A_24 = arith.constant 0xFF800000 : f32
    %broadcast_in_dim3A_25 = vector.broadcast %broadcast_in_dim3A_24 : f32 to vector<128x1xf32>
    %broadcast_in_dim3A_26 = arith.constant -1 : i32
    %broadcast_in_dim3A_27 = vector.broadcast %broadcast_in_dim3A_26 : i32 to vector<128x1xi32>
    %add3A_28 = arith.addi %get3A_0, %get3A_2 : i32
    %broadcast_in_dim3A_29 = arith.constant 0x7F800000 : f32
    %broadcast_in_dim3A_30 = vector.broadcast %broadcast_in_dim3A_29 : f32 to vector<128x1xf32>
    %broadcast_in_dim3A_31 = arith.constant 1073741824 : i32
    %broadcast_in_dim3A_32 = vector.broadcast %broadcast_in_dim3A_31 : i32 to vector<128x1xi32>
    %while3A_33 = arith.constant 1073741824 : i32
    %while3A_34 = arith.subi %add3A_28, %get3A_0 : i32
    %while3A_35 = arith.addi %get3A_0, %while3A_34 : i32
    %while3A_36 = arith.constant 1 : i32
    %while3A_37 = arith.divsi %while3A_34, %while3A_36 : i32
    %while3A_38 = arith.muli %while3A_37, %while3A_36 : i32
    %while3A_39 = arith.addi %get3A_0, %while3A_38 : i32
    %while3A_40 = arith.constant 1 : i32
    %while3A_41:2 = scf.for %while3A_331 = %get3A_0 to %while3A_39 step %while3A_40 iter_args(%while3A_332 = %broadcast_in_dim3A_30, %while3A_333 = %broadcast_in_dim3A_32) -> (vector<128x1xf32>, vector<128x1xi32>)  : i32 {
      %get3A_334 = arith.index_cast %while3A_331 : i32 to index
      %get3A_335 = arith.constant 0 : index
      %get3A_336 = arith.constant 0 : index
      %get3A_337 = vector.load %arg8[%get3A_334, %get3A_335, %get3A_336] : memref<20x128x512xf32, #tpu.memory_space<vmem>>, vector<1x128x512xf32>
      %get3A_338 = vector.shape_cast %get3A_337 : vector<1x128x512xf32> to vector<128x512xf32>
      %iota3A_339 = tpu.iota {dimensions = array<i32: 1>} : vector<128x512xi32>
      %mul3A_340 = arith.constant 512 : i32
      %mul3A_341 = arith.muli %while3A_331, %mul3A_340 : i32
      %add3A_342 = vector.broadcast %mul3A_341 : i32 to vector<128x512xi32>
      %add3A_343 = arith.addi %iota3A_339, %add3A_342 : vector<128x512xi32>
      %gt3A = vector.broadcast %broadcast_in_dim3A_25 : vector<128x1xf32> to vector<128x512xf32>
      %gt3A_344 = arith.cmpf ogt, %get3A_338, %gt3A : vector<128x512xf32>
      %eq3A = vector.broadcast %broadcast_in_dim3A_25 : vector<128x1xf32> to vector<128x512xf32>
      %eq3A_345 = arith.cmpf oeq, %get3A_338, %eq3A : vector<128x512xf32>
      %gt3A_346 = vector.broadcast %broadcast_in_dim3A_27 : vector<128x1xi32> to vector<128x512xi32>
      %gt3A_347 = arith.cmpi sgt, %add3A_343, %gt3A_346 : vector<128x512xi32>
      %and3A = arith.andi %eq3A_345, %gt3A_347 : vector<128x512xi1>
      %or3A = arith.ori %gt3A_344, %and3A : vector<128x512xi1>
      %jit3A = arith.constant 0x7F800000 : f32
      %broadcast_in_dim3A_348 = vector.broadcast %jit3A : f32 to vector<128x512xf32>
      %select_n3A = arith.select %or3A, %get3A_338, %broadcast_in_dim3A_348 : vector<128x512xi1>, vector<128x512xf32>
      %reduce_min3A = arith.constant dense<0x7F800000> : vector<128xf32>
      %reduce_min3A_349 = vector.multi_reduction <minimumf>, %select_n3A, %reduce_min3A [1] : vector<128x512xf32> to vector<128xf32>
      %broadcast_in_dim3A_350 = vector.shape_cast %reduce_min3A_349 : vector<128xf32> to vector<128x1xf32>
      %eq3A_351 = vector.broadcast %broadcast_in_dim3A_350 : vector<128x1xf32> to vector<128x512xf32>
      %eq3A_352 = arith.cmpf oeq, %get3A_338, %eq3A_351 : vector<128x512xf32>
      %and3A_353 = arith.andi %or3A, %eq3A_352 : vector<128x512xi1>
      %broadcast_in_dim3A_354 = vector.broadcast %while3A_33 : i32 to vector<128x512xi32>
      %select_n3A_355 = arith.select %and3A_353, %add3A_343, %broadcast_in_dim3A_354 : vector<128x512xi1>, vector<128x512xi32>
      %reduce_min3A_356 = arith.constant dense<2147483647> : vector<128xi32>
      %reduce_min3A_357 = vector.multi_reduction <minsi>, %select_n3A_355, %reduce_min3A_356 [1] : vector<128x512xi32> to vector<128xi32>
      %broadcast_in_dim3A_358 = vector.shape_cast %reduce_min3A_357 : vector<128xi32> to vector<128x1xi32>
      %lt3A = arith.cmpf olt, %broadcast_in_dim3A_350, %while3A_332 : vector<128x1xf32>
      %eq3A_359 = arith.cmpf oeq, %broadcast_in_dim3A_350, %while3A_332 : vector<128x1xf32>
      %lt3A_360 = arith.cmpi slt, %broadcast_in_dim3A_358, %while3A_333 : vector<128x1xi32>
      %and3A_361 = arith.andi %eq3A_359, %lt3A_360 : vector<128x1xi1>
      %or3A_362 = arith.ori %lt3A, %and3A_361 : vector<128x1xi1>
      %select_n3A_363 = arith.select %or3A_362, %broadcast_in_dim3A_350, %while3A_332 : vector<128x1xi1>, vector<128x1xf32>
      %select_n3A_364 = arith.select %or3A_362, %broadcast_in_dim3A_358, %while3A_333 : vector<128x1xi1>, vector<128x1xi32>
      scf.yield %select_n3A_363, %select_n3A_364 : vector<128x1xf32>, vector<128x1xi32>
    }
    %while3A_42 = arith.constant 1 : i32
    %while3A_43:2 = scf.for %while3A_331 = %while3A_39 to %while3A_35 step %while3A_42 iter_args(%while3A_332 = %while3A_41#0, %while3A_333 = %while3A_41#1) -> (vector<128x1xf32>, vector<128x1xi32>)  : i32 {
      %get3A_334 = arith.index_cast %while3A_331 : i32 to index
      %get3A_335 = arith.constant 0 : index
      %get3A_336 = arith.constant 0 : index
      %get3A_337 = vector.load %arg8[%get3A_334, %get3A_335, %get3A_336] : memref<20x128x512xf32, #tpu.memory_space<vmem>>, vector<1x128x512xf32>
      %get3A_338 = vector.shape_cast %get3A_337 : vector<1x128x512xf32> to vector<128x512xf32>
      %iota3A_339 = tpu.iota {dimensions = array<i32: 1>} : vector<128x512xi32>
      %mul3A_340 = arith.constant 512 : i32
      %mul3A_341 = arith.muli %while3A_331, %mul3A_340 : i32
      %add3A_342 = vector.broadcast %mul3A_341 : i32 to vector<128x512xi32>
      %add3A_343 = arith.addi %iota3A_339, %add3A_342 : vector<128x512xi32>
      %gt3A = vector.broadcast %broadcast_in_dim3A_25 : vector<128x1xf32> to vector<128x512xf32>
      %gt3A_344 = arith.cmpf ogt, %get3A_338, %gt3A : vector<128x512xf32>
      %eq3A = vector.broadcast %broadcast_in_dim3A_25 : vector<128x1xf32> to vector<128x512xf32>
      %eq3A_345 = arith.cmpf oeq, %get3A_338, %eq3A : vector<128x512xf32>
      %gt3A_346 = vector.broadcast %broadcast_in_dim3A_27 : vector<128x1xi32> to vector<128x512xi32>
      %gt3A_347 = arith.cmpi sgt, %add3A_343, %gt3A_346 : vector<128x512xi32>
      %and3A = arith.andi %eq3A_345, %gt3A_347 : vector<128x512xi1>
      %or3A = arith.ori %gt3A_344, %and3A : vector<128x512xi1>
      %jit3A = arith.constant 0x7F800000 : f32
      %broadcast_in_dim3A_348 = vector.broadcast %jit3A : f32 to vector<128x512xf32>
      %select_n3A = arith.select %or3A, %get3A_338, %broadcast_in_dim3A_348 : vector<128x512xi1>, vector<128x512xf32>
      %reduce_min3A = arith.constant dense<0x7F800000> : vector<128xf32>
      %reduce_min3A_349 = vector.multi_reduction <minimumf>, %select_n3A, %reduce_min3A [1] : vector<128x512xf32> to vector<128xf32>
      %broadcast_in_dim3A_350 = vector.shape_cast %reduce_min3A_349 : vector<128xf32> to vector<128x1xf32>
      %eq3A_351 = vector.broadcast %broadcast_in_dim3A_350 : vector<128x1xf32> to vector<128x512xf32>
      %eq3A_352 = arith.cmpf oeq, %get3A_338, %eq3A_351 : vector<128x512xf32>
      %and3A_353 = arith.andi %or3A, %eq3A_352 : vector<128x512xi1>
      %broadcast_in_dim3A_354 = vector.broadcast %while3A_33 : i32 to vector<128x512xi32>
      %select_n3A_355 = arith.select %and3A_353, %add3A_343, %broadcast_in_dim3A_354 : vector<128x512xi1>, vector<128x512xi32>
      %reduce_min3A_356 = arith.constant dense<2147483647> : vector<128xi32>
      %reduce_min3A_357 = vector.multi_reduction <minsi>, %select_n3A_355, %reduce_min3A_356 [1] : vector<128x512xi32> to vector<128xi32>
      %broadcast_in_dim3A_358 = vector.shape_cast %reduce_min3A_357 : vector<128xi32> to vector<128x1xi32>
      %lt3A = arith.cmpf olt, %broadcast_in_dim3A_350, %while3A_332 : vector<128x1xf32>
      %eq3A_359 = arith.cmpf oeq, %broadcast_in_dim3A_350, %while3A_332 : vector<128x1xf32>
      %lt3A_360 = arith.cmpi slt, %broadcast_in_dim3A_358, %while3A_333 : vector<128x1xi32>
      %and3A_361 = arith.andi %eq3A_359, %lt3A_360 : vector<128x1xi1>
      %or3A_362 = arith.ori %lt3A, %and3A_361 : vector<128x1xi1>
      %select_n3A_363 = arith.select %or3A_362, %broadcast_in_dim3A_350, %while3A_332 : vector<128x1xi1>, vector<128x1xf32>
      %select_n3A_364 = arith.select %or3A_362, %broadcast_in_dim3A_358, %while3A_333 : vector<128x1xi1>, vector<128x1xi32>
      scf.yield %select_n3A_363, %select_n3A_364 : vector<128x1xf32>, vector<128x1xi32>
    }
    %swap3A = arith.constant 0 : index
    %swap3A_44 = arith.constant 0 : index
    %swap3A_45 = vector.load %arg7[%swap3A, %swap3A_44] : memref<128x16xi32, #tpu.memory_space<vmem>>, vector<128x1xi32>
    tpu.vector_store %arg7[%swap3A, %swap3A_44], %while3A_43#1 {strides = array<i32>} : memref<128x16xi32, #tpu.memory_space<vmem>>, vector<128x1xi32>,
    %add3A_46 = arith.addi %get3A_0, %get3A_2 : i32
    %broadcast_in_dim3A_47 = arith.constant 0x7F800000 : f32
    %broadcast_in_dim3A_48 = vector.broadcast %broadcast_in_dim3A_47 : f32 to vector<128x1xf32>
    %broadcast_in_dim3A_49 = arith.constant 1073741824 : i32
    %broadcast_in_dim3A_50 = vector.broadcast %broadcast_in_dim3A_49 : i32 to vector<128x1xi32>
    %while3A_51 = arith.constant 1073741824 : i32
    %while3A_52 = arith.subi %add3A_46, %get3A_0 : i32
    %while3A_53 = arith.addi %get3A_0, %while3A_52 : i32
    %while3A_54 = arith.constant 1 : i32
    %while3A_55 = arith.divsi %while3A_52, %while3A_54 : i32
    %while3A_56 = arith.muli %while3A_55, %while3A_54 : i32
    %while3A_57 = arith.addi %get3A_0, %while3A_56 : i32
    %while3A_58 = arith.constant 1 : i32
    %while3A_59:2 = scf.for %while3A_331 = %get3A_0 to %while3A_57 step %while3A_58 iter_args(%while3A_332 = %broadcast_in_dim3A_48, %while3A_333 = %broadcast_in_dim3A_50) -> (vector<128x1xf32>, vector<128x1xi32>)  : i32 {
      %get3A_334 = arith.index_cast %while3A_331 : i32 to index
      %get3A_335 = arith.constant 0 : index
      %get3A_336 = arith.constant 0 : index
      %get3A_337 = vector.load %arg8[%get3A_334, %get3A_335, %get3A_336] : memref<20x128x512xf32, #tpu.memory_space<vmem>>, vector<1x128x512xf32>
      %get3A_338 = vector.shape_cast %get3A_337 : vector<1x128x512xf32> to vector<128x512xf32>
      %iota3A_339 = tpu.iota {dimensions = array<i32: 1>} : vector<128x512xi32>
      %mul3A_340 = arith.constant 512 : i32
      %mul3A_341 = arith.muli %while3A_331, %mul3A_340 : i32
      %add3A_342 = vector.broadcast %mul3A_341 : i32 to vector<128x512xi32>
      %add3A_343 = arith.addi %iota3A_339, %add3A_342 : vector<128x512xi32>
      %gt3A = vector.broadcast %while3A_43#0 : vector<128x1xf32> to vector<128x512xf32>
      %gt3A_344 = arith.cmpf ogt, %get3A_338, %gt3A : vector<128x512xf32>
      %eq3A = vector.broadcast %while3A_43#0 : vector<128x1xf32> to vector<128x512xf32>
      %eq3A_345 = arith.cmpf oeq, %get3A_338, %eq3A : vector<128x512xf32>
      %gt3A_346 = vector.broadcast %while3A_43#1 : vector<128x1xi32> to vector<128x512xi32>
      %gt3A_347 = arith.cmpi sgt, %add3A_343, %gt3A_346 : vector<128x512xi32>
      %and3A = arith.andi %eq3A_345, %gt3A_347 : vector<128x512xi1>
      %or3A = arith.ori %gt3A_344, %and3A : vector<128x512xi1>
      %jit3A = arith.constant 0x7F800000 : f32
      %broadcast_in_dim3A_348 = vector.broadcast %jit3A : f32 to vector<128x512xf32>
      %select_n3A = arith.select %or3A, %get3A_338, %broadcast_in_dim3A_348 : vector<128x512xi1>, vector<128x512xf32>
      %reduce_min3A = arith.constant dense<0x7F800000> : vector<128xf32>
      %reduce_min3A_349 = vector.multi_reduction <minimumf>, %select_n3A, %reduce_min3A [1] : vector<128x512xf32> to vector<128xf32>
      %broadcast_in_dim3A_350 = vector.shape_cast %reduce_min3A_349 : vector<128xf32> to vector<128x1xf32>
      %eq3A_351 = vector.broadcast %broadcast_in_dim3A_350 : vector<128x1xf32> to vector<128x512xf32>
      %eq3A_352 = arith.cmpf oeq, %get3A_338, %eq3A_351 : vector<128x512xf32>
      %and3A_353 = arith.andi %or3A, %eq3A_352 : vector<128x512xi1>
      %broadcast_in_dim3A_354 = vector.broadcast %while3A_51 : i32 to vector<128x512xi32>
      %select_n3A_355 = arith.select %and3A_353, %add3A_343, %broadcast_in_dim3A_354 : vector<128x512xi1>, vector<128x512xi32>
      %reduce_min3A_356 = arith.constant dense<2147483647> : vector<128xi32>
      %reduce_min3A_357 = vector.multi_reduction <minsi>, %select_n3A_355, %reduce_min3A_356 [1] : vector<128x512xi32> to vector<128xi32>
      %broadcast_in_dim3A_358 = vector.shape_cast %reduce_min3A_357 : vector<128xi32> to vector<128x1xi32>
      %lt3A = arith.cmpf olt, %broadcast_in_dim3A_350, %while3A_332 : vector<128x1xf32>
      %eq3A_359 = arith.cmpf oeq, %broadcast_in_dim3A_350, %while3A_332 : vector<128x1xf32>
      %lt3A_360 = arith.cmpi slt, %broadcast_in_dim3A_358, %while3A_333 : vector<128x1xi32>
      %and3A_361 = arith.andi %eq3A_359, %lt3A_360 : vector<128x1xi1>
      %or3A_362 = arith.ori %lt3A, %and3A_361 : vector<128x1xi1>
      %select_n3A_363 = arith.select %or3A_362, %broadcast_in_dim3A_350, %while3A_332 : vector<128x1xi1>, vector<128x1xf32>
      %select_n3A_364 = arith.select %or3A_362, %broadcast_in_dim3A_358, %while3A_333 : vector<128x1xi1>, vector<128x1xi32>
      scf.yield %select_n3A_363, %select_n3A_364 : vector<128x1xf32>, vector<128x1xi32>
    }
    %while3A_60 = arith.constant 1 : i32
    %while3A_61:2 = scf.for %while3A_331 = %while3A_57 to %while3A_53 step %while3A_60 iter_args(%while3A_332 = %while3A_59#0, %while3A_333 = %while3A_59#1) -> (vector<128x1xf32>, vector<128x1xi32>)  : i32 {
      %get3A_334 = arith.index_cast %while3A_331 : i32 to index
      %get3A_335 = arith.constant 0 : index
      %get3A_336 = arith.constant 0 : index
      %get3A_337 = vector.load %arg8[%get3A_334, %get3A_335, %get3A_336] : memref<20x128x512xf32, #tpu.memory_space<vmem>>, vector<1x128x512xf32>
      %get3A_338 = vector.shape_cast %get3A_337 : vector<1x128x512xf32> to vector<128x512xf32>
      %iota3A_339 = tpu.iota {dimensions = array<i32: 1>} : vector<128x512xi32>
      %mul3A_340 = arith.constant 512 : i32
      %mul3A_341 = arith.muli %while3A_331, %mul3A_340 : i32
      %add3A_342 = vector.broadcast %mul3A_341 : i32 to vector<128x512xi32>
      %add3A_343 = arith.addi %iota3A_339, %add3A_342 : vector<128x512xi32>
      %gt3A = vector.broadcast %while3A_43#0 : vector<128x1xf32> to vector<128x512xf32>
      %gt3A_344 = arith.cmpf ogt, %get3A_338, %gt3A : vector<128x512xf32>
      %eq3A = vector.broadcast %while3A_43#0 : vector<128x1xf32> to vector<128x512xf32>
      %eq3A_345 = arith.cmpf oeq, %get3A_338, %eq3A : vector<128x512xf32>
      %gt3A_346 = vector.broadcast %while3A_43#1 : vector<128x1xi32> to vector<128x512xi32>
      %gt3A_347 = arith.cmpi sgt, %add3A_343, %gt3A_346 : vector<128x512xi32>
      %and3A = arith.andi %eq3A_345, %gt3A_347 : vector<128x512xi1>
      %or3A = arith.ori %gt3A_344, %and3A : vector<128x512xi1>
      %jit3A = arith.constant 0x7F800000 : f32
      %broadcast_in_dim3A_348 = vector.broadcast %jit3A : f32 to vector<128x512xf32>
      %select_n3A = arith.select %or3A, %get3A_338, %broadcast_in_dim3A_348 : vector<128x512xi1>, vector<128x512xf32>
      %reduce_min3A = arith.constant dense<0x7F800000> : vector<128xf32>
      %reduce_min3A_349 = vector.multi_reduction <minimumf>, %select_n3A, %reduce_min3A [1] : vector<128x512xf32> to vector<128xf32>
      %broadcast_in_dim3A_350 = vector.shape_cast %reduce_min3A_349 : vector<128xf32> to vector<128x1xf32>
      %eq3A_351 = vector.broadcast %broadcast_in_dim3A_350 : vector<128x1xf32> to vector<128x512xf32>
      %eq3A_352 = arith.cmpf oeq, %get3A_338, %eq3A_351 : vector<128x512xf32>
      %and3A_353 = arith.andi %or3A, %eq3A_352 : vector<128x512xi1>
      %broadcast_in_dim3A_354 = vector.broadcast %while3A_51 : i32 to vector<128x512xi32>
      %select_n3A_355 = arith.select %and3A_353, %add3A_343, %broadcast_in_dim3A_354 : vector<128x512xi1>, vector<128x512xi32>
      %reduce_min3A_356 = arith.constant dense<2147483647> : vector<128xi32>
      %reduce_min3A_357 = vector.multi_reduction <minsi>, %select_n3A_355, %reduce_min3A_356 [1] : vector<128x512xi32> to vector<128xi32>
      %broadcast_in_dim3A_358 = vector.shape_cast %reduce_min3A_357 : vector<128xi32> to vector<128x1xi32>
      %lt3A = arith.cmpf olt, %broadcast_in_dim3A_350, %while3A_332 : vector<128x1xf32>
      %eq3A_359 = arith.cmpf oeq, %broadcast_in_dim3A_350, %while3A_332 : vector<128x1xf32>
      %lt3A_360 = arith.cmpi slt, %broadcast_in_dim3A_358, %while3A_333 : vector<128x1xi32>
      %and3A_361 = arith.andi %eq3A_359, %lt3A_360 : vector<128x1xi1>
      %or3A_362 = arith.ori %lt3A, %and3A_361 : vector<128x1xi1>
      %select_n3A_363 = arith.select %or3A_362, %broadcast_in_dim3A_350, %while3A_332 : vector<128x1xi1>, vector<128x1xf32>
      %select_n3A_364 = arith.select %or3A_362, %broadcast_in_dim3A_358, %while3A_333 : vector<128x1xi1>, vector<128x1xi32>
      scf.yield %select_n3A_363, %select_n3A_364 : vector<128x1xf32>, vector<128x1xi32>
    }
    %swap3A_62 = arith.constant 0 : index
    %swap3A_63 = arith.constant 1 : index
    %swap3A_64 = vector.load %arg7[%swap3A_62, %swap3A_63] : memref<128x16xi32, #tpu.memory_space<vmem>>, vector<128x1xi32>
    tpu.vector_store %arg7[%swap3A_62, %swap3A_63], %while3A_61#1 {strides = array<i32>} : memref<128x16xi32, #tpu.memory_space<vmem>>, vector<128x1xi32>,
    %add3A_65 = arith.addi %get3A_0, %get3A_2 : i32
    %broadcast_in_dim3A_66 = arith.constant 0x7F800000 : f32
    %broadcast_in_dim3A_67 = vector.broadcast %broadcast_in_dim3A_66 : f32 to vector<128x1xf32>
    %broadcast_in_dim3A_68 = arith.constant 1073741824 : i32
    %broadcast_in_dim3A_69 = vector.broadcast %broadcast_in_dim3A_68 : i32 to vector<128x1xi32>
    %while3A_70 = arith.constant 1073741824 : i32
    %while3A_71 = arith.subi %add3A_65, %get3A_0 : i32
    %while3A_72 = arith.addi %get3A_0, %while3A_71 : i32
    %while3A_73 = arith.constant 1 : i32
    %while3A_74 = arith.divsi %while3A_71, %while3A_73 : i32
    %while3A_75 = arith.muli %while3A_74, %while3A_73 : i32
    %while3A_76 = arith.addi %get3A_0, %while3A_75 : i32
    %while3A_77 = arith.constant 1 : i32
    %while3A_78:2 = scf.for %while3A_331 = %get3A_0 to %while3A_76 step %while3A_77 iter_args(%while3A_332 = %broadcast_in_dim3A_67, %while3A_333 = %broadcast_in_dim3A_69) -> (vector<128x1xf32>, vector<128x1xi32>)  : i32 {
      %get3A_334 = arith.index_cast %while3A_331 : i32 to index
      %get3A_335 = arith.constant 0 : index
      %get3A_336 = arith.constant 0 : index
      %get3A_337 = vector.load %arg8[%get3A_334, %get3A_335, %get3A_336] : memref<20x128x512xf32, #tpu.memory_space<vmem>>, vector<1x128x512xf32>
      %get3A_338 = vector.shape_cast %get3A_337 : vector<1x128x512xf32> to vector<128x512xf32>
      %iota3A_339 = tpu.iota {dimensions = array<i32: 1>} : vector<128x512xi32>
      %mul3A_340 = arith.constant 512 : i32
      %mul3A_341 = arith.muli %while3A_331, %mul3A_340 : i32
      %add3A_342 = vector.broadcast %mul3A_341 : i32 to vector<128x512xi32>
      %add3A_343 = arith.addi %iota3A_339, %add3A_342 : vector<128x512xi32>
      %gt3A = vector.broadcast %while3A_61#0 : vector<128x1xf32> to vector<128x512xf32>
      %gt3A_344 = arith.cmpf ogt, %get3A_338, %gt3A : vector<128x512xf32>
      %eq3A = vector.broadcast %while3A_61#0 : vector<128x1xf32> to vector<128x512xf32>
      %eq3A_345 = arith.cmpf oeq, %get3A_338, %eq3A : vector<128x512xf32>
      %gt3A_346 = vector.broadcast %while3A_61#1 : vector<128x1xi32> to vector<128x512xi32>
      %gt3A_347 = arith.cmpi sgt, %add3A_343, %gt3A_346 : vector<128x512xi32>
      %and3A = arith.andi %eq3A_345, %gt3A_347 : vector<128x512xi1>
      %or3A = arith.ori %gt3A_344, %and3A : vector<128x512xi1>
      %jit3A = arith.constant 0x7F800000 : f32
      %broadcast_in_dim3A_348 = vector.broadcast %jit3A : f32 to vector<128x512xf32>
      %select_n3A = arith.select %or3A, %get3A_338, %broadcast_in_dim3A_348 : vector<128x512xi1>, vector<128x512xf32>
      %reduce_min3A = arith.constant dense<0x7F800000> : vector<128xf32>
      %reduce_min3A_349 = vector.multi_reduction <minimumf>, %select_n3A, %reduce_min3A [1] : vector<128x512xf32> to vector<128xf32>
      %broadcast_in_dim3A_350 = vector.shape_cast %reduce_min3A_349 : vector<128xf32> to vector<128x1xf32>
      %eq3A_351 = vector.broadcast %broadcast_in_dim3A_350 : vector<128x1xf32> to vector<128x512xf32>
      %eq3A_352 = arith.cmpf oeq, %get3A_338, %eq3A_351 : vector<128x512xf32>
      %and3A_353 = arith.andi %or3A, %eq3A_352 : vector<128x512xi1>
      %broadcast_in_dim3A_354 = vector.broadcast %while3A_70 : i32 to vector<128x512xi32>
      %select_n3A_355 = arith.select %and3A_353, %add3A_343, %broadcast_in_dim3A_354 : vector<128x512xi1>, vector<128x512xi32>
      %reduce_min3A_356 = arith.constant dense<2147483647> : vector<128xi32>
      %reduce_min3A_357 = vector.multi_reduction <minsi>, %select_n3A_355, %reduce_min3A_356 [1] : vector<128x512xi32> to vector<128xi32>
      %broadcast_in_dim3A_358 = vector.shape_cast %reduce_min3A_357 : vector<128xi32> to vector<128x1xi32>
      %lt3A = arith.cmpf olt, %broadcast_in_dim3A_350, %while3A_332 : vector<128x1xf32>
      %eq3A_359 = arith.cmpf oeq, %broadcast_in_dim3A_350, %while3A_332 : vector<128x1xf32>
      %lt3A_360 = arith.cmpi slt, %broadcast_in_dim3A_358, %while3A_333 : vector<128x1xi32>
      %and3A_361 = arith.andi %eq3A_359, %lt3A_360 : vector<128x1xi1>
      %or3A_362 = arith.ori %lt3A, %and3A_361 : vector<128x1xi1>
      %select_n3A_363 = arith.select %or3A_362, %broadcast_in_dim3A_350, %while3A_332 : vector<128x1xi1>, vector<128x1xf32>
      %select_n3A_364 = arith.select %or3A_362, %broadcast_in_dim3A_358, %while3A_333 : vector<128x1xi1>, vector<128x1xi32>
      scf.yield %select_n3A_363, %select_n3A_364 : vector<128x1xf32>, vector<128x1xi32>
    }
    %while3A_79 = arith.constant 1 : i32
    %while3A_80:2 = scf.for %while3A_331 = %while3A_76 to %while3A_72 step %while3A_79 iter_args(%while3A_332 = %while3A_78#0, %while3A_333 = %while3A_78#1) -> (vector<128x1xf32>, vector<128x1xi32>)  : i32 {
      %get3A_334 = arith.index_cast %while3A_331 : i32 to index
      %get3A_335 = arith.constant 0 : index
      %get3A_336 = arith.constant 0 : index
      %get3A_337 = vector.load %arg8[%get3A_334, %get3A_335, %get3A_336] : memref<20x128x512xf32, #tpu.memory_space<vmem>>, vector<1x128x512xf32>
      %get3A_338 = vector.shape_cast %get3A_337 : vector<1x128x512xf32> to vector<128x512xf32>
      %iota3A_339 = tpu.iota {dimensions = array<i32: 1>} : vector<128x512xi32>
      %mul3A_340 = arith.constant 512 : i32
      %mul3A_341 = arith.muli %while3A_331, %mul3A_340 : i32
      %add3A_342 = vector.broadcast %mul3A_341 : i32 to vector<128x512xi32>
      %add3A_343 = arith.addi %iota3A_339, %add3A_342 : vector<128x512xi32>
      %gt3A = vector.broadcast %while3A_61#0 : vector<128x1xf32> to vector<128x512xf32>
      %gt3A_344 = arith.cmpf ogt, %get3A_338, %gt3A : vector<128x512xf32>
      %eq3A = vector.broadcast %while3A_61#0 : vector<128x1xf32> to vector<128x512xf32>
      %eq3A_345 = arith.cmpf oeq, %get3A_338, %eq3A : vector<128x512xf32>
      %gt3A_346 = vector.broadcast %while3A_61#1 : vector<128x1xi32> to vector<128x512xi32>
      %gt3A_347 = arith.cmpi sgt, %add3A_343, %gt3A_346 : vector<128x512xi32>
      %and3A = arith.andi %eq3A_345, %gt3A_347 : vector<128x512xi1>
      %or3A = arith.ori %gt3A_344, %and3A : vector<128x512xi1>
      %jit3A = arith.constant 0x7F800000 : f32
      %broadcast_in_dim3A_348 = vector.broadcast %jit3A : f32 to vector<128x512xf32>
      %select_n3A = arith.select %or3A, %get3A_338, %broadcast_in_dim3A_348 : vector<128x512xi1>, vector<128x512xf32>
      %reduce_min3A = arith.constant dense<0x7F800000> : vector<128xf32>
      %reduce_min3A_349 = vector.multi_reduction <minimumf>, %select_n3A, %reduce_min3A [1] : vector<128x512xf32> to vector<128xf32>
      %broadcast_in_dim3A_350 = vector.shape_cast %reduce_min3A_349 : vector<128xf32> to vector<128x1xf32>
      %eq3A_351 = vector.broadcast %broadcast_in_dim3A_350 : vector<128x1xf32> to vector<128x512xf32>
      %eq3A_352 = arith.cmpf oeq, %get3A_338, %eq3A_351 : vector<128x512xf32>
      %and3A_353 = arith.andi %or3A, %eq3A_352 : vector<128x512xi1>
      %broadcast_in_dim3A_354 = vector.broadcast %while3A_70 : i32 to vector<128x512xi32>
      %select_n3A_355 = arith.select %and3A_353, %add3A_343, %broadcast_in_dim3A_354 : vector<128x512xi1>, vector<128x512xi32>
      %reduce_min3A_356 = arith.constant dense<2147483647> : vector<128xi32>
      %reduce_min3A_357 = vector.multi_reduction <minsi>, %select_n3A_355, %reduce_min3A_356 [1] : vector<128x512xi32> to vector<128xi32>
      %broadcast_in_dim3A_358 = vector.shape_cast %reduce_min3A_357 : vector<128xi32> to vector<128x1xi32>
      %lt3A = arith.cmpf olt, %broadcast_in_dim3A_350, %while3A_332 : vector<128x1xf32>
      %eq3A_359 = arith.cmpf oeq, %broadcast_in_dim3A_350, %while3A_332 : vector<128x1xf32>
      %lt3A_360 = arith.cmpi slt, %broadcast_in_dim3A_358, %while3A_333 : vector<128x1xi32>
      %and3A_361 = arith.andi %eq3A_359, %lt3A_360 : vector<128x1xi1>
      %or3A_362 = arith.ori %lt3A, %and3A_361 : vector<128x1xi1>
      %select_n3A_363 = arith.select %or3A_362, %broadcast_in_dim3A_350, %while3A_332 : vector<128x1xi1>, vector<128x1xf32>
      %select_n3A_364 = arith.select %or3A_362, %broadcast_in_dim3A_358, %while3A_333 : vector<128x1xi1>, vector<128x1xi32>
      scf.yield %select_n3A_363, %select_n3A_364 : vector<128x1xf32>, vector<128x1xi32>
    }
    %swap3A_81 = arith.constant 0 : index
    %swap3A_82 = arith.constant 2 : index
    %swap3A_83 = vector.load %arg7[%swap3A_81, %swap3A_82] : memref<128x16xi32, #tpu.memory_space<vmem>>, vector<128x1xi32>
    tpu.vector_store %arg7[%swap3A_81, %swap3A_82], %while3A_80#1 {strides = array<i32>} : memref<128x16xi32, #tpu.memory_space<vmem>>, vector<128x1xi32>,
    %add3A_84 = arith.addi %get3A_0, %get3A_2 : i32
    %broadcast_in_dim3A_85 = arith.constant 0x7F800000 : f32
    %broadcast_in_dim3A_86 = vector.broadcast %broadcast_in_dim3A_85 : f32 to vector<128x1xf32>
    %broadcast_in_dim3A_87 = arith.constant 1073741824 : i32
    %broadcast_in_dim3A_88 = vector.broadcast %broadcast_in_dim3A_87 : i32 to vector<128x1xi32>
    %while3A_89 = arith.constant 1073741824 : i32
    %while3A_90 = arith.subi %add3A_84, %get3A_0 : i32
    %while3A_91 = arith.addi %get3A_0, %while3A_90 : i32
    %while3A_92 = arith.constant 1 : i32
    %while3A_93 = arith.divsi %while3A_90, %while3A_92 : i32
    %while3A_94 = arith.muli %while3A_93, %while3A_92 : i32
    %while3A_95 = arith.addi %get3A_0, %while3A_94 : i32
    %while3A_96 = arith.constant 1 : i32
    %while3A_97:2 = scf.for %while3A_331 = %get3A_0 to %while3A_95 step %while3A_96 iter_args(%while3A_332 = %broadcast_in_dim3A_86, %while3A_333 = %broadcast_in_dim3A_88) -> (vector<128x1xf32>, vector<128x1xi32>)  : i32 {
      %get3A_334 = arith.index_cast %while3A_331 : i32 to index
      %get3A_335 = arith.constant 0 : index
      %get3A_336 = arith.constant 0 : index
      %get3A_337 = vector.load %arg8[%get3A_334, %get3A_335, %get3A_336] : memref<20x128x512xf32, #tpu.memory_space<vmem>>, vector<1x128x512xf32>
      %get3A_338 = vector.shape_cast %get3A_337 : vector<1x128x512xf32> to vector<128x512xf32>
      %iota3A_339 = tpu.iota {dimensions = array<i32: 1>} : vector<128x512xi32>
      %mul3A_340 = arith.constant 512 : i32
      %mul3A_341 = arith.muli %while3A_331, %mul3A_340 : i32
      %add3A_342 = vector.broadcast %mul3A_341 : i32 to vector<128x512xi32>
      %add3A_343 = arith.addi %iota3A_339, %add3A_342 : vector<128x512xi32>
      %gt3A = vector.broadcast %while3A_80#0 : vector<128x1xf32> to vector<128x512xf32>
      %gt3A_344 = arith.cmpf ogt, %get3A_338, %gt3A : vector<128x512xf32>
      %eq3A = vector.broadcast %while3A_80#0 : vector<128x1xf32> to vector<128x512xf32>
      %eq3A_345 = arith.cmpf oeq, %get3A_338, %eq3A : vector<128x512xf32>
      %gt3A_346 = vector.broadcast %while3A_80#1 : vector<128x1xi32> to vector<128x512xi32>
      %gt3A_347 = arith.cmpi sgt, %add3A_343, %gt3A_346 : vector<128x512xi32>
      %and3A = arith.andi %eq3A_345, %gt3A_347 : vector<128x512xi1>
      %or3A = arith.ori %gt3A_344, %and3A : vector<128x512xi1>
      %jit3A = arith.constant 0x7F800000 : f32
      %broadcast_in_dim3A_348 = vector.broadcast %jit3A : f32 to vector<128x512xf32>
      %select_n3A = arith.select %or3A, %get3A_338, %broadcast_in_dim3A_348 : vector<128x512xi1>, vector<128x512xf32>
      %reduce_min3A = arith.constant dense<0x7F800000> : vector<128xf32>
      %reduce_min3A_349 = vector.multi_reduction <minimumf>, %select_n3A, %reduce_min3A [1] : vector<128x512xf32> to vector<128xf32>
      %broadcast_in_dim3A_350 = vector.shape_cast %reduce_min3A_349 : vector<128xf32> to vector<128x1xf32>
      %eq3A_351 = vector.broadcast %broadcast_in_dim3A_350 : vector<128x1xf32> to vector<128x512xf32>
      %eq3A_352 = arith.cmpf oeq, %get3A_338, %eq3A_351 : vector<128x512xf32>
      %and3A_353 = arith.andi %or3A, %eq3A_352 : vector<128x512xi1>
      %broadcast_in_dim3A_354 = vector.broadcast %while3A_89 : i32 to vector<128x512xi32>
      %select_n3A_355 = arith.select %and3A_353, %add3A_343, %broadcast_in_dim3A_354 : vector<128x512xi1>, vector<128x512xi32>
      %reduce_min3A_356 = arith.constant dense<2147483647> : vector<128xi32>
      %reduce_min3A_357 = vector.multi_reduction <minsi>, %select_n3A_355, %reduce_min3A_356 [1] : vector<128x512xi32> to vector<128xi32>
      %broadcast_in_dim3A_358 = vector.shape_cast %reduce_min3A_357 : vector<128xi32> to vector<128x1xi32>
      %lt3A = arith.cmpf olt, %broadcast_in_dim3A_350, %while3A_332 : vector<128x1xf32>
      %eq3A_359 = arith.cmpf oeq, %broadcast_in_dim3A_350, %while3A_332 : vector<128x1xf32>
      %lt3A_360 = arith.cmpi slt, %broadcast_in_dim3A_358, %while3A_333 : vector<128x1xi32>
      %and3A_361 = arith.andi %eq3A_359, %lt3A_360 : vector<128x1xi1>
      %or3A_362 = arith.ori %lt3A, %and3A_361 : vector<128x1xi1>
      %select_n3A_363 = arith.select %or3A_362, %broadcast_in_dim3A_350, %while3A_332 : vector<128x1xi1>, vector<128x1xf32>
      %select_n3A_364 = arith.select %or3A_362, %broadcast_in_dim3A_358, %while3A_333 : vector<128x1xi1>, vector<128x1xi32>
      scf.yield %select_n3A_363, %select_n3A_364 : vector<128x1xf32>, vector<128x1xi32>
    }
    %while3A_98 = arith.constant 1 : i32
    %while3A_99:2 = scf.for %while3A_331 = %while3A_95 to %while3A_91 step %while3A_98 iter_args(%while3A_332 = %while3A_97#0, %while3A_333 = %while3A_97#1) -> (vector<128x1xf32>, vector<128x1xi32>)  : i32 {
      %get3A_334 = arith.index_cast %while3A_331 : i32 to index
      %get3A_335 = arith.constant 0 : index
      %get3A_336 = arith.constant 0 : index
      %get3A_337 = vector.load %arg8[%get3A_334, %get3A_335, %get3A_336] : memref<20x128x512xf32, #tpu.memory_space<vmem>>, vector<1x128x512xf32>
      %get3A_338 = vector.shape_cast %get3A_337 : vector<1x128x512xf32> to vector<128x512xf32>
      %iota3A_339 = tpu.iota {dimensions = array<i32: 1>} : vector<128x512xi32>
      %mul3A_340 = arith.constant 512 : i32
      %mul3A_341 = arith.muli %while3A_331, %mul3A_340 : i32
      %add3A_342 = vector.broadcast %mul3A_341 : i32 to vector<128x512xi32>
      %add3A_343 = arith.addi %iota3A_339, %add3A_342 : vector<128x512xi32>
      %gt3A = vector.broadcast %while3A_80#0 : vector<128x1xf32> to vector<128x512xf32>
      %gt3A_344 = arith.cmpf ogt, %get3A_338, %gt3A : vector<128x512xf32>
      %eq3A = vector.broadcast %while3A_80#0 : vector<128x1xf32> to vector<128x512xf32>
      %eq3A_345 = arith.cmpf oeq, %get3A_338, %eq3A : vector<128x512xf32>
      %gt3A_346 = vector.broadcast %while3A_80#1 : vector<128x1xi32> to vector<128x512xi32>
      %gt3A_347 = arith.cmpi sgt, %add3A_343, %gt3A_346 : vector<128x512xi32>
      %and3A = arith.andi %eq3A_345, %gt3A_347 : vector<128x512xi1>
      %or3A = arith.ori %gt3A_344, %and3A : vector<128x512xi1>
      %jit3A = arith.constant 0x7F800000 : f32
      %broadcast_in_dim3A_348 = vector.broadcast %jit3A : f32 to vector<128x512xf32>
      %select_n3A = arith.select %or3A, %get3A_338, %broadcast_in_dim3A_348 : vector<128x512xi1>, vector<128x512xf32>
      %reduce_min3A = arith.constant dense<0x7F800000> : vector<128xf32>
      %reduce_min3A_349 = vector.multi_reduction <minimumf>, %select_n3A, %reduce_min3A [1] : vector<128x512xf32> to vector<128xf32>
      %broadcast_in_dim3A_350 = vector.shape_cast %reduce_min3A_349 : vector<128xf32> to vector<128x1xf32>
      %eq3A_351 = vector.broadcast %broadcast_in_dim3A_350 : vector<128x1xf32> to vector<128x512xf32>
      %eq3A_352 = arith.cmpf oeq, %get3A_338, %eq3A_351 : vector<128x512xf32>
      %and3A_353 = arith.andi %or3A, %eq3A_352 : vector<128x512xi1>
      %broadcast_in_dim3A_354 = vector.broadcast %while3A_89 : i32 to vector<128x512xi32>
      %select_n3A_355 = arith.select %and3A_353, %add3A_343, %broadcast_in_dim3A_354 : vector<128x512xi1>, vector<128x512xi32>
      %reduce_min3A_356 = arith.constant dense<2147483647> : vector<128xi32>
      %reduce_min3A_357 = vector.multi_reduction <minsi>, %select_n3A_355, %reduce_min3A_356 [1] : vector<128x512xi32> to vector<128xi32>
      %broadcast_in_dim3A_358 = vector.shape_cast %reduce_min3A_357 : vector<128xi32> to vector<128x1xi32>
      %lt3A = arith.cmpf olt, %broadcast_in_dim3A_350, %while3A_332 : vector<128x1xf32>
      %eq3A_359 = arith.cmpf oeq, %broadcast_in_dim3A_350, %while3A_332 : vector<128x1xf32>
      %lt3A_360 = arith.cmpi slt, %broadcast_in_dim3A_358, %while3A_333 : vector<128x1xi32>
      %and3A_361 = arith.andi %eq3A_359, %lt3A_360 : vector<128x1xi1>
      %or3A_362 = arith.ori %lt3A, %and3A_361 : vector<128x1xi1>
      %select_n3A_363 = arith.select %or3A_362, %broadcast_in_dim3A_350, %while3A_332 : vector<128x1xi1>, vector<128x1xf32>
      %select_n3A_364 = arith.select %or3A_362, %broadcast_in_dim3A_358, %while3A_333 : vector<128x1xi1>, vector<128x1xi32>
      scf.yield %select_n3A_363, %select_n3A_364 : vector<128x1xf32>, vector<128x1xi32>
    }
    %swap3A_100 = arith.constant 0 : index
    %swap3A_101 = arith.constant 3 : index
    %swap3A_102 = vector.load %arg7[%swap3A_100, %swap3A_101] : memref<128x16xi32, #tpu.memory_space<vmem>>, vector<128x1xi32>
    tpu.vector_store %arg7[%swap3A_100, %swap3A_101], %while3A_99#1 {strides = array<i32>} : memref<128x16xi32, #tpu.memory_space<vmem>>, vector<128x1xi32>,
    %add3A_103 = arith.addi %get3A_0, %get3A_2 : i32
    %broadcast_in_dim3A_104 = arith.constant 0x7F800000 : f32
    %broadcast_in_dim3A_105 = vector.broadcast %broadcast_in_dim3A_104 : f32 to vector<128x1xf32>
    %broadcast_in_dim3A_106 = arith.constant 1073741824 : i32
    %broadcast_in_dim3A_107 = vector.broadcast %broadcast_in_dim3A_106 : i32 to vector<128x1xi32>
    %while3A_108 = arith.constant 1073741824 : i32
    %while3A_109 = arith.subi %add3A_103, %get3A_0 : i32
    %while3A_110 = arith.addi %get3A_0, %while3A_109 : i32
    %while3A_111 = arith.constant 1 : i32
    %while3A_112 = arith.divsi %while3A_109, %while3A_111 : i32
    %while3A_113 = arith.muli %while3A_112, %while3A_111 : i32
    %while3A_114 = arith.addi %get3A_0, %while3A_113 : i32
    %while3A_115 = arith.constant 1 : i32
    %while3A_116:2 = scf.for %while3A_331 = %get3A_0 to %while3A_114 step %while3A_115 iter_args(%while3A_332 = %broadcast_in_dim3A_105, %while3A_333 = %broadcast_in_dim3A_107) -> (vector<128x1xf32>, vector<128x1xi32>)  : i32 {
      %get3A_334 = arith.index_cast %while3A_331 : i32 to index
      %get3A_335 = arith.constant 0 : index
      %get3A_336 = arith.constant 0 : index
      %get3A_337 = vector.load %arg8[%get3A_334, %get3A_335, %get3A_336] : memref<20x128x512xf32, #tpu.memory_space<vmem>>, vector<1x128x512xf32>
      %get3A_338 = vector.shape_cast %get3A_337 : vector<1x128x512xf32> to vector<128x512xf32>
      %iota3A_339 = tpu.iota {dimensions = array<i32: 1>} : vector<128x512xi32>
      %mul3A_340 = arith.constant 512 : i32
      %mul3A_341 = arith.muli %while3A_331, %mul3A_340 : i32
      %add3A_342 = vector.broadcast %mul3A_341 : i32 to vector<128x512xi32>
      %add3A_343 = arith.addi %iota3A_339, %add3A_342 : vector<128x512xi32>
      %gt3A = vector.broadcast %while3A_99#0 : vector<128x1xf32> to vector<128x512xf32>
      %gt3A_344 = arith.cmpf ogt, %get3A_338, %gt3A : vector<128x512xf32>
      %eq3A = vector.broadcast %while3A_99#0 : vector<128x1xf32> to vector<128x512xf32>
      %eq3A_345 = arith.cmpf oeq, %get3A_338, %eq3A : vector<128x512xf32>
      %gt3A_346 = vector.broadcast %while3A_99#1 : vector<128x1xi32> to vector<128x512xi32>
      %gt3A_347 = arith.cmpi sgt, %add3A_343, %gt3A_346 : vector<128x512xi32>
      %and3A = arith.andi %eq3A_345, %gt3A_347 : vector<128x512xi1>
      %or3A = arith.ori %gt3A_344, %and3A : vector<128x512xi1>
      %jit3A = arith.constant 0x7F800000 : f32
      %broadcast_in_dim3A_348 = vector.broadcast %jit3A : f32 to vector<128x512xf32>
      %select_n3A = arith.select %or3A, %get3A_338, %broadcast_in_dim3A_348 : vector<128x512xi1>, vector<128x512xf32>
      %reduce_min3A = arith.constant dense<0x7F800000> : vector<128xf32>
      %reduce_min3A_349 = vector.multi_reduction <minimumf>, %select_n3A, %reduce_min3A [1] : vector<128x512xf32> to vector<128xf32>
      %broadcast_in_dim3A_350 = vector.shape_cast %reduce_min3A_349 : vector<128xf32> to vector<128x1xf32>
      %eq3A_351 = vector.broadcast %broadcast_in_dim3A_350 : vector<128x1xf32> to vector<128x512xf32>
      %eq3A_352 = arith.cmpf oeq, %get3A_338, %eq3A_351 : vector<128x512xf32>
      %and3A_353 = arith.andi %or3A, %eq3A_352 : vector<128x512xi1>
      %broadcast_in_dim3A_354 = vector.broadcast %while3A_108 : i32 to vector<128x512xi32>
      %select_n3A_355 = arith.select %and3A_353, %add3A_343, %broadcast_in_dim3A_354 : vector<128x512xi1>, vector<128x512xi32>
      %reduce_min3A_356 = arith.constant dense<2147483647> : vector<128xi32>
      %reduce_min3A_357 = vector.multi_reduction <minsi>, %select_n3A_355, %reduce_min3A_356 [1] : vector<128x512xi32> to vector<128xi32>
      %broadcast_in_dim3A_358 = vector.shape_cast %reduce_min3A_357 : vector<128xi32> to vector<128x1xi32>
      %lt3A = arith.cmpf olt, %broadcast_in_dim3A_350, %while3A_332 : vector<128x1xf32>
      %eq3A_359 = arith.cmpf oeq, %broadcast_in_dim3A_350, %while3A_332 : vector<128x1xf32>
      %lt3A_360 = arith.cmpi slt, %broadcast_in_dim3A_358, %while3A_333 : vector<128x1xi32>
      %and3A_361 = arith.andi %eq3A_359, %lt3A_360 : vector<128x1xi1>
      %or3A_362 = arith.ori %lt3A, %and3A_361 : vector<128x1xi1>
      %select_n3A_363 = arith.select %or3A_362, %broadcast_in_dim3A_350, %while3A_332 : vector<128x1xi1>, vector<128x1xf32>
      %select_n3A_364 = arith.select %or3A_362, %broadcast_in_dim3A_358, %while3A_333 : vector<128x1xi1>, vector<128x1xi32>
      scf.yield %select_n3A_363, %select_n3A_364 : vector<128x1xf32>, vector<128x1xi32>
    }
    %while3A_117 = arith.constant 1 : i32
    %while3A_118:2 = scf.for %while3A_331 = %while3A_114 to %while3A_110 step %while3A_117 iter_args(%while3A_332 = %while3A_116#0, %while3A_333 = %while3A_116#1) -> (vector<128x1xf32>, vector<128x1xi32>)  : i32 {
      %get3A_334 = arith.index_cast %while3A_331 : i32 to index
      %get3A_335 = arith.constant 0 : index
      %get3A_336 = arith.constant 0 : index
      %get3A_337 = vector.load %arg8[%get3A_334, %get3A_335, %get3A_336] : memref<20x128x512xf32, #tpu.memory_space<vmem>>, vector<1x128x512xf32>
      %get3A_338 = vector.shape_cast %get3A_337 : vector<1x128x512xf32> to vector<128x512xf32>
      %iota3A_339 = tpu.iota {dimensions = array<i32: 1>} : vector<128x512xi32>
      %mul3A_340 = arith.constant 512 : i32
      %mul3A_341 = arith.muli %while3A_331, %mul3A_340 : i32
      %add3A_342 = vector.broadcast %mul3A_341 : i32 to vector<128x512xi32>
      %add3A_343 = arith.addi %iota3A_339, %add3A_342 : vector<128x512xi32>
      %gt3A = vector.broadcast %while3A_99#0 : vector<128x1xf32> to vector<128x512xf32>
      %gt3A_344 = arith.cmpf ogt, %get3A_338, %gt3A : vector<128x512xf32>
      %eq3A = vector.broadcast %while3A_99#0 : vector<128x1xf32> to vector<128x512xf32>
      %eq3A_345 = arith.cmpf oeq, %get3A_338, %eq3A : vector<128x512xf32>
      %gt3A_346 = vector.broadcast %while3A_99#1 : vector<128x1xi32> to vector<128x512xi32>
      %gt3A_347 = arith.cmpi sgt, %add3A_343, %gt3A_346 : vector<128x512xi32>
      %and3A = arith.andi %eq3A_345, %gt3A_347 : vector<128x512xi1>
      %or3A = arith.ori %gt3A_344, %and3A : vector<128x512xi1>
      %jit3A = arith.constant 0x7F800000 : f32
      %broadcast_in_dim3A_348 = vector.broadcast %jit3A : f32 to vector<128x512xf32>
      %select_n3A = arith.select %or3A, %get3A_338, %broadcast_in_dim3A_348 : vector<128x512xi1>, vector<128x512xf32>
      %reduce_min3A = arith.constant dense<0x7F800000> : vector<128xf32>
      %reduce_min3A_349 = vector.multi_reduction <minimumf>, %select_n3A, %reduce_min3A [1] : vector<128x512xf32> to vector<128xf32>
      %broadcast_in_dim3A_350 = vector.shape_cast %reduce_min3A_349 : vector<128xf32> to vector<128x1xf32>
      %eq3A_351 = vector.broadcast %broadcast_in_dim3A_350 : vector<128x1xf32> to vector<128x512xf32>
      %eq3A_352 = arith.cmpf oeq, %get3A_338, %eq3A_351 : vector<128x512xf32>
      %and3A_353 = arith.andi %or3A, %eq3A_352 : vector<128x512xi1>
      %broadcast_in_dim3A_354 = vector.broadcast %while3A_108 : i32 to vector<128x512xi32>
      %select_n3A_355 = arith.select %and3A_353, %add3A_343, %broadcast_in_dim3A_354 : vector<128x512xi1>, vector<128x512xi32>
      %reduce_min3A_356 = arith.constant dense<2147483647> : vector<128xi32>
      %reduce_min3A_357 = vector.multi_reduction <minsi>, %select_n3A_355, %reduce_min3A_356 [1] : vector<128x512xi32> to vector<128xi32>
      %broadcast_in_dim3A_358 = vector.shape_cast %reduce_min3A_357 : vector<128xi32> to vector<128x1xi32>
      %lt3A = arith.cmpf olt, %broadcast_in_dim3A_350, %while3A_332 : vector<128x1xf32>
      %eq3A_359 = arith.cmpf oeq, %broadcast_in_dim3A_350, %while3A_332 : vector<128x1xf32>
      %lt3A_360 = arith.cmpi slt, %broadcast_in_dim3A_358, %while3A_333 : vector<128x1xi32>
      %and3A_361 = arith.andi %eq3A_359, %lt3A_360 : vector<128x1xi1>
      %or3A_362 = arith.ori %lt3A, %and3A_361 : vector<128x1xi1>
      %select_n3A_363 = arith.select %or3A_362, %broadcast_in_dim3A_350, %while3A_332 : vector<128x1xi1>, vector<128x1xf32>
      %select_n3A_364 = arith.select %or3A_362, %broadcast_in_dim3A_358, %while3A_333 : vector<128x1xi1>, vector<128x1xi32>
      scf.yield %select_n3A_363, %select_n3A_364 : vector<128x1xf32>, vector<128x1xi32>
    }
    %swap3A_119 = arith.constant 0 : index
    %swap3A_120 = arith.constant 4 : index
    %swap3A_121 = vector.load %arg7[%swap3A_119, %swap3A_120] : memref<128x16xi32, #tpu.memory_space<vmem>>, vector<128x1xi32>
    tpu.vector_store %arg7[%swap3A_119, %swap3A_120], %while3A_118#1 {strides = array<i32>} : memref<128x16xi32, #tpu.memory_space<vmem>>, vector<128x1xi32>,
    %add3A_122 = arith.addi %get3A_0, %get3A_2 : i32
    %broadcast_in_dim3A_123 = arith.constant 0x7F800000 : f32
    %broadcast_in_dim3A_124 = vector.broadcast %broadcast_in_dim3A_123 : f32 to vector<128x1xf32>
    %broadcast_in_dim3A_125 = arith.constant 1073741824 : i32
    %broadcast_in_dim3A_126 = vector.broadcast %broadcast_in_dim3A_125 : i32 to vector<128x1xi32>
    %while3A_127 = arith.constant 1073741824 : i32
    %while3A_128 = arith.subi %add3A_122, %get3A_0 : i32
    %while3A_129 = arith.addi %get3A_0, %while3A_128 : i32
    %while3A_130 = arith.constant 1 : i32
    %while3A_131 = arith.divsi %while3A_128, %while3A_130 : i32
    %while3A_132 = arith.muli %while3A_131, %while3A_130 : i32
    %while3A_133 = arith.addi %get3A_0, %while3A_132 : i32
    %while3A_134 = arith.constant 1 : i32
    %while3A_135:2 = scf.for %while3A_331 = %get3A_0 to %while3A_133 step %while3A_134 iter_args(%while3A_332 = %broadcast_in_dim3A_124, %while3A_333 = %broadcast_in_dim3A_126) -> (vector<128x1xf32>, vector<128x1xi32>)  : i32 {
      %get3A_334 = arith.index_cast %while3A_331 : i32 to index
      %get3A_335 = arith.constant 0 : index
      %get3A_336 = arith.constant 0 : index
      %get3A_337 = vector.load %arg8[%get3A_334, %get3A_335, %get3A_336] : memref<20x128x512xf32, #tpu.memory_space<vmem>>, vector<1x128x512xf32>
      %get3A_338 = vector.shape_cast %get3A_337 : vector<1x128x512xf32> to vector<128x512xf32>
      %iota3A_339 = tpu.iota {dimensions = array<i32: 1>} : vector<128x512xi32>
      %mul3A_340 = arith.constant 512 : i32
      %mul3A_341 = arith.muli %while3A_331, %mul3A_340 : i32
      %add3A_342 = vector.broadcast %mul3A_341 : i32 to vector<128x512xi32>
      %add3A_343 = arith.addi %iota3A_339, %add3A_342 : vector<128x512xi32>
      %gt3A = vector.broadcast %while3A_118#0 : vector<128x1xf32> to vector<128x512xf32>
      %gt3A_344 = arith.cmpf ogt, %get3A_338, %gt3A : vector<128x512xf32>
      %eq3A = vector.broadcast %while3A_118#0 : vector<128x1xf32> to vector<128x512xf32>
      %eq3A_345 = arith.cmpf oeq, %get3A_338, %eq3A : vector<128x512xf32>
      %gt3A_346 = vector.broadcast %while3A_118#1 : vector<128x1xi32> to vector<128x512xi32>
      %gt3A_347 = arith.cmpi sgt, %add3A_343, %gt3A_346 : vector<128x512xi32>
      %and3A = arith.andi %eq3A_345, %gt3A_347 : vector<128x512xi1>
      %or3A = arith.ori %gt3A_344, %and3A : vector<128x512xi1>
      %jit3A = arith.constant 0x7F800000 : f32
      %broadcast_in_dim3A_348 = vector.broadcast %jit3A : f32 to vector<128x512xf32>
      %select_n3A = arith.select %or3A, %get3A_338, %broadcast_in_dim3A_348 : vector<128x512xi1>, vector<128x512xf32>
      %reduce_min3A = arith.constant dense<0x7F800000> : vector<128xf32>
      %reduce_min3A_349 = vector.multi_reduction <minimumf>, %select_n3A, %reduce_min3A [1] : vector<128x512xf32> to vector<128xf32>
      %broadcast_in_dim3A_350 = vector.shape_cast %reduce_min3A_349 : vector<128xf32> to vector<128x1xf32>
      %eq3A_351 = vector.broadcast %broadcast_in_dim3A_350 : vector<128x1xf32> to vector<128x512xf32>
      %eq3A_352 = arith.cmpf oeq, %get3A_338, %eq3A_351 : vector<128x512xf32>
      %and3A_353 = arith.andi %or3A, %eq3A_352 : vector<128x512xi1>
      %broadcast_in_dim3A_354 = vector.broadcast %while3A_127 : i32 to vector<128x512xi32>
      %select_n3A_355 = arith.select %and3A_353, %add3A_343, %broadcast_in_dim3A_354 : vector<128x512xi1>, vector<128x512xi32>
      %reduce_min3A_356 = arith.constant dense<2147483647> : vector<128xi32>
      %reduce_min3A_357 = vector.multi_reduction <minsi>, %select_n3A_355, %reduce_min3A_356 [1] : vector<128x512xi32> to vector<128xi32>
      %broadcast_in_dim3A_358 = vector.shape_cast %reduce_min3A_357 : vector<128xi32> to vector<128x1xi32>
      %lt3A = arith.cmpf olt, %broadcast_in_dim3A_350, %while3A_332 : vector<128x1xf32>
      %eq3A_359 = arith.cmpf oeq, %broadcast_in_dim3A_350, %while3A_332 : vector<128x1xf32>
      %lt3A_360 = arith.cmpi slt, %broadcast_in_dim3A_358, %while3A_333 : vector<128x1xi32>
      %and3A_361 = arith.andi %eq3A_359, %lt3A_360 : vector<128x1xi1>
      %or3A_362 = arith.ori %lt3A, %and3A_361 : vector<128x1xi1>
      %select_n3A_363 = arith.select %or3A_362, %broadcast_in_dim3A_350, %while3A_332 : vector<128x1xi1>, vector<128x1xf32>
      %select_n3A_364 = arith.select %or3A_362, %broadcast_in_dim3A_358, %while3A_333 : vector<128x1xi1>, vector<128x1xi32>
      scf.yield %select_n3A_363, %select_n3A_364 : vector<128x1xf32>, vector<128x1xi32>
    }
    %while3A_136 = arith.constant 1 : i32
    %while3A_137:2 = scf.for %while3A_331 = %while3A_133 to %while3A_129 step %while3A_136 iter_args(%while3A_332 = %while3A_135#0, %while3A_333 = %while3A_135#1) -> (vector<128x1xf32>, vector<128x1xi32>)  : i32 {
      %get3A_334 = arith.index_cast %while3A_331 : i32 to index
      %get3A_335 = arith.constant 0 : index
      %get3A_336 = arith.constant 0 : index
      %get3A_337 = vector.load %arg8[%get3A_334, %get3A_335, %get3A_336] : memref<20x128x512xf32, #tpu.memory_space<vmem>>, vector<1x128x512xf32>
      %get3A_338 = vector.shape_cast %get3A_337 : vector<1x128x512xf32> to vector<128x512xf32>
      %iota3A_339 = tpu.iota {dimensions = array<i32: 1>} : vector<128x512xi32>
      %mul3A_340 = arith.constant 512 : i32
      %mul3A_341 = arith.muli %while3A_331, %mul3A_340 : i32
      %add3A_342 = vector.broadcast %mul3A_341 : i32 to vector<128x512xi32>
      %add3A_343 = arith.addi %iota3A_339, %add3A_342 : vector<128x512xi32>
      %gt3A = vector.broadcast %while3A_118#0 : vector<128x1xf32> to vector<128x512xf32>
      %gt3A_344 = arith.cmpf ogt, %get3A_338, %gt3A : vector<128x512xf32>
      %eq3A = vector.broadcast %while3A_118#0 : vector<128x1xf32> to vector<128x512xf32>
      %eq3A_345 = arith.cmpf oeq, %get3A_338, %eq3A : vector<128x512xf32>
      %gt3A_346 = vector.broadcast %while3A_118#1 : vector<128x1xi32> to vector<128x512xi32>
      %gt3A_347 = arith.cmpi sgt, %add3A_343, %gt3A_346 : vector<128x512xi32>
      %and3A = arith.andi %eq3A_345, %gt3A_347 : vector<128x512xi1>
      %or3A = arith.ori %gt3A_344, %and3A : vector<128x512xi1>
      %jit3A = arith.constant 0x7F800000 : f32
      %broadcast_in_dim3A_348 = vector.broadcast %jit3A : f32 to vector<128x512xf32>
      %select_n3A = arith.select %or3A, %get3A_338, %broadcast_in_dim3A_348 : vector<128x512xi1>, vector<128x512xf32>
      %reduce_min3A = arith.constant dense<0x7F800000> : vector<128xf32>
      %reduce_min3A_349 = vector.multi_reduction <minimumf>, %select_n3A, %reduce_min3A [1] : vector<128x512xf32> to vector<128xf32>
      %broadcast_in_dim3A_350 = vector.shape_cast %reduce_min3A_349 : vector<128xf32> to vector<128x1xf32>
      %eq3A_351 = vector.broadcast %broadcast_in_dim3A_350 : vector<128x1xf32> to vector<128x512xf32>
      %eq3A_352 = arith.cmpf oeq, %get3A_338, %eq3A_351 : vector<128x512xf32>
      %and3A_353 = arith.andi %or3A, %eq3A_352 : vector<128x512xi1>
      %broadcast_in_dim3A_354 = vector.broadcast %while3A_127 : i32 to vector<128x512xi32>
      %select_n3A_355 = arith.select %and3A_353, %add3A_343, %broadcast_in_dim3A_354 : vector<128x512xi1>, vector<128x512xi32>
      %reduce_min3A_356 = arith.constant dense<2147483647> : vector<128xi32>
      %reduce_min3A_357 = vector.multi_reduction <minsi>, %select_n3A_355, %reduce_min3A_356 [1] : vector<128x512xi32> to vector<128xi32>
      %broadcast_in_dim3A_358 = vector.shape_cast %reduce_min3A_357 : vector<128xi32> to vector<128x1xi32>
      %lt3A = arith.cmpf olt, %broadcast_in_dim3A_350, %while3A_332 : vector<128x1xf32>
      %eq3A_359 = arith.cmpf oeq, %broadcast_in_dim3A_350, %while3A_332 : vector<128x1xf32>
      %lt3A_360 = arith.cmpi slt, %broadcast_in_dim3A_358, %while3A_333 : vector<128x1xi32>
      %and3A_361 = arith.andi %eq3A_359, %lt3A_360 : vector<128x1xi1>
      %or3A_362 = arith.ori %lt3A, %and3A_361 : vector<128x1xi1>
      %select_n3A_363 = arith.select %or3A_362, %broadcast_in_dim3A_350, %while3A_332 : vector<128x1xi1>, vector<128x1xf32>
      %select_n3A_364 = arith.select %or3A_362, %broadcast_in_dim3A_358, %while3A_333 : vector<128x1xi1>, vector<128x1xi32>
      scf.yield %select_n3A_363, %select_n3A_364 : vector<128x1xf32>, vector<128x1xi32>
    }
    %swap3A_138 = arith.constant 0 : index
    %swap3A_139 = arith.constant 5 : index
    %swap3A_140 = vector.load %arg7[%swap3A_138, %swap3A_139] : memref<128x16xi32, #tpu.memory_space<vmem>>, vector<128x1xi32>
    tpu.vector_store %arg7[%swap3A_138, %swap3A_139], %while3A_137#1 {strides = array<i32>} : memref<128x16xi32, #tpu.memory_space<vmem>>, vector<128x1xi32>,
    %add3A_141 = arith.addi %get3A_0, %get3A_2 : i32
    %broadcast_in_dim3A_142 = arith.constant 0x7F800000 : f32
    %broadcast_in_dim3A_143 = vector.broadcast %broadcast_in_dim3A_142 : f32 to vector<128x1xf32>
    %broadcast_in_dim3A_144 = arith.constant 1073741824 : i32
    %broadcast_in_dim3A_145 = vector.broadcast %broadcast_in_dim3A_144 : i32 to vector<128x1xi32>
    %while3A_146 = arith.constant 1073741824 : i32
    %while3A_147 = arith.subi %add3A_141, %get3A_0 : i32
    %while3A_148 = arith.addi %get3A_0, %while3A_147 : i32
    %while3A_149 = arith.constant 1 : i32
    %while3A_150 = arith.divsi %while3A_147, %while3A_149 : i32
    %while3A_151 = arith.muli %while3A_150, %while3A_149 : i32
    %while3A_152 = arith.addi %get3A_0, %while3A_151 : i32
    %while3A_153 = arith.constant 1 : i32
    %while3A_154:2 = scf.for %while3A_331 = %get3A_0 to %while3A_152 step %while3A_153 iter_args(%while3A_332 = %broadcast_in_dim3A_143, %while3A_333 = %broadcast_in_dim3A_145) -> (vector<128x1xf32>, vector<128x1xi32>)  : i32 {
      %get3A_334 = arith.index_cast %while3A_331 : i32 to index
      %get3A_335 = arith.constant 0 : index
      %get3A_336 = arith.constant 0 : index
      %get3A_337 = vector.load %arg8[%get3A_334, %get3A_335, %get3A_336] : memref<20x128x512xf32, #tpu.memory_space<vmem>>, vector<1x128x512xf32>
      %get3A_338 = vector.shape_cast %get3A_337 : vector<1x128x512xf32> to vector<128x512xf32>
      %iota3A_339 = tpu.iota {dimensions = array<i32: 1>} : vector<128x512xi32>
      %mul3A_340 = arith.constant 512 : i32
      %mul3A_341 = arith.muli %while3A_331, %mul3A_340 : i32
      %add3A_342 = vector.broadcast %mul3A_341 : i32 to vector<128x512xi32>
      %add3A_343 = arith.addi %iota3A_339, %add3A_342 : vector<128x512xi32>
      %gt3A = vector.broadcast %while3A_137#0 : vector<128x1xf32> to vector<128x512xf32>
      %gt3A_344 = arith.cmpf ogt, %get3A_338, %gt3A : vector<128x512xf32>
      %eq3A = vector.broadcast %while3A_137#0 : vector<128x1xf32> to vector<128x512xf32>
      %eq3A_345 = arith.cmpf oeq, %get3A_338, %eq3A : vector<128x512xf32>
      %gt3A_346 = vector.broadcast %while3A_137#1 : vector<128x1xi32> to vector<128x512xi32>
      %gt3A_347 = arith.cmpi sgt, %add3A_343, %gt3A_346 : vector<128x512xi32>
      %and3A = arith.andi %eq3A_345, %gt3A_347 : vector<128x512xi1>
      %or3A = arith.ori %gt3A_344, %and3A : vector<128x512xi1>
      %jit3A = arith.constant 0x7F800000 : f32
      %broadcast_in_dim3A_348 = vector.broadcast %jit3A : f32 to vector<128x512xf32>
      %select_n3A = arith.select %or3A, %get3A_338, %broadcast_in_dim3A_348 : vector<128x512xi1>, vector<128x512xf32>
      %reduce_min3A = arith.constant dense<0x7F800000> : vector<128xf32>
      %reduce_min3A_349 = vector.multi_reduction <minimumf>, %select_n3A, %reduce_min3A [1] : vector<128x512xf32> to vector<128xf32>
      %broadcast_in_dim3A_350 = vector.shape_cast %reduce_min3A_349 : vector<128xf32> to vector<128x1xf32>
      %eq3A_351 = vector.broadcast %broadcast_in_dim3A_350 : vector<128x1xf32> to vector<128x512xf32>
      %eq3A_352 = arith.cmpf oeq, %get3A_338, %eq3A_351 : vector<128x512xf32>
      %and3A_353 = arith.andi %or3A, %eq3A_352 : vector<128x512xi1>
      %broadcast_in_dim3A_354 = vector.broadcast %while3A_146 : i32 to vector<128x512xi32>
      %select_n3A_355 = arith.select %and3A_353, %add3A_343, %broadcast_in_dim3A_354 : vector<128x512xi1>, vector<128x512xi32>
      %reduce_min3A_356 = arith.constant dense<2147483647> : vector<128xi32>
      %reduce_min3A_357 = vector.multi_reduction <minsi>, %select_n3A_355, %reduce_min3A_356 [1] : vector<128x512xi32> to vector<128xi32>
      %broadcast_in_dim3A_358 = vector.shape_cast %reduce_min3A_357 : vector<128xi32> to vector<128x1xi32>
      %lt3A = arith.cmpf olt, %broadcast_in_dim3A_350, %while3A_332 : vector<128x1xf32>
      %eq3A_359 = arith.cmpf oeq, %broadcast_in_dim3A_350, %while3A_332 : vector<128x1xf32>
      %lt3A_360 = arith.cmpi slt, %broadcast_in_dim3A_358, %while3A_333 : vector<128x1xi32>
      %and3A_361 = arith.andi %eq3A_359, %lt3A_360 : vector<128x1xi1>
      %or3A_362 = arith.ori %lt3A, %and3A_361 : vector<128x1xi1>
      %select_n3A_363 = arith.select %or3A_362, %broadcast_in_dim3A_350, %while3A_332 : vector<128x1xi1>, vector<128x1xf32>
      %select_n3A_364 = arith.select %or3A_362, %broadcast_in_dim3A_358, %while3A_333 : vector<128x1xi1>, vector<128x1xi32>
      scf.yield %select_n3A_363, %select_n3A_364 : vector<128x1xf32>, vector<128x1xi32>
    }
    %while3A_155 = arith.constant 1 : i32
    %while3A_156:2 = scf.for %while3A_331 = %while3A_152 to %while3A_148 step %while3A_155 iter_args(%while3A_332 = %while3A_154#0, %while3A_333 = %while3A_154#1) -> (vector<128x1xf32>, vector<128x1xi32>)  : i32 {
      %get3A_334 = arith.index_cast %while3A_331 : i32 to index
      %get3A_335 = arith.constant 0 : index
      %get3A_336 = arith.constant 0 : index
      %get3A_337 = vector.load %arg8[%get3A_334, %get3A_335, %get3A_336] : memref<20x128x512xf32, #tpu.memory_space<vmem>>, vector<1x128x512xf32>
      %get3A_338 = vector.shape_cast %get3A_337 : vector<1x128x512xf32> to vector<128x512xf32>
      %iota3A_339 = tpu.iota {dimensions = array<i32: 1>} : vector<128x512xi32>
      %mul3A_340 = arith.constant 512 : i32
      %mul3A_341 = arith.muli %while3A_331, %mul3A_340 : i32
      %add3A_342 = vector.broadcast %mul3A_341 : i32 to vector<128x512xi32>
      %add3A_343 = arith.addi %iota3A_339, %add3A_342 : vector<128x512xi32>
      %gt3A = vector.broadcast %while3A_137#0 : vector<128x1xf32> to vector<128x512xf32>
      %gt3A_344 = arith.cmpf ogt, %get3A_338, %gt3A : vector<128x512xf32>
      %eq3A = vector.broadcast %while3A_137#0 : vector<128x1xf32> to vector<128x512xf32>
      %eq3A_345 = arith.cmpf oeq, %get3A_338, %eq3A : vector<128x512xf32>
      %gt3A_346 = vector.broadcast %while3A_137#1 : vector<128x1xi32> to vector<128x512xi32>
      %gt3A_347 = arith.cmpi sgt, %add3A_343, %gt3A_346 : vector<128x512xi32>
      %and3A = arith.andi %eq3A_345, %gt3A_347 : vector<128x512xi1>
      %or3A = arith.ori %gt3A_344, %and3A : vector<128x512xi1>
      %jit3A = arith.constant 0x7F800000 : f32
      %broadcast_in_dim3A_348 = vector.broadcast %jit3A : f32 to vector<128x512xf32>
      %select_n3A = arith.select %or3A, %get3A_338, %broadcast_in_dim3A_348 : vector<128x512xi1>, vector<128x512xf32>
      %reduce_min3A = arith.constant dense<0x7F800000> : vector<128xf32>
      %reduce_min3A_349 = vector.multi_reduction <minimumf>, %select_n3A, %reduce_min3A [1] : vector<128x512xf32> to vector<128xf32>
      %broadcast_in_dim3A_350 = vector.shape_cast %reduce_min3A_349 : vector<128xf32> to vector<128x1xf32>
      %eq3A_351 = vector.broadcast %broadcast_in_dim3A_350 : vector<128x1xf32> to vector<128x512xf32>
      %eq3A_352 = arith.cmpf oeq, %get3A_338, %eq3A_351 : vector<128x512xf32>
      %and3A_353 = arith.andi %or3A, %eq3A_352 : vector<128x512xi1>
      %broadcast_in_dim3A_354 = vector.broadcast %while3A_146 : i32 to vector<128x512xi32>
      %select_n3A_355 = arith.select %and3A_353, %add3A_343, %broadcast_in_dim3A_354 : vector<128x512xi1>, vector<128x512xi32>
      %reduce_min3A_356 = arith.constant dense<2147483647> : vector<128xi32>
      %reduce_min3A_357 = vector.multi_reduction <minsi>, %select_n3A_355, %reduce_min3A_356 [1] : vector<128x512xi32> to vector<128xi32>
      %broadcast_in_dim3A_358 = vector.shape_cast %reduce_min3A_357 : vector<128xi32> to vector<128x1xi32>
      %lt3A = arith.cmpf olt, %broadcast_in_dim3A_350, %while3A_332 : vector<128x1xf32>
      %eq3A_359 = arith.cmpf oeq, %broadcast_in_dim3A_350, %while3A_332 : vector<128x1xf32>
      %lt3A_360 = arith.cmpi slt, %broadcast_in_dim3A_358, %while3A_333 : vector<128x1xi32>
      %and3A_361 = arith.andi %eq3A_359, %lt3A_360 : vector<128x1xi1>
      %or3A_362 = arith.ori %lt3A, %and3A_361 : vector<128x1xi1>
      %select_n3A_363 = arith.select %or3A_362, %broadcast_in_dim3A_350, %while3A_332 : vector<128x1xi1>, vector<128x1xf32>
      %select_n3A_364 = arith.select %or3A_362, %broadcast_in_dim3A_358, %while3A_333 : vector<128x1xi1>, vector<128x1xi32>
      scf.yield %select_n3A_363, %select_n3A_364 : vector<128x1xf32>, vector<128x1xi32>
    }
    %swap3A_157 = arith.constant 0 : index
    %swap3A_158 = arith.constant 6 : index
    %swap3A_159 = vector.load %arg7[%swap3A_157, %swap3A_158] : memref<128x16xi32, #tpu.memory_space<vmem>>, vector<128x1xi32>
    tpu.vector_store %arg7[%swap3A_157, %swap3A_158], %while3A_156#1 {strides = array<i32>} : memref<128x16xi32, #tpu.memory_space<vmem>>, vector<128x1xi32>,
    %add3A_160 = arith.addi %get3A_0, %get3A_2 : i32
    %broadcast_in_dim3A_161 = arith.constant 0x7F800000 : f32
    %broadcast_in_dim3A_162 = vector.broadcast %broadcast_in_dim3A_161 : f32 to vector<128x1xf32>
    %broadcast_in_dim3A_163 = arith.constant 1073741824 : i32
    %broadcast_in_dim3A_164 = vector.broadcast %broadcast_in_dim3A_163 : i32 to vector<128x1xi32>
    %while3A_165 = arith.constant 1073741824 : i32
    %while3A_166 = arith.subi %add3A_160, %get3A_0 : i32
    %while3A_167 = arith.addi %get3A_0, %while3A_166 : i32
    %while3A_168 = arith.constant 1 : i32
    %while3A_169 = arith.divsi %while3A_166, %while3A_168 : i32
    %while3A_170 = arith.muli %while3A_169, %while3A_168 : i32
    %while3A_171 = arith.addi %get3A_0, %while3A_170 : i32
    %while3A_172 = arith.constant 1 : i32
    %while3A_173:2 = scf.for %while3A_331 = %get3A_0 to %while3A_171 step %while3A_172 iter_args(%while3A_332 = %broadcast_in_dim3A_162, %while3A_333 = %broadcast_in_dim3A_164) -> (vector<128x1xf32>, vector<128x1xi32>)  : i32 {
      %get3A_334 = arith.index_cast %while3A_331 : i32 to index
      %get3A_335 = arith.constant 0 : index
      %get3A_336 = arith.constant 0 : index
      %get3A_337 = vector.load %arg8[%get3A_334, %get3A_335, %get3A_336] : memref<20x128x512xf32, #tpu.memory_space<vmem>>, vector<1x128x512xf32>
      %get3A_338 = vector.shape_cast %get3A_337 : vector<1x128x512xf32> to vector<128x512xf32>
      %iota3A_339 = tpu.iota {dimensions = array<i32: 1>} : vector<128x512xi32>
      %mul3A_340 = arith.constant 512 : i32
      %mul3A_341 = arith.muli %while3A_331, %mul3A_340 : i32
      %add3A_342 = vector.broadcast %mul3A_341 : i32 to vector<128x512xi32>
      %add3A_343 = arith.addi %iota3A_339, %add3A_342 : vector<128x512xi32>
      %gt3A = vector.broadcast %while3A_156#0 : vector<128x1xf32> to vector<128x512xf32>
      %gt3A_344 = arith.cmpf ogt, %get3A_338, %gt3A : vector<128x512xf32>
      %eq3A = vector.broadcast %while3A_156#0 : vector<128x1xf32> to vector<128x512xf32>
      %eq3A_345 = arith.cmpf oeq, %get3A_338, %eq3A : vector<128x512xf32>
      %gt3A_346 = vector.broadcast %while3A_156#1 : vector<128x1xi32> to vector<128x512xi32>
      %gt3A_347 = arith.cmpi sgt, %add3A_343, %gt3A_346 : vector<128x512xi32>
      %and3A = arith.andi %eq3A_345, %gt3A_347 : vector<128x512xi1>
      %or3A = arith.ori %gt3A_344, %and3A : vector<128x512xi1>
      %jit3A = arith.constant 0x7F800000 : f32
      %broadcast_in_dim3A_348 = vector.broadcast %jit3A : f32 to vector<128x512xf32>
      %select_n3A = arith.select %or3A, %get3A_338, %broadcast_in_dim3A_348 : vector<128x512xi1>, vector<128x512xf32>
      %reduce_min3A = arith.constant dense<0x7F800000> : vector<128xf32>
      %reduce_min3A_349 = vector.multi_reduction <minimumf>, %select_n3A, %reduce_min3A [1] : vector<128x512xf32> to vector<128xf32>
      %broadcast_in_dim3A_350 = vector.shape_cast %reduce_min3A_349 : vector<128xf32> to vector<128x1xf32>
      %eq3A_351 = vector.broadcast %broadcast_in_dim3A_350 : vector<128x1xf32> to vector<128x512xf32>
      %eq3A_352 = arith.cmpf oeq, %get3A_338, %eq3A_351 : vector<128x512xf32>
      %and3A_353 = arith.andi %or3A, %eq3A_352 : vector<128x512xi1>
      %broadcast_in_dim3A_354 = vector.broadcast %while3A_165 : i32 to vector<128x512xi32>
      %select_n3A_355 = arith.select %and3A_353, %add3A_343, %broadcast_in_dim3A_354 : vector<128x512xi1>, vector<128x512xi32>
      %reduce_min3A_356 = arith.constant dense<2147483647> : vector<128xi32>
      %reduce_min3A_357 = vector.multi_reduction <minsi>, %select_n3A_355, %reduce_min3A_356 [1] : vector<128x512xi32> to vector<128xi32>
      %broadcast_in_dim3A_358 = vector.shape_cast %reduce_min3A_357 : vector<128xi32> to vector<128x1xi32>
      %lt3A = arith.cmpf olt, %broadcast_in_dim3A_350, %while3A_332 : vector<128x1xf32>
      %eq3A_359 = arith.cmpf oeq, %broadcast_in_dim3A_350, %while3A_332 : vector<128x1xf32>
      %lt3A_360 = arith.cmpi slt, %broadcast_in_dim3A_358, %while3A_333 : vector<128x1xi32>
      %and3A_361 = arith.andi %eq3A_359, %lt3A_360 : vector<128x1xi1>
      %or3A_362 = arith.ori %lt3A, %and3A_361 : vector<128x1xi1>
      %select_n3A_363 = arith.select %or3A_362, %broadcast_in_dim3A_350, %while3A_332 : vector<128x1xi1>, vector<128x1xf32>
      %select_n3A_364 = arith.select %or3A_362, %broadcast_in_dim3A_358, %while3A_333 : vector<128x1xi1>, vector<128x1xi32>
      scf.yield %select_n3A_363, %select_n3A_364 : vector<128x1xf32>, vector<128x1xi32>
    }
    %while3A_174 = arith.constant 1 : i32
    %while3A_175:2 = scf.for %while3A_331 = %while3A_171 to %while3A_167 step %while3A_174 iter_args(%while3A_332 = %while3A_173#0, %while3A_333 = %while3A_173#1) -> (vector<128x1xf32>, vector<128x1xi32>)  : i32 {
      %get3A_334 = arith.index_cast %while3A_331 : i32 to index
      %get3A_335 = arith.constant 0 : index
      %get3A_336 = arith.constant 0 : index
      %get3A_337 = vector.load %arg8[%get3A_334, %get3A_335, %get3A_336] : memref<20x128x512xf32, #tpu.memory_space<vmem>>, vector<1x128x512xf32>
      %get3A_338 = vector.shape_cast %get3A_337 : vector<1x128x512xf32> to vector<128x512xf32>
      %iota3A_339 = tpu.iota {dimensions = array<i32: 1>} : vector<128x512xi32>
      %mul3A_340 = arith.constant 512 : i32
      %mul3A_341 = arith.muli %while3A_331, %mul3A_340 : i32
      %add3A_342 = vector.broadcast %mul3A_341 : i32 to vector<128x512xi32>
      %add3A_343 = arith.addi %iota3A_339, %add3A_342 : vector<128x512xi32>
      %gt3A = vector.broadcast %while3A_156#0 : vector<128x1xf32> to vector<128x512xf32>
      %gt3A_344 = arith.cmpf ogt, %get3A_338, %gt3A : vector<128x512xf32>
      %eq3A = vector.broadcast %while3A_156#0 : vector<128x1xf32> to vector<128x512xf32>
      %eq3A_345 = arith.cmpf oeq, %get3A_338, %eq3A : vector<128x512xf32>
      %gt3A_346 = vector.broadcast %while3A_156#1 : vector<128x1xi32> to vector<128x512xi32>
      %gt3A_347 = arith.cmpi sgt, %add3A_343, %gt3A_346 : vector<128x512xi32>
      %and3A = arith.andi %eq3A_345, %gt3A_347 : vector<128x512xi1>
      %or3A = arith.ori %gt3A_344, %and3A : vector<128x512xi1>
      %jit3A = arith.constant 0x7F800000 : f32
      %broadcast_in_dim3A_348 = vector.broadcast %jit3A : f32 to vector<128x512xf32>
      %select_n3A = arith.select %or3A, %get3A_338, %broadcast_in_dim3A_348 : vector<128x512xi1>, vector<128x512xf32>
      %reduce_min3A = arith.constant dense<0x7F800000> : vector<128xf32>
      %reduce_min3A_349 = vector.multi_reduction <minimumf>, %select_n3A, %reduce_min3A [1] : vector<128x512xf32> to vector<128xf32>
      %broadcast_in_dim3A_350 = vector.shape_cast %reduce_min3A_349 : vector<128xf32> to vector<128x1xf32>
      %eq3A_351 = vector.broadcast %broadcast_in_dim3A_350 : vector<128x1xf32> to vector<128x512xf32>
      %eq3A_352 = arith.cmpf oeq, %get3A_338, %eq3A_351 : vector<128x512xf32>
      %and3A_353 = arith.andi %or3A, %eq3A_352 : vector<128x512xi1>
      %broadcast_in_dim3A_354 = vector.broadcast %while3A_165 : i32 to vector<128x512xi32>
      %select_n3A_355 = arith.select %and3A_353, %add3A_343, %broadcast_in_dim3A_354 : vector<128x512xi1>, vector<128x512xi32>
      %reduce_min3A_356 = arith.constant dense<2147483647> : vector<128xi32>
      %reduce_min3A_357 = vector.multi_reduction <minsi>, %select_n3A_355, %reduce_min3A_356 [1] : vector<128x512xi32> to vector<128xi32>
      %broadcast_in_dim3A_358 = vector.shape_cast %reduce_min3A_357 : vector<128xi32> to vector<128x1xi32>
      %lt3A = arith.cmpf olt, %broadcast_in_dim3A_350, %while3A_332 : vector<128x1xf32>
      %eq3A_359 = arith.cmpf oeq, %broadcast_in_dim3A_350, %while3A_332 : vector<128x1xf32>
      %lt3A_360 = arith.cmpi slt, %broadcast_in_dim3A_358, %while3A_333 : vector<128x1xi32>
      %and3A_361 = arith.andi %eq3A_359, %lt3A_360 : vector<128x1xi1>
      %or3A_362 = arith.ori %lt3A, %and3A_361 : vector<128x1xi1>
      %select_n3A_363 = arith.select %or3A_362, %broadcast_in_dim3A_350, %while3A_332 : vector<128x1xi1>, vector<128x1xf32>
      %select_n3A_364 = arith.select %or3A_362, %broadcast_in_dim3A_358, %while3A_333 : vector<128x1xi1>, vector<128x1xi32>
      scf.yield %select_n3A_363, %select_n3A_364 : vector<128x1xf32>, vector<128x1xi32>
    }
    %swap3A_176 = arith.constant 0 : index
    %swap3A_177 = arith.constant 7 : index
    %swap3A_178 = vector.load %arg7[%swap3A_176, %swap3A_177] : memref<128x16xi32, #tpu.memory_space<vmem>>, vector<128x1xi32>
    tpu.vector_store %arg7[%swap3A_176, %swap3A_177], %while3A_175#1 {strides = array<i32>} : memref<128x16xi32, #tpu.memory_space<vmem>>, vector<128x1xi32>,
    %add3A_179 = arith.addi %get3A_0, %get3A_2 : i32
    %broadcast_in_dim3A_180 = arith.constant 0x7F800000 : f32
    %broadcast_in_dim3A_181 = vector.broadcast %broadcast_in_dim3A_180 : f32 to vector<128x1xf32>
    %broadcast_in_dim3A_182 = arith.constant 1073741824 : i32
    %broadcast_in_dim3A_183 = vector.broadcast %broadcast_in_dim3A_182 : i32 to vector<128x1xi32>
    %while3A_184 = arith.constant 1073741824 : i32
    %while3A_185 = arith.subi %add3A_179, %get3A_0 : i32
    %while3A_186 = arith.addi %get3A_0, %while3A_185 : i32
    %while3A_187 = arith.constant 1 : i32
    %while3A_188 = arith.divsi %while3A_185, %while3A_187 : i32
    %while3A_189 = arith.muli %while3A_188, %while3A_187 : i32
    %while3A_190 = arith.addi %get3A_0, %while3A_189 : i32
    %while3A_191 = arith.constant 1 : i32
    %while3A_192:2 = scf.for %while3A_331 = %get3A_0 to %while3A_190 step %while3A_191 iter_args(%while3A_332 = %broadcast_in_dim3A_181, %while3A_333 = %broadcast_in_dim3A_183) -> (vector<128x1xf32>, vector<128x1xi32>)  : i32 {
      %get3A_334 = arith.index_cast %while3A_331 : i32 to index
      %get3A_335 = arith.constant 0 : index
      %get3A_336 = arith.constant 0 : index
      %get3A_337 = vector.load %arg8[%get3A_334, %get3A_335, %get3A_336] : memref<20x128x512xf32, #tpu.memory_space<vmem>>, vector<1x128x512xf32>
      %get3A_338 = vector.shape_cast %get3A_337 : vector<1x128x512xf32> to vector<128x512xf32>
      %iota3A_339 = tpu.iota {dimensions = array<i32: 1>} : vector<128x512xi32>
      %mul3A_340 = arith.constant 512 : i32
      %mul3A_341 = arith.muli %while3A_331, %mul3A_340 : i32
      %add3A_342 = vector.broadcast %mul3A_341 : i32 to vector<128x512xi32>
      %add3A_343 = arith.addi %iota3A_339, %add3A_342 : vector<128x512xi32>
      %gt3A = vector.broadcast %while3A_175#0 : vector<128x1xf32> to vector<128x512xf32>
      %gt3A_344 = arith.cmpf ogt, %get3A_338, %gt3A : vector<128x512xf32>
      %eq3A = vector.broadcast %while3A_175#0 : vector<128x1xf32> to vector<128x512xf32>
      %eq3A_345 = arith.cmpf oeq, %get3A_338, %eq3A : vector<128x512xf32>
      %gt3A_346 = vector.broadcast %while3A_175#1 : vector<128x1xi32> to vector<128x512xi32>
      %gt3A_347 = arith.cmpi sgt, %add3A_343, %gt3A_346 : vector<128x512xi32>
      %and3A = arith.andi %eq3A_345, %gt3A_347 : vector<128x512xi1>
      %or3A = arith.ori %gt3A_344, %and3A : vector<128x512xi1>
      %jit3A = arith.constant 0x7F800000 : f32
      %broadcast_in_dim3A_348 = vector.broadcast %jit3A : f32 to vector<128x512xf32>
      %select_n3A = arith.select %or3A, %get3A_338, %broadcast_in_dim3A_348 : vector<128x512xi1>, vector<128x512xf32>
      %reduce_min3A = arith.constant dense<0x7F800000> : vector<128xf32>
      %reduce_min3A_349 = vector.multi_reduction <minimumf>, %select_n3A, %reduce_min3A [1] : vector<128x512xf32> to vector<128xf32>
      %broadcast_in_dim3A_350 = vector.shape_cast %reduce_min3A_349 : vector<128xf32> to vector<128x1xf32>
      %eq3A_351 = vector.broadcast %broadcast_in_dim3A_350 : vector<128x1xf32> to vector<128x512xf32>
      %eq3A_352 = arith.cmpf oeq, %get3A_338, %eq3A_351 : vector<128x512xf32>
      %and3A_353 = arith.andi %or3A, %eq3A_352 : vector<128x512xi1>
      %broadcast_in_dim3A_354 = vector.broadcast %while3A_184 : i32 to vector<128x512xi32>
      %select_n3A_355 = arith.select %and3A_353, %add3A_343, %broadcast_in_dim3A_354 : vector<128x512xi1>, vector<128x512xi32>
      %reduce_min3A_356 = arith.constant dense<2147483647> : vector<128xi32>
      %reduce_min3A_357 = vector.multi_reduction <minsi>, %select_n3A_355, %reduce_min3A_356 [1] : vector<128x512xi32> to vector<128xi32>
      %broadcast_in_dim3A_358 = vector.shape_cast %reduce_min3A_357 : vector<128xi32> to vector<128x1xi32>
      %lt3A = arith.cmpf olt, %broadcast_in_dim3A_350, %while3A_332 : vector<128x1xf32>
      %eq3A_359 = arith.cmpf oeq, %broadcast_in_dim3A_350, %while3A_332 : vector<128x1xf32>
      %lt3A_360 = arith.cmpi slt, %broadcast_in_dim3A_358, %while3A_333 : vector<128x1xi32>
      %and3A_361 = arith.andi %eq3A_359, %lt3A_360 : vector<128x1xi1>
      %or3A_362 = arith.ori %lt3A, %and3A_361 : vector<128x1xi1>
      %select_n3A_363 = arith.select %or3A_362, %broadcast_in_dim3A_350, %while3A_332 : vector<128x1xi1>, vector<128x1xf32>
      %select_n3A_364 = arith.select %or3A_362, %broadcast_in_dim3A_358, %while3A_333 : vector<128x1xi1>, vector<128x1xi32>
      scf.yield %select_n3A_363, %select_n3A_364 : vector<128x1xf32>, vector<128x1xi32>
    }
    %while3A_193 = arith.constant 1 : i32
    %while3A_194:2 = scf.for %while3A_331 = %while3A_190 to %while3A_186 step %while3A_193 iter_args(%while3A_332 = %while3A_192#0, %while3A_333 = %while3A_192#1) -> (vector<128x1xf32>, vector<128x1xi32>)  : i32 {
      %get3A_334 = arith.index_cast %while3A_331 : i32 to index
      %get3A_335 = arith.constant 0 : index
      %get3A_336 = arith.constant 0 : index
      %get3A_337 = vector.load %arg8[%get3A_334, %get3A_335, %get3A_336] : memref<20x128x512xf32, #tpu.memory_space<vmem>>, vector<1x128x512xf32>
      %get3A_338 = vector.shape_cast %get3A_337 : vector<1x128x512xf32> to vector<128x512xf32>
      %iota3A_339 = tpu.iota {dimensions = array<i32: 1>} : vector<128x512xi32>
      %mul3A_340 = arith.constant 512 : i32
      %mul3A_341 = arith.muli %while3A_331, %mul3A_340 : i32
      %add3A_342 = vector.broadcast %mul3A_341 : i32 to vector<128x512xi32>
      %add3A_343 = arith.addi %iota3A_339, %add3A_342 : vector<128x512xi32>
      %gt3A = vector.broadcast %while3A_175#0 : vector<128x1xf32> to vector<128x512xf32>
      %gt3A_344 = arith.cmpf ogt, %get3A_338, %gt3A : vector<128x512xf32>
      %eq3A = vector.broadcast %while3A_175#0 : vector<128x1xf32> to vector<128x512xf32>
      %eq3A_345 = arith.cmpf oeq, %get3A_338, %eq3A : vector<128x512xf32>
      %gt3A_346 = vector.broadcast %while3A_175#1 : vector<128x1xi32> to vector<128x512xi32>
      %gt3A_347 = arith.cmpi sgt, %add3A_343, %gt3A_346 : vector<128x512xi32>
      %and3A = arith.andi %eq3A_345, %gt3A_347 : vector<128x512xi1>
      %or3A = arith.ori %gt3A_344, %and3A : vector<128x512xi1>
      %jit3A = arith.constant 0x7F800000 : f32
      %broadcast_in_dim3A_348 = vector.broadcast %jit3A : f32 to vector<128x512xf32>
      %select_n3A = arith.select %or3A, %get3A_338, %broadcast_in_dim3A_348 : vector<128x512xi1>, vector<128x512xf32>
      %reduce_min3A = arith.constant dense<0x7F800000> : vector<128xf32>
      %reduce_min3A_349 = vector.multi_reduction <minimumf>, %select_n3A, %reduce_min3A [1] : vector<128x512xf32> to vector<128xf32>
      %broadcast_in_dim3A_350 = vector.shape_cast %reduce_min3A_349 : vector<128xf32> to vector<128x1xf32>
      %eq3A_351 = vector.broadcast %broadcast_in_dim3A_350 : vector<128x1xf32> to vector<128x512xf32>
      %eq3A_352 = arith.cmpf oeq, %get3A_338, %eq3A_351 : vector<128x512xf32>
      %and3A_353 = arith.andi %or3A, %eq3A_352 : vector<128x512xi1>
      %broadcast_in_dim3A_354 = vector.broadcast %while3A_184 : i32 to vector<128x512xi32>
      %select_n3A_355 = arith.select %and3A_353, %add3A_343, %broadcast_in_dim3A_354 : vector<128x512xi1>, vector<128x512xi32>
      %reduce_min3A_356 = arith.constant dense<2147483647> : vector<128xi32>
      %reduce_min3A_357 = vector.multi_reduction <minsi>, %select_n3A_355, %reduce_min3A_356 [1] : vector<128x512xi32> to vector<128xi32>
      %broadcast_in_dim3A_358 = vector.shape_cast %reduce_min3A_357 : vector<128xi32> to vector<128x1xi32>
      %lt3A = arith.cmpf olt, %broadcast_in_dim3A_350, %while3A_332 : vector<128x1xf32>
      %eq3A_359 = arith.cmpf oeq, %broadcast_in_dim3A_350, %while3A_332 : vector<128x1xf32>
      %lt3A_360 = arith.cmpi slt, %broadcast_in_dim3A_358, %while3A_333 : vector<128x1xi32>
      %and3A_361 = arith.andi %eq3A_359, %lt3A_360 : vector<128x1xi1>
      %or3A_362 = arith.ori %lt3A, %and3A_361 : vector<128x1xi1>
      %select_n3A_363 = arith.select %or3A_362, %broadcast_in_dim3A_350, %while3A_332 : vector<128x1xi1>, vector<128x1xf32>
      %select_n3A_364 = arith.select %or3A_362, %broadcast_in_dim3A_358, %while3A_333 : vector<128x1xi1>, vector<128x1xi32>
      scf.yield %select_n3A_363, %select_n3A_364 : vector<128x1xf32>, vector<128x1xi32>
    }
    %swap3A_195 = arith.constant 0 : index
    %swap3A_196 = arith.constant 8 : index
    %swap3A_197 = vector.load %arg7[%swap3A_195, %swap3A_196] : memref<128x16xi32, #tpu.memory_space<vmem>>, vector<128x1xi32>
    tpu.vector_store %arg7[%swap3A_195, %swap3A_196], %while3A_194#1 {strides = array<i32>} : memref<128x16xi32, #tpu.memory_space<vmem>>, vector<128x1xi32>,
    %add3A_198 = arith.addi %get3A_0, %get3A_2 : i32
    %broadcast_in_dim3A_199 = arith.constant 0x7F800000 : f32
    %broadcast_in_dim3A_200 = vector.broadcast %broadcast_in_dim3A_199 : f32 to vector<128x1xf32>
    %broadcast_in_dim3A_201 = arith.constant 1073741824 : i32
    %broadcast_in_dim3A_202 = vector.broadcast %broadcast_in_dim3A_201 : i32 to vector<128x1xi32>
    %while3A_203 = arith.constant 1073741824 : i32
    %while3A_204 = arith.subi %add3A_198, %get3A_0 : i32
    %while3A_205 = arith.addi %get3A_0, %while3A_204 : i32
    %while3A_206 = arith.constant 1 : i32
    %while3A_207 = arith.divsi %while3A_204, %while3A_206 : i32
    %while3A_208 = arith.muli %while3A_207, %while3A_206 : i32
    %while3A_209 = arith.addi %get3A_0, %while3A_208 : i32
    %while3A_210 = arith.constant 1 : i32
    %while3A_211:2 = scf.for %while3A_331 = %get3A_0 to %while3A_209 step %while3A_210 iter_args(%while3A_332 = %broadcast_in_dim3A_200, %while3A_333 = %broadcast_in_dim3A_202) -> (vector<128x1xf32>, vector<128x1xi32>)  : i32 {
      %get3A_334 = arith.index_cast %while3A_331 : i32 to index
      %get3A_335 = arith.constant 0 : index
      %get3A_336 = arith.constant 0 : index
      %get3A_337 = vector.load %arg8[%get3A_334, %get3A_335, %get3A_336] : memref<20x128x512xf32, #tpu.memory_space<vmem>>, vector<1x128x512xf32>
      %get3A_338 = vector.shape_cast %get3A_337 : vector<1x128x512xf32> to vector<128x512xf32>
      %iota3A_339 = tpu.iota {dimensions = array<i32: 1>} : vector<128x512xi32>
      %mul3A_340 = arith.constant 512 : i32
      %mul3A_341 = arith.muli %while3A_331, %mul3A_340 : i32
      %add3A_342 = vector.broadcast %mul3A_341 : i32 to vector<128x512xi32>
      %add3A_343 = arith.addi %iota3A_339, %add3A_342 : vector<128x512xi32>
      %gt3A = vector.broadcast %while3A_194#0 : vector<128x1xf32> to vector<128x512xf32>
      %gt3A_344 = arith.cmpf ogt, %get3A_338, %gt3A : vector<128x512xf32>
      %eq3A = vector.broadcast %while3A_194#0 : vector<128x1xf32> to vector<128x512xf32>
      %eq3A_345 = arith.cmpf oeq, %get3A_338, %eq3A : vector<128x512xf32>
      %gt3A_346 = vector.broadcast %while3A_194#1 : vector<128x1xi32> to vector<128x512xi32>
      %gt3A_347 = arith.cmpi sgt, %add3A_343, %gt3A_346 : vector<128x512xi32>
      %and3A = arith.andi %eq3A_345, %gt3A_347 : vector<128x512xi1>
      %or3A = arith.ori %gt3A_344, %and3A : vector<128x512xi1>
      %jit3A = arith.constant 0x7F800000 : f32
      %broadcast_in_dim3A_348 = vector.broadcast %jit3A : f32 to vector<128x512xf32>
      %select_n3A = arith.select %or3A, %get3A_338, %broadcast_in_dim3A_348 : vector<128x512xi1>, vector<128x512xf32>
      %reduce_min3A = arith.constant dense<0x7F800000> : vector<128xf32>
      %reduce_min3A_349 = vector.multi_reduction <minimumf>, %select_n3A, %reduce_min3A [1] : vector<128x512xf32> to vector<128xf32>
      %broadcast_in_dim3A_350 = vector.shape_cast %reduce_min3A_349 : vector<128xf32> to vector<128x1xf32>
      %eq3A_351 = vector.broadcast %broadcast_in_dim3A_350 : vector<128x1xf32> to vector<128x512xf32>
      %eq3A_352 = arith.cmpf oeq, %get3A_338, %eq3A_351 : vector<128x512xf32>
      %and3A_353 = arith.andi %or3A, %eq3A_352 : vector<128x512xi1>
      %broadcast_in_dim3A_354 = vector.broadcast %while3A_203 : i32 to vector<128x512xi32>
      %select_n3A_355 = arith.select %and3A_353, %add3A_343, %broadcast_in_dim3A_354 : vector<128x512xi1>, vector<128x512xi32>
      %reduce_min3A_356 = arith.constant dense<2147483647> : vector<128xi32>
      %reduce_min3A_357 = vector.multi_reduction <minsi>, %select_n3A_355, %reduce_min3A_356 [1] : vector<128x512xi32> to vector<128xi32>
      %broadcast_in_dim3A_358 = vector.shape_cast %reduce_min3A_357 : vector<128xi32> to vector<128x1xi32>
      %lt3A = arith.cmpf olt, %broadcast_in_dim3A_350, %while3A_332 : vector<128x1xf32>
      %eq3A_359 = arith.cmpf oeq, %broadcast_in_dim3A_350, %while3A_332 : vector<128x1xf32>
      %lt3A_360 = arith.cmpi slt, %broadcast_in_dim3A_358, %while3A_333 : vector<128x1xi32>
      %and3A_361 = arith.andi %eq3A_359, %lt3A_360 : vector<128x1xi1>
      %or3A_362 = arith.ori %lt3A, %and3A_361 : vector<128x1xi1>
      %select_n3A_363 = arith.select %or3A_362, %broadcast_in_dim3A_350, %while3A_332 : vector<128x1xi1>, vector<128x1xf32>
      %select_n3A_364 = arith.select %or3A_362, %broadcast_in_dim3A_358, %while3A_333 : vector<128x1xi1>, vector<128x1xi32>
      scf.yield %select_n3A_363, %select_n3A_364 : vector<128x1xf32>, vector<128x1xi32>
    }
    %while3A_212 = arith.constant 1 : i32
    %while3A_213:2 = scf.for %while3A_331 = %while3A_209 to %while3A_205 step %while3A_212 iter_args(%while3A_332 = %while3A_211#0, %while3A_333 = %while3A_211#1) -> (vector<128x1xf32>, vector<128x1xi32>)  : i32 {
      %get3A_334 = arith.index_cast %while3A_331 : i32 to index
      %get3A_335 = arith.constant 0 : index
      %get3A_336 = arith.constant 0 : index
      %get3A_337 = vector.load %arg8[%get3A_334, %get3A_335, %get3A_336] : memref<20x128x512xf32, #tpu.memory_space<vmem>>, vector<1x128x512xf32>
      %get3A_338 = vector.shape_cast %get3A_337 : vector<1x128x512xf32> to vector<128x512xf32>
      %iota3A_339 = tpu.iota {dimensions = array<i32: 1>} : vector<128x512xi32>
      %mul3A_340 = arith.constant 512 : i32
      %mul3A_341 = arith.muli %while3A_331, %mul3A_340 : i32
      %add3A_342 = vector.broadcast %mul3A_341 : i32 to vector<128x512xi32>
      %add3A_343 = arith.addi %iota3A_339, %add3A_342 : vector<128x512xi32>
      %gt3A = vector.broadcast %while3A_194#0 : vector<128x1xf32> to vector<128x512xf32>
      %gt3A_344 = arith.cmpf ogt, %get3A_338, %gt3A : vector<128x512xf32>
      %eq3A = vector.broadcast %while3A_194#0 : vector<128x1xf32> to vector<128x512xf32>
      %eq3A_345 = arith.cmpf oeq, %get3A_338, %eq3A : vector<128x512xf32>
      %gt3A_346 = vector.broadcast %while3A_194#1 : vector<128x1xi32> to vector<128x512xi32>
      %gt3A_347 = arith.cmpi sgt, %add3A_343, %gt3A_346 : vector<128x512xi32>
      %and3A = arith.andi %eq3A_345, %gt3A_347 : vector<128x512xi1>
      %or3A = arith.ori %gt3A_344, %and3A : vector<128x512xi1>
      %jit3A = arith.constant 0x7F800000 : f32
      %broadcast_in_dim3A_348 = vector.broadcast %jit3A : f32 to vector<128x512xf32>
      %select_n3A = arith.select %or3A, %get3A_338, %broadcast_in_dim3A_348 : vector<128x512xi1>, vector<128x512xf32>
      %reduce_min3A = arith.constant dense<0x7F800000> : vector<128xf32>
      %reduce_min3A_349 = vector.multi_reduction <minimumf>, %select_n3A, %reduce_min3A [1] : vector<128x512xf32> to vector<128xf32>
      %broadcast_in_dim3A_350 = vector.shape_cast %reduce_min3A_349 : vector<128xf32> to vector<128x1xf32>
      %eq3A_351 = vector.broadcast %broadcast_in_dim3A_350 : vector<128x1xf32> to vector<128x512xf32>
      %eq3A_352 = arith.cmpf oeq, %get3A_338, %eq3A_351 : vector<128x512xf32>
      %and3A_353 = arith.andi %or3A, %eq3A_352 : vector<128x512xi1>
      %broadcast_in_dim3A_354 = vector.broadcast %while3A_203 : i32 to vector<128x512xi32>
      %select_n3A_355 = arith.select %and3A_353, %add3A_343, %broadcast_in_dim3A_354 : vector<128x512xi1>, vector<128x512xi32>
      %reduce_min3A_356 = arith.constant dense<2147483647> : vector<128xi32>
      %reduce_min3A_357 = vector.multi_reduction <minsi>, %select_n3A_355, %reduce_min3A_356 [1] : vector<128x512xi32> to vector<128xi32>
      %broadcast_in_dim3A_358 = vector.shape_cast %reduce_min3A_357 : vector<128xi32> to vector<128x1xi32>
      %lt3A = arith.cmpf olt, %broadcast_in_dim3A_350, %while3A_332 : vector<128x1xf32>
      %eq3A_359 = arith.cmpf oeq, %broadcast_in_dim3A_350, %while3A_332 : vector<128x1xf32>
      %lt3A_360 = arith.cmpi slt, %broadcast_in_dim3A_358, %while3A_333 : vector<128x1xi32>
      %and3A_361 = arith.andi %eq3A_359, %lt3A_360 : vector<128x1xi1>
      %or3A_362 = arith.ori %lt3A, %and3A_361 : vector<128x1xi1>
      %select_n3A_363 = arith.select %or3A_362, %broadcast_in_dim3A_350, %while3A_332 : vector<128x1xi1>, vector<128x1xf32>
      %select_n3A_364 = arith.select %or3A_362, %broadcast_in_dim3A_358, %while3A_333 : vector<128x1xi1>, vector<128x1xi32>
      scf.yield %select_n3A_363, %select_n3A_364 : vector<128x1xf32>, vector<128x1xi32>
    }
    %swap3A_214 = arith.constant 0 : index
    %swap3A_215 = arith.constant 9 : index
    %swap3A_216 = vector.load %arg7[%swap3A_214, %swap3A_215] : memref<128x16xi32, #tpu.memory_space<vmem>>, vector<128x1xi32>
    tpu.vector_store %arg7[%swap3A_214, %swap3A_215], %while3A_213#1 {strides = array<i32>} : memref<128x16xi32, #tpu.memory_space<vmem>>, vector<128x1xi32>,
    %add3A_217 = arith.addi %get3A_0, %get3A_2 : i32
    %broadcast_in_dim3A_218 = arith.constant 0x7F800000 : f32
    %broadcast_in_dim3A_219 = vector.broadcast %broadcast_in_dim3A_218 : f32 to vector<128x1xf32>
    %broadcast_in_dim3A_220 = arith.constant 1073741824 : i32
    %broadcast_in_dim3A_221 = vector.broadcast %broadcast_in_dim3A_220 : i32 to vector<128x1xi32>
    %while3A_222 = arith.constant 1073741824 : i32
    %while3A_223 = arith.subi %add3A_217, %get3A_0 : i32
    %while3A_224 = arith.addi %get3A_0, %while3A_223 : i32
    %while3A_225 = arith.constant 1 : i32
    %while3A_226 = arith.divsi %while3A_223, %while3A_225 : i32
    %while3A_227 = arith.muli %while3A_226, %while3A_225 : i32
    %while3A_228 = arith.addi %get3A_0, %while3A_227 : i32
    %while3A_229 = arith.constant 1 : i32
    %while3A_230:2 = scf.for %while3A_331 = %get3A_0 to %while3A_228 step %while3A_229 iter_args(%while3A_332 = %broadcast_in_dim3A_219, %while3A_333 = %broadcast_in_dim3A_221) -> (vector<128x1xf32>, vector<128x1xi32>)  : i32 {
      %get3A_334 = arith.index_cast %while3A_331 : i32 to index
      %get3A_335 = arith.constant 0 : index
      %get3A_336 = arith.constant 0 : index
      %get3A_337 = vector.load %arg8[%get3A_334, %get3A_335, %get3A_336] : memref<20x128x512xf32, #tpu.memory_space<vmem>>, vector<1x128x512xf32>
      %get3A_338 = vector.shape_cast %get3A_337 : vector<1x128x512xf32> to vector<128x512xf32>
      %iota3A_339 = tpu.iota {dimensions = array<i32: 1>} : vector<128x512xi32>
      %mul3A_340 = arith.constant 512 : i32
      %mul3A_341 = arith.muli %while3A_331, %mul3A_340 : i32
      %add3A_342 = vector.broadcast %mul3A_341 : i32 to vector<128x512xi32>
      %add3A_343 = arith.addi %iota3A_339, %add3A_342 : vector<128x512xi32>
      %gt3A = vector.broadcast %while3A_213#0 : vector<128x1xf32> to vector<128x512xf32>
      %gt3A_344 = arith.cmpf ogt, %get3A_338, %gt3A : vector<128x512xf32>
      %eq3A = vector.broadcast %while3A_213#0 : vector<128x1xf32> to vector<128x512xf32>
      %eq3A_345 = arith.cmpf oeq, %get3A_338, %eq3A : vector<128x512xf32>
      %gt3A_346 = vector.broadcast %while3A_213#1 : vector<128x1xi32> to vector<128x512xi32>
      %gt3A_347 = arith.cmpi sgt, %add3A_343, %gt3A_346 : vector<128x512xi32>
      %and3A = arith.andi %eq3A_345, %gt3A_347 : vector<128x512xi1>
      %or3A = arith.ori %gt3A_344, %and3A : vector<128x512xi1>
      %jit3A = arith.constant 0x7F800000 : f32
      %broadcast_in_dim3A_348 = vector.broadcast %jit3A : f32 to vector<128x512xf32>
      %select_n3A = arith.select %or3A, %get3A_338, %broadcast_in_dim3A_348 : vector<128x512xi1>, vector<128x512xf32>
      %reduce_min3A = arith.constant dense<0x7F800000> : vector<128xf32>
      %reduce_min3A_349 = vector.multi_reduction <minimumf>, %select_n3A, %reduce_min3A [1] : vector<128x512xf32> to vector<128xf32>
      %broadcast_in_dim3A_350 = vector.shape_cast %reduce_min3A_349 : vector<128xf32> to vector<128x1xf32>
      %eq3A_351 = vector.broadcast %broadcast_in_dim3A_350 : vector<128x1xf32> to vector<128x512xf32>
      %eq3A_352 = arith.cmpf oeq, %get3A_338, %eq3A_351 : vector<128x512xf32>
      %and3A_353 = arith.andi %or3A, %eq3A_352 : vector<128x512xi1>
      %broadcast_in_dim3A_354 = vector.broadcast %while3A_222 : i32 to vector<128x512xi32>
      %select_n3A_355 = arith.select %and3A_353, %add3A_343, %broadcast_in_dim3A_354 : vector<128x512xi1>, vector<128x512xi32>
      %reduce_min3A_356 = arith.constant dense<2147483647> : vector<128xi32>
      %reduce_min3A_357 = vector.multi_reduction <minsi>, %select_n3A_355, %reduce_min3A_356 [1] : vector<128x512xi32> to vector<128xi32>
      %broadcast_in_dim3A_358 = vector.shape_cast %reduce_min3A_357 : vector<128xi32> to vector<128x1xi32>
      %lt3A = arith.cmpf olt, %broadcast_in_dim3A_350, %while3A_332 : vector<128x1xf32>
      %eq3A_359 = arith.cmpf oeq, %broadcast_in_dim3A_350, %while3A_332 : vector<128x1xf32>
      %lt3A_360 = arith.cmpi slt, %broadcast_in_dim3A_358, %while3A_333 : vector<128x1xi32>
      %and3A_361 = arith.andi %eq3A_359, %lt3A_360 : vector<128x1xi1>
      %or3A_362 = arith.ori %lt3A, %and3A_361 : vector<128x1xi1>
      %select_n3A_363 = arith.select %or3A_362, %broadcast_in_dim3A_350, %while3A_332 : vector<128x1xi1>, vector<128x1xf32>
      %select_n3A_364 = arith.select %or3A_362, %broadcast_in_dim3A_358, %while3A_333 : vector<128x1xi1>, vector<128x1xi32>
      scf.yield %select_n3A_363, %select_n3A_364 : vector<128x1xf32>, vector<128x1xi32>
    }
    %while3A_231 = arith.constant 1 : i32
    %while3A_232:2 = scf.for %while3A_331 = %while3A_228 to %while3A_224 step %while3A_231 iter_args(%while3A_332 = %while3A_230#0, %while3A_333 = %while3A_230#1) -> (vector<128x1xf32>, vector<128x1xi32>)  : i32 {
      %get3A_334 = arith.index_cast %while3A_331 : i32 to index
      %get3A_335 = arith.constant 0 : index
      %get3A_336 = arith.constant 0 : index
      %get3A_337 = vector.load %arg8[%get3A_334, %get3A_335, %get3A_336] : memref<20x128x512xf32, #tpu.memory_space<vmem>>, vector<1x128x512xf32>
      %get3A_338 = vector.shape_cast %get3A_337 : vector<1x128x512xf32> to vector<128x512xf32>
      %iota3A_339 = tpu.iota {dimensions = array<i32: 1>} : vector<128x512xi32>
      %mul3A_340 = arith.constant 512 : i32
      %mul3A_341 = arith.muli %while3A_331, %mul3A_340 : i32
      %add3A_342 = vector.broadcast %mul3A_341 : i32 to vector<128x512xi32>
      %add3A_343 = arith.addi %iota3A_339, %add3A_342 : vector<128x512xi32>
      %gt3A = vector.broadcast %while3A_213#0 : vector<128x1xf32> to vector<128x512xf32>
      %gt3A_344 = arith.cmpf ogt, %get3A_338, %gt3A : vector<128x512xf32>
      %eq3A = vector.broadcast %while3A_213#0 : vector<128x1xf32> to vector<128x512xf32>
      %eq3A_345 = arith.cmpf oeq, %get3A_338, %eq3A : vector<128x512xf32>
      %gt3A_346 = vector.broadcast %while3A_213#1 : vector<128x1xi32> to vector<128x512xi32>
      %gt3A_347 = arith.cmpi sgt, %add3A_343, %gt3A_346 : vector<128x512xi32>
      %and3A = arith.andi %eq3A_345, %gt3A_347 : vector<128x512xi1>
      %or3A = arith.ori %gt3A_344, %and3A : vector<128x512xi1>
      %jit3A = arith.constant 0x7F800000 : f32
      %broadcast_in_dim3A_348 = vector.broadcast %jit3A : f32 to vector<128x512xf32>
      %select_n3A = arith.select %or3A, %get3A_338, %broadcast_in_dim3A_348 : vector<128x512xi1>, vector<128x512xf32>
      %reduce_min3A = arith.constant dense<0x7F800000> : vector<128xf32>
      %reduce_min3A_349 = vector.multi_reduction <minimumf>, %select_n3A, %reduce_min3A [1] : vector<128x512xf32> to vector<128xf32>
      %broadcast_in_dim3A_350 = vector.shape_cast %reduce_min3A_349 : vector<128xf32> to vector<128x1xf32>
      %eq3A_351 = vector.broadcast %broadcast_in_dim3A_350 : vector<128x1xf32> to vector<128x512xf32>
      %eq3A_352 = arith.cmpf oeq, %get3A_338, %eq3A_351 : vector<128x512xf32>
      %and3A_353 = arith.andi %or3A, %eq3A_352 : vector<128x512xi1>
      %broadcast_in_dim3A_354 = vector.broadcast %while3A_222 : i32 to vector<128x512xi32>
      %select_n3A_355 = arith.select %and3A_353, %add3A_343, %broadcast_in_dim3A_354 : vector<128x512xi1>, vector<128x512xi32>
      %reduce_min3A_356 = arith.constant dense<2147483647> : vector<128xi32>
      %reduce_min3A_357 = vector.multi_reduction <minsi>, %select_n3A_355, %reduce_min3A_356 [1] : vector<128x512xi32> to vector<128xi32>
      %broadcast_in_dim3A_358 = vector.shape_cast %reduce_min3A_357 : vector<128xi32> to vector<128x1xi32>
      %lt3A = arith.cmpf olt, %broadcast_in_dim3A_350, %while3A_332 : vector<128x1xf32>
      %eq3A_359 = arith.cmpf oeq, %broadcast_in_dim3A_350, %while3A_332 : vector<128x1xf32>
      %lt3A_360 = arith.cmpi slt, %broadcast_in_dim3A_358, %while3A_333 : vector<128x1xi32>
      %and3A_361 = arith.andi %eq3A_359, %lt3A_360 : vector<128x1xi1>
      %or3A_362 = arith.ori %lt3A, %and3A_361 : vector<128x1xi1>
      %select_n3A_363 = arith.select %or3A_362, %broadcast_in_dim3A_350, %while3A_332 : vector<128x1xi1>, vector<128x1xf32>
      %select_n3A_364 = arith.select %or3A_362, %broadcast_in_dim3A_358, %while3A_333 : vector<128x1xi1>, vector<128x1xi32>
      scf.yield %select_n3A_363, %select_n3A_364 : vector<128x1xf32>, vector<128x1xi32>
    }
    %swap3A_233 = arith.constant 0 : index
    %swap3A_234 = arith.constant 10 : index
    %swap3A_235 = vector.load %arg7[%swap3A_233, %swap3A_234] : memref<128x16xi32, #tpu.memory_space<vmem>>, vector<128x1xi32>
    tpu.vector_store %arg7[%swap3A_233, %swap3A_234], %while3A_232#1 {strides = array<i32>} : memref<128x16xi32, #tpu.memory_space<vmem>>, vector<128x1xi32>,
    %add3A_236 = arith.addi %get3A_0, %get3A_2 : i32
    %broadcast_in_dim3A_237 = arith.constant 0x7F800000 : f32
    %broadcast_in_dim3A_238 = vector.broadcast %broadcast_in_dim3A_237 : f32 to vector<128x1xf32>
    %broadcast_in_dim3A_239 = arith.constant 1073741824 : i32
    %broadcast_in_dim3A_240 = vector.broadcast %broadcast_in_dim3A_239 : i32 to vector<128x1xi32>
    %while3A_241 = arith.constant 1073741824 : i32
    %while3A_242 = arith.subi %add3A_236, %get3A_0 : i32
    %while3A_243 = arith.addi %get3A_0, %while3A_242 : i32
    %while3A_244 = arith.constant 1 : i32
    %while3A_245 = arith.divsi %while3A_242, %while3A_244 : i32
    %while3A_246 = arith.muli %while3A_245, %while3A_244 : i32
    %while3A_247 = arith.addi %get3A_0, %while3A_246 : i32
    %while3A_248 = arith.constant 1 : i32
    %while3A_249:2 = scf.for %while3A_331 = %get3A_0 to %while3A_247 step %while3A_248 iter_args(%while3A_332 = %broadcast_in_dim3A_238, %while3A_333 = %broadcast_in_dim3A_240) -> (vector<128x1xf32>, vector<128x1xi32>)  : i32 {
      %get3A_334 = arith.index_cast %while3A_331 : i32 to index
      %get3A_335 = arith.constant 0 : index
      %get3A_336 = arith.constant 0 : index
      %get3A_337 = vector.load %arg8[%get3A_334, %get3A_335, %get3A_336] : memref<20x128x512xf32, #tpu.memory_space<vmem>>, vector<1x128x512xf32>
      %get3A_338 = vector.shape_cast %get3A_337 : vector<1x128x512xf32> to vector<128x512xf32>
      %iota3A_339 = tpu.iota {dimensions = array<i32: 1>} : vector<128x512xi32>
      %mul3A_340 = arith.constant 512 : i32
      %mul3A_341 = arith.muli %while3A_331, %mul3A_340 : i32
      %add3A_342 = vector.broadcast %mul3A_341 : i32 to vector<128x512xi32>
      %add3A_343 = arith.addi %iota3A_339, %add3A_342 : vector<128x512xi32>
      %gt3A = vector.broadcast %while3A_232#0 : vector<128x1xf32> to vector<128x512xf32>
      %gt3A_344 = arith.cmpf ogt, %get3A_338, %gt3A : vector<128x512xf32>
      %eq3A = vector.broadcast %while3A_232#0 : vector<128x1xf32> to vector<128x512xf32>
      %eq3A_345 = arith.cmpf oeq, %get3A_338, %eq3A : vector<128x512xf32>
      %gt3A_346 = vector.broadcast %while3A_232#1 : vector<128x1xi32> to vector<128x512xi32>
      %gt3A_347 = arith.cmpi sgt, %add3A_343, %gt3A_346 : vector<128x512xi32>
      %and3A = arith.andi %eq3A_345, %gt3A_347 : vector<128x512xi1>
      %or3A = arith.ori %gt3A_344, %and3A : vector<128x512xi1>
      %jit3A = arith.constant 0x7F800000 : f32
      %broadcast_in_dim3A_348 = vector.broadcast %jit3A : f32 to vector<128x512xf32>
      %select_n3A = arith.select %or3A, %get3A_338, %broadcast_in_dim3A_348 : vector<128x512xi1>, vector<128x512xf32>
      %reduce_min3A = arith.constant dense<0x7F800000> : vector<128xf32>
      %reduce_min3A_349 = vector.multi_reduction <minimumf>, %select_n3A, %reduce_min3A [1] : vector<128x512xf32> to vector<128xf32>
      %broadcast_in_dim3A_350 = vector.shape_cast %reduce_min3A_349 : vector<128xf32> to vector<128x1xf32>
      %eq3A_351 = vector.broadcast %broadcast_in_dim3A_350 : vector<128x1xf32> to vector<128x512xf32>
      %eq3A_352 = arith.cmpf oeq, %get3A_338, %eq3A_351 : vector<128x512xf32>
      %and3A_353 = arith.andi %or3A, %eq3A_352 : vector<128x512xi1>
      %broadcast_in_dim3A_354 = vector.broadcast %while3A_241 : i32 to vector<128x512xi32>
      %select_n3A_355 = arith.select %and3A_353, %add3A_343, %broadcast_in_dim3A_354 : vector<128x512xi1>, vector<128x512xi32>
      %reduce_min3A_356 = arith.constant dense<2147483647> : vector<128xi32>
      %reduce_min3A_357 = vector.multi_reduction <minsi>, %select_n3A_355, %reduce_min3A_356 [1] : vector<128x512xi32> to vector<128xi32>
      %broadcast_in_dim3A_358 = vector.shape_cast %reduce_min3A_357 : vector<128xi32> to vector<128x1xi32>
      %lt3A = arith.cmpf olt, %broadcast_in_dim3A_350, %while3A_332 : vector<128x1xf32>
      %eq3A_359 = arith.cmpf oeq, %broadcast_in_dim3A_350, %while3A_332 : vector<128x1xf32>
      %lt3A_360 = arith.cmpi slt, %broadcast_in_dim3A_358, %while3A_333 : vector<128x1xi32>
      %and3A_361 = arith.andi %eq3A_359, %lt3A_360 : vector<128x1xi1>
      %or3A_362 = arith.ori %lt3A, %and3A_361 : vector<128x1xi1>
      %select_n3A_363 = arith.select %or3A_362, %broadcast_in_dim3A_350, %while3A_332 : vector<128x1xi1>, vector<128x1xf32>
      %select_n3A_364 = arith.select %or3A_362, %broadcast_in_dim3A_358, %while3A_333 : vector<128x1xi1>, vector<128x1xi32>
      scf.yield %select_n3A_363, %select_n3A_364 : vector<128x1xf32>, vector<128x1xi32>
    }
    %while3A_250 = arith.constant 1 : i32
    %while3A_251:2 = scf.for %while3A_331 = %while3A_247 to %while3A_243 step %while3A_250 iter_args(%while3A_332 = %while3A_249#0, %while3A_333 = %while3A_249#1) -> (vector<128x1xf32>, vector<128x1xi32>)  : i32 {
      %get3A_334 = arith.index_cast %while3A_331 : i32 to index
      %get3A_335 = arith.constant 0 : index
      %get3A_336 = arith.constant 0 : index
      %get3A_337 = vector.load %arg8[%get3A_334, %get3A_335, %get3A_336] : memref<20x128x512xf32, #tpu.memory_space<vmem>>, vector<1x128x512xf32>
      %get3A_338 = vector.shape_cast %get3A_337 : vector<1x128x512xf32> to vector<128x512xf32>
      %iota3A_339 = tpu.iota {dimensions = array<i32: 1>} : vector<128x512xi32>
      %mul3A_340 = arith.constant 512 : i32
      %mul3A_341 = arith.muli %while3A_331, %mul3A_340 : i32
      %add3A_342 = vector.broadcast %mul3A_341 : i32 to vector<128x512xi32>
      %add3A_343 = arith.addi %iota3A_339, %add3A_342 : vector<128x512xi32>
      %gt3A = vector.broadcast %while3A_232#0 : vector<128x1xf32> to vector<128x512xf32>
      %gt3A_344 = arith.cmpf ogt, %get3A_338, %gt3A : vector<128x512xf32>
      %eq3A = vector.broadcast %while3A_232#0 : vector<128x1xf32> to vector<128x512xf32>
      %eq3A_345 = arith.cmpf oeq, %get3A_338, %eq3A : vector<128x512xf32>
      %gt3A_346 = vector.broadcast %while3A_232#1 : vector<128x1xi32> to vector<128x512xi32>
      %gt3A_347 = arith.cmpi sgt, %add3A_343, %gt3A_346 : vector<128x512xi32>
      %and3A = arith.andi %eq3A_345, %gt3A_347 : vector<128x512xi1>
      %or3A = arith.ori %gt3A_344, %and3A : vector<128x512xi1>
      %jit3A = arith.constant 0x7F800000 : f32
      %broadcast_in_dim3A_348 = vector.broadcast %jit3A : f32 to vector<128x512xf32>
      %select_n3A = arith.select %or3A, %get3A_338, %broadcast_in_dim3A_348 : vector<128x512xi1>, vector<128x512xf32>
      %reduce_min3A = arith.constant dense<0x7F800000> : vector<128xf32>
      %reduce_min3A_349 = vector.multi_reduction <minimumf>, %select_n3A, %reduce_min3A [1] : vector<128x512xf32> to vector<128xf32>
      %broadcast_in_dim3A_350 = vector.shape_cast %reduce_min3A_349 : vector<128xf32> to vector<128x1xf32>
      %eq3A_351 = vector.broadcast %broadcast_in_dim3A_350 : vector<128x1xf32> to vector<128x512xf32>
      %eq3A_352 = arith.cmpf oeq, %get3A_338, %eq3A_351 : vector<128x512xf32>
      %and3A_353 = arith.andi %or3A, %eq3A_352 : vector<128x512xi1>
      %broadcast_in_dim3A_354 = vector.broadcast %while3A_241 : i32 to vector<128x512xi32>
      %select_n3A_355 = arith.select %and3A_353, %add3A_343, %broadcast_in_dim3A_354 : vector<128x512xi1>, vector<128x512xi32>
      %reduce_min3A_356 = arith.constant dense<2147483647> : vector<128xi32>
      %reduce_min3A_357 = vector.multi_reduction <minsi>, %select_n3A_355, %reduce_min3A_356 [1] : vector<128x512xi32> to vector<128xi32>
      %broadcast_in_dim3A_358 = vector.shape_cast %reduce_min3A_357 : vector<128xi32> to vector<128x1xi32>
      %lt3A = arith.cmpf olt, %broadcast_in_dim3A_350, %while3A_332 : vector<128x1xf32>
      %eq3A_359 = arith.cmpf oeq, %broadcast_in_dim3A_350, %while3A_332 : vector<128x1xf32>
      %lt3A_360 = arith.cmpi slt, %broadcast_in_dim3A_358, %while3A_333 : vector<128x1xi32>
      %and3A_361 = arith.andi %eq3A_359, %lt3A_360 : vector<128x1xi1>
      %or3A_362 = arith.ori %lt3A, %and3A_361 : vector<128x1xi1>
      %select_n3A_363 = arith.select %or3A_362, %broadcast_in_dim3A_350, %while3A_332 : vector<128x1xi1>, vector<128x1xf32>
      %select_n3A_364 = arith.select %or3A_362, %broadcast_in_dim3A_358, %while3A_333 : vector<128x1xi1>, vector<128x1xi32>
      scf.yield %select_n3A_363, %select_n3A_364 : vector<128x1xf32>, vector<128x1xi32>
    }
    %swap3A_252 = arith.constant 0 : index
    %swap3A_253 = arith.constant 11 : index
    %swap3A_254 = vector.load %arg7[%swap3A_252, %swap3A_253] : memref<128x16xi32, #tpu.memory_space<vmem>>, vector<128x1xi32>
    tpu.vector_store %arg7[%swap3A_252, %swap3A_253], %while3A_251#1 {strides = array<i32>} : memref<128x16xi32, #tpu.memory_space<vmem>>, vector<128x1xi32>,
    %add3A_255 = arith.addi %get3A_0, %get3A_2 : i32
    %broadcast_in_dim3A_256 = arith.constant 0x7F800000 : f32
    %broadcast_in_dim3A_257 = vector.broadcast %broadcast_in_dim3A_256 : f32 to vector<128x1xf32>
    %broadcast_in_dim3A_258 = arith.constant 1073741824 : i32
    %broadcast_in_dim3A_259 = vector.broadcast %broadcast_in_dim3A_258 : i32 to vector<128x1xi32>
    %while3A_260 = arith.constant 1073741824 : i32
    %while3A_261 = arith.subi %add3A_255, %get3A_0 : i32
    %while3A_262 = arith.addi %get3A_0, %while3A_261 : i32
    %while3A_263 = arith.constant 1 : i32
    %while3A_264 = arith.divsi %while3A_261, %while3A_263 : i32
    %while3A_265 = arith.muli %while3A_264, %while3A_263 : i32
    %while3A_266 = arith.addi %get3A_0, %while3A_265 : i32
    %while3A_267 = arith.constant 1 : i32
    %while3A_268:2 = scf.for %while3A_331 = %get3A_0 to %while3A_266 step %while3A_267 iter_args(%while3A_332 = %broadcast_in_dim3A_257, %while3A_333 = %broadcast_in_dim3A_259) -> (vector<128x1xf32>, vector<128x1xi32>)  : i32 {
      %get3A_334 = arith.index_cast %while3A_331 : i32 to index
      %get3A_335 = arith.constant 0 : index
      %get3A_336 = arith.constant 0 : index
      %get3A_337 = vector.load %arg8[%get3A_334, %get3A_335, %get3A_336] : memref<20x128x512xf32, #tpu.memory_space<vmem>>, vector<1x128x512xf32>
      %get3A_338 = vector.shape_cast %get3A_337 : vector<1x128x512xf32> to vector<128x512xf32>
      %iota3A_339 = tpu.iota {dimensions = array<i32: 1>} : vector<128x512xi32>
      %mul3A_340 = arith.constant 512 : i32
      %mul3A_341 = arith.muli %while3A_331, %mul3A_340 : i32
      %add3A_342 = vector.broadcast %mul3A_341 : i32 to vector<128x512xi32>
      %add3A_343 = arith.addi %iota3A_339, %add3A_342 : vector<128x512xi32>
      %gt3A = vector.broadcast %while3A_251#0 : vector<128x1xf32> to vector<128x512xf32>
      %gt3A_344 = arith.cmpf ogt, %get3A_338, %gt3A : vector<128x512xf32>
      %eq3A = vector.broadcast %while3A_251#0 : vector<128x1xf32> to vector<128x512xf32>
      %eq3A_345 = arith.cmpf oeq, %get3A_338, %eq3A : vector<128x512xf32>
      %gt3A_346 = vector.broadcast %while3A_251#1 : vector<128x1xi32> to vector<128x512xi32>
      %gt3A_347 = arith.cmpi sgt, %add3A_343, %gt3A_346 : vector<128x512xi32>
      %and3A = arith.andi %eq3A_345, %gt3A_347 : vector<128x512xi1>
      %or3A = arith.ori %gt3A_344, %and3A : vector<128x512xi1>
      %jit3A = arith.constant 0x7F800000 : f32
      %broadcast_in_dim3A_348 = vector.broadcast %jit3A : f32 to vector<128x512xf32>
      %select_n3A = arith.select %or3A, %get3A_338, %broadcast_in_dim3A_348 : vector<128x512xi1>, vector<128x512xf32>
      %reduce_min3A = arith.constant dense<0x7F800000> : vector<128xf32>
      %reduce_min3A_349 = vector.multi_reduction <minimumf>, %select_n3A, %reduce_min3A [1] : vector<128x512xf32> to vector<128xf32>
      %broadcast_in_dim3A_350 = vector.shape_cast %reduce_min3A_349 : vector<128xf32> to vector<128x1xf32>
      %eq3A_351 = vector.broadcast %broadcast_in_dim3A_350 : vector<128x1xf32> to vector<128x512xf32>
      %eq3A_352 = arith.cmpf oeq, %get3A_338, %eq3A_351 : vector<128x512xf32>
      %and3A_353 = arith.andi %or3A, %eq3A_352 : vector<128x512xi1>
      %broadcast_in_dim3A_354 = vector.broadcast %while3A_260 : i32 to vector<128x512xi32>
      %select_n3A_355 = arith.select %and3A_353, %add3A_343, %broadcast_in_dim3A_354 : vector<128x512xi1>, vector<128x512xi32>
      %reduce_min3A_356 = arith.constant dense<2147483647> : vector<128xi32>
      %reduce_min3A_357 = vector.multi_reduction <minsi>, %select_n3A_355, %reduce_min3A_356 [1] : vector<128x512xi32> to vector<128xi32>
      %broadcast_in_dim3A_358 = vector.shape_cast %reduce_min3A_357 : vector<128xi32> to vector<128x1xi32>
      %lt3A = arith.cmpf olt, %broadcast_in_dim3A_350, %while3A_332 : vector<128x1xf32>
      %eq3A_359 = arith.cmpf oeq, %broadcast_in_dim3A_350, %while3A_332 : vector<128x1xf32>
      %lt3A_360 = arith.cmpi slt, %broadcast_in_dim3A_358, %while3A_333 : vector<128x1xi32>
      %and3A_361 = arith.andi %eq3A_359, %lt3A_360 : vector<128x1xi1>
      %or3A_362 = arith.ori %lt3A, %and3A_361 : vector<128x1xi1>
      %select_n3A_363 = arith.select %or3A_362, %broadcast_in_dim3A_350, %while3A_332 : vector<128x1xi1>, vector<128x1xf32>
      %select_n3A_364 = arith.select %or3A_362, %broadcast_in_dim3A_358, %while3A_333 : vector<128x1xi1>, vector<128x1xi32>
      scf.yield %select_n3A_363, %select_n3A_364 : vector<128x1xf32>, vector<128x1xi32>
    }
    %while3A_269 = arith.constant 1 : i32
    %while3A_270:2 = scf.for %while3A_331 = %while3A_266 to %while3A_262 step %while3A_269 iter_args(%while3A_332 = %while3A_268#0, %while3A_333 = %while3A_268#1) -> (vector<128x1xf32>, vector<128x1xi32>)  : i32 {
      %get3A_334 = arith.index_cast %while3A_331 : i32 to index
      %get3A_335 = arith.constant 0 : index
      %get3A_336 = arith.constant 0 : index
      %get3A_337 = vector.load %arg8[%get3A_334, %get3A_335, %get3A_336] : memref<20x128x512xf32, #tpu.memory_space<vmem>>, vector<1x128x512xf32>
      %get3A_338 = vector.shape_cast %get3A_337 : vector<1x128x512xf32> to vector<128x512xf32>
      %iota3A_339 = tpu.iota {dimensions = array<i32: 1>} : vector<128x512xi32>
      %mul3A_340 = arith.constant 512 : i32
      %mul3A_341 = arith.muli %while3A_331, %mul3A_340 : i32
      %add3A_342 = vector.broadcast %mul3A_341 : i32 to vector<128x512xi32>
      %add3A_343 = arith.addi %iota3A_339, %add3A_342 : vector<128x512xi32>
      %gt3A = vector.broadcast %while3A_251#0 : vector<128x1xf32> to vector<128x512xf32>
      %gt3A_344 = arith.cmpf ogt, %get3A_338, %gt3A : vector<128x512xf32>
      %eq3A = vector.broadcast %while3A_251#0 : vector<128x1xf32> to vector<128x512xf32>
      %eq3A_345 = arith.cmpf oeq, %get3A_338, %eq3A : vector<128x512xf32>
      %gt3A_346 = vector.broadcast %while3A_251#1 : vector<128x1xi32> to vector<128x512xi32>
      %gt3A_347 = arith.cmpi sgt, %add3A_343, %gt3A_346 : vector<128x512xi32>
      %and3A = arith.andi %eq3A_345, %gt3A_347 : vector<128x512xi1>
      %or3A = arith.ori %gt3A_344, %and3A : vector<128x512xi1>
      %jit3A = arith.constant 0x7F800000 : f32
      %broadcast_in_dim3A_348 = vector.broadcast %jit3A : f32 to vector<128x512xf32>
      %select_n3A = arith.select %or3A, %get3A_338, %broadcast_in_dim3A_348 : vector<128x512xi1>, vector<128x512xf32>
      %reduce_min3A = arith.constant dense<0x7F800000> : vector<128xf32>
      %reduce_min3A_349 = vector.multi_reduction <minimumf>, %select_n3A, %reduce_min3A [1] : vector<128x512xf32> to vector<128xf32>
      %broadcast_in_dim3A_350 = vector.shape_cast %reduce_min3A_349 : vector<128xf32> to vector<128x1xf32>
      %eq3A_351 = vector.broadcast %broadcast_in_dim3A_350 : vector<128x1xf32> to vector<128x512xf32>
      %eq3A_352 = arith.cmpf oeq, %get3A_338, %eq3A_351 : vector<128x512xf32>
      %and3A_353 = arith.andi %or3A, %eq3A_352 : vector<128x512xi1>
      %broadcast_in_dim3A_354 = vector.broadcast %while3A_260 : i32 to vector<128x512xi32>
      %select_n3A_355 = arith.select %and3A_353, %add3A_343, %broadcast_in_dim3A_354 : vector<128x512xi1>, vector<128x512xi32>
      %reduce_min3A_356 = arith.constant dense<2147483647> : vector<128xi32>
      %reduce_min3A_357 = vector.multi_reduction <minsi>, %select_n3A_355, %reduce_min3A_356 [1] : vector<128x512xi32> to vector<128xi32>
      %broadcast_in_dim3A_358 = vector.shape_cast %reduce_min3A_357 : vector<128xi32> to vector<128x1xi32>
      %lt3A = arith.cmpf olt, %broadcast_in_dim3A_350, %while3A_332 : vector<128x1xf32>
      %eq3A_359 = arith.cmpf oeq, %broadcast_in_dim3A_350, %while3A_332 : vector<128x1xf32>
      %lt3A_360 = arith.cmpi slt, %broadcast_in_dim3A_358, %while3A_333 : vector<128x1xi32>
      %and3A_361 = arith.andi %eq3A_359, %lt3A_360 : vector<128x1xi1>
      %or3A_362 = arith.ori %lt3A, %and3A_361 : vector<128x1xi1>
      %select_n3A_363 = arith.select %or3A_362, %broadcast_in_dim3A_350, %while3A_332 : vector<128x1xi1>, vector<128x1xf32>
      %select_n3A_364 = arith.select %or3A_362, %broadcast_in_dim3A_358, %while3A_333 : vector<128x1xi1>, vector<128x1xi32>
      scf.yield %select_n3A_363, %select_n3A_364 : vector<128x1xf32>, vector<128x1xi32>
    }
    %swap3A_271 = arith.constant 0 : index
    %swap3A_272 = arith.constant 12 : index
    %swap3A_273 = vector.load %arg7[%swap3A_271, %swap3A_272] : memref<128x16xi32, #tpu.memory_space<vmem>>, vector<128x1xi32>
    tpu.vector_store %arg7[%swap3A_271, %swap3A_272], %while3A_270#1 {strides = array<i32>} : memref<128x16xi32, #tpu.memory_space<vmem>>, vector<128x1xi32>,
    %add3A_274 = arith.addi %get3A_0, %get3A_2 : i32
    %broadcast_in_dim3A_275 = arith.constant 0x7F800000 : f32
    %broadcast_in_dim3A_276 = vector.broadcast %broadcast_in_dim3A_275 : f32 to vector<128x1xf32>
    %broadcast_in_dim3A_277 = arith.constant 1073741824 : i32
    %broadcast_in_dim3A_278 = vector.broadcast %broadcast_in_dim3A_277 : i32 to vector<128x1xi32>
    %while3A_279 = arith.constant 1073741824 : i32
    %while3A_280 = arith.subi %add3A_274, %get3A_0 : i32
    %while3A_281 = arith.addi %get3A_0, %while3A_280 : i32
    %while3A_282 = arith.constant 1 : i32
    %while3A_283 = arith.divsi %while3A_280, %while3A_282 : i32
    %while3A_284 = arith.muli %while3A_283, %while3A_282 : i32
    %while3A_285 = arith.addi %get3A_0, %while3A_284 : i32
    %while3A_286 = arith.constant 1 : i32
    %while3A_287:2 = scf.for %while3A_331 = %get3A_0 to %while3A_285 step %while3A_286 iter_args(%while3A_332 = %broadcast_in_dim3A_276, %while3A_333 = %broadcast_in_dim3A_278) -> (vector<128x1xf32>, vector<128x1xi32>)  : i32 {
      %get3A_334 = arith.index_cast %while3A_331 : i32 to index
      %get3A_335 = arith.constant 0 : index
      %get3A_336 = arith.constant 0 : index
      %get3A_337 = vector.load %arg8[%get3A_334, %get3A_335, %get3A_336] : memref<20x128x512xf32, #tpu.memory_space<vmem>>, vector<1x128x512xf32>
      %get3A_338 = vector.shape_cast %get3A_337 : vector<1x128x512xf32> to vector<128x512xf32>
      %iota3A_339 = tpu.iota {dimensions = array<i32: 1>} : vector<128x512xi32>
      %mul3A_340 = arith.constant 512 : i32
      %mul3A_341 = arith.muli %while3A_331, %mul3A_340 : i32
      %add3A_342 = vector.broadcast %mul3A_341 : i32 to vector<128x512xi32>
      %add3A_343 = arith.addi %iota3A_339, %add3A_342 : vector<128x512xi32>
      %gt3A = vector.broadcast %while3A_270#0 : vector<128x1xf32> to vector<128x512xf32>
      %gt3A_344 = arith.cmpf ogt, %get3A_338, %gt3A : vector<128x512xf32>
      %eq3A = vector.broadcast %while3A_270#0 : vector<128x1xf32> to vector<128x512xf32>
      %eq3A_345 = arith.cmpf oeq, %get3A_338, %eq3A : vector<128x512xf32>
      %gt3A_346 = vector.broadcast %while3A_270#1 : vector<128x1xi32> to vector<128x512xi32>
      %gt3A_347 = arith.cmpi sgt, %add3A_343, %gt3A_346 : vector<128x512xi32>
      %and3A = arith.andi %eq3A_345, %gt3A_347 : vector<128x512xi1>
      %or3A = arith.ori %gt3A_344, %and3A : vector<128x512xi1>
      %jit3A = arith.constant 0x7F800000 : f32
      %broadcast_in_dim3A_348 = vector.broadcast %jit3A : f32 to vector<128x512xf32>
      %select_n3A = arith.select %or3A, %get3A_338, %broadcast_in_dim3A_348 : vector<128x512xi1>, vector<128x512xf32>
      %reduce_min3A = arith.constant dense<0x7F800000> : vector<128xf32>
      %reduce_min3A_349 = vector.multi_reduction <minimumf>, %select_n3A, %reduce_min3A [1] : vector<128x512xf32> to vector<128xf32>
      %broadcast_in_dim3A_350 = vector.shape_cast %reduce_min3A_349 : vector<128xf32> to vector<128x1xf32>
      %eq3A_351 = vector.broadcast %broadcast_in_dim3A_350 : vector<128x1xf32> to vector<128x512xf32>
      %eq3A_352 = arith.cmpf oeq, %get3A_338, %eq3A_351 : vector<128x512xf32>
      %and3A_353 = arith.andi %or3A, %eq3A_352 : vector<128x512xi1>
      %broadcast_in_dim3A_354 = vector.broadcast %while3A_279 : i32 to vector<128x512xi32>
      %select_n3A_355 = arith.select %and3A_353, %add3A_343, %broadcast_in_dim3A_354 : vector<128x512xi1>, vector<128x512xi32>
      %reduce_min3A_356 = arith.constant dense<2147483647> : vector<128xi32>
      %reduce_min3A_357 = vector.multi_reduction <minsi>, %select_n3A_355, %reduce_min3A_356 [1] : vector<128x512xi32> to vector<128xi32>
      %broadcast_in_dim3A_358 = vector.shape_cast %reduce_min3A_357 : vector<128xi32> to vector<128x1xi32>
      %lt3A = arith.cmpf olt, %broadcast_in_dim3A_350, %while3A_332 : vector<128x1xf32>
      %eq3A_359 = arith.cmpf oeq, %broadcast_in_dim3A_350, %while3A_332 : vector<128x1xf32>
      %lt3A_360 = arith.cmpi slt, %broadcast_in_dim3A_358, %while3A_333 : vector<128x1xi32>
      %and3A_361 = arith.andi %eq3A_359, %lt3A_360 : vector<128x1xi1>
      %or3A_362 = arith.ori %lt3A, %and3A_361 : vector<128x1xi1>
      %select_n3A_363 = arith.select %or3A_362, %broadcast_in_dim3A_350, %while3A_332 : vector<128x1xi1>, vector<128x1xf32>
      %select_n3A_364 = arith.select %or3A_362, %broadcast_in_dim3A_358, %while3A_333 : vector<128x1xi1>, vector<128x1xi32>
      scf.yield %select_n3A_363, %select_n3A_364 : vector<128x1xf32>, vector<128x1xi32>
    }
    %while3A_288 = arith.constant 1 : i32
    %while3A_289:2 = scf.for %while3A_331 = %while3A_285 to %while3A_281 step %while3A_288 iter_args(%while3A_332 = %while3A_287#0, %while3A_333 = %while3A_287#1) -> (vector<128x1xf32>, vector<128x1xi32>)  : i32 {
      %get3A_334 = arith.index_cast %while3A_331 : i32 to index
      %get3A_335 = arith.constant 0 : index
      %get3A_336 = arith.constant 0 : index
      %get3A_337 = vector.load %arg8[%get3A_334, %get3A_335, %get3A_336] : memref<20x128x512xf32, #tpu.memory_space<vmem>>, vector<1x128x512xf32>
      %get3A_338 = vector.shape_cast %get3A_337 : vector<1x128x512xf32> to vector<128x512xf32>
      %iota3A_339 = tpu.iota {dimensions = array<i32: 1>} : vector<128x512xi32>
      %mul3A_340 = arith.constant 512 : i32
      %mul3A_341 = arith.muli %while3A_331, %mul3A_340 : i32
      %add3A_342 = vector.broadcast %mul3A_341 : i32 to vector<128x512xi32>
      %add3A_343 = arith.addi %iota3A_339, %add3A_342 : vector<128x512xi32>
      %gt3A = vector.broadcast %while3A_270#0 : vector<128x1xf32> to vector<128x512xf32>
      %gt3A_344 = arith.cmpf ogt, %get3A_338, %gt3A : vector<128x512xf32>
      %eq3A = vector.broadcast %while3A_270#0 : vector<128x1xf32> to vector<128x512xf32>
      %eq3A_345 = arith.cmpf oeq, %get3A_338, %eq3A : vector<128x512xf32>
      %gt3A_346 = vector.broadcast %while3A_270#1 : vector<128x1xi32> to vector<128x512xi32>
      %gt3A_347 = arith.cmpi sgt, %add3A_343, %gt3A_346 : vector<128x512xi32>
      %and3A = arith.andi %eq3A_345, %gt3A_347 : vector<128x512xi1>
      %or3A = arith.ori %gt3A_344, %and3A : vector<128x512xi1>
      %jit3A = arith.constant 0x7F800000 : f32
      %broadcast_in_dim3A_348 = vector.broadcast %jit3A : f32 to vector<128x512xf32>
      %select_n3A = arith.select %or3A, %get3A_338, %broadcast_in_dim3A_348 : vector<128x512xi1>, vector<128x512xf32>
      %reduce_min3A = arith.constant dense<0x7F800000> : vector<128xf32>
      %reduce_min3A_349 = vector.multi_reduction <minimumf>, %select_n3A, %reduce_min3A [1] : vector<128x512xf32> to vector<128xf32>
      %broadcast_in_dim3A_350 = vector.shape_cast %reduce_min3A_349 : vector<128xf32> to vector<128x1xf32>
      %eq3A_351 = vector.broadcast %broadcast_in_dim3A_350 : vector<128x1xf32> to vector<128x512xf32>
      %eq3A_352 = arith.cmpf oeq, %get3A_338, %eq3A_351 : vector<128x512xf32>
      %and3A_353 = arith.andi %or3A, %eq3A_352 : vector<128x512xi1>
      %broadcast_in_dim3A_354 = vector.broadcast %while3A_279 : i32 to vector<128x512xi32>
      %select_n3A_355 = arith.select %and3A_353, %add3A_343, %broadcast_in_dim3A_354 : vector<128x512xi1>, vector<128x512xi32>
      %reduce_min3A_356 = arith.constant dense<2147483647> : vector<128xi32>
      %reduce_min3A_357 = vector.multi_reduction <minsi>, %select_n3A_355, %reduce_min3A_356 [1] : vector<128x512xi32> to vector<128xi32>
      %broadcast_in_dim3A_358 = vector.shape_cast %reduce_min3A_357 : vector<128xi32> to vector<128x1xi32>
      %lt3A = arith.cmpf olt, %broadcast_in_dim3A_350, %while3A_332 : vector<128x1xf32>
      %eq3A_359 = arith.cmpf oeq, %broadcast_in_dim3A_350, %while3A_332 : vector<128x1xf32>
      %lt3A_360 = arith.cmpi slt, %broadcast_in_dim3A_358, %while3A_333 : vector<128x1xi32>
      %and3A_361 = arith.andi %eq3A_359, %lt3A_360 : vector<128x1xi1>
      %or3A_362 = arith.ori %lt3A, %and3A_361 : vector<128x1xi1>
      %select_n3A_363 = arith.select %or3A_362, %broadcast_in_dim3A_350, %while3A_332 : vector<128x1xi1>, vector<128x1xf32>
      %select_n3A_364 = arith.select %or3A_362, %broadcast_in_dim3A_358, %while3A_333 : vector<128x1xi1>, vector<128x1xi32>
      scf.yield %select_n3A_363, %select_n3A_364 : vector<128x1xf32>, vector<128x1xi32>
    }
    %swap3A_290 = arith.constant 0 : index
    %swap3A_291 = arith.constant 13 : index
    %swap3A_292 = vector.load %arg7[%swap3A_290, %swap3A_291] : memref<128x16xi32, #tpu.memory_space<vmem>>, vector<128x1xi32>
    tpu.vector_store %arg7[%swap3A_290, %swap3A_291], %while3A_289#1 {strides = array<i32>} : memref<128x16xi32, #tpu.memory_space<vmem>>, vector<128x1xi32>,
    %add3A_293 = arith.addi %get3A_0, %get3A_2 : i32
    %broadcast_in_dim3A_294 = arith.constant 0x7F800000 : f32
    %broadcast_in_dim3A_295 = vector.broadcast %broadcast_in_dim3A_294 : f32 to vector<128x1xf32>
    %broadcast_in_dim3A_296 = arith.constant 1073741824 : i32
    %broadcast_in_dim3A_297 = vector.broadcast %broadcast_in_dim3A_296 : i32 to vector<128x1xi32>
    %while3A_298 = arith.constant 1073741824 : i32
    %while3A_299 = arith.subi %add3A_293, %get3A_0 : i32
    %while3A_300 = arith.addi %get3A_0, %while3A_299 : i32
    %while3A_301 = arith.constant 1 : i32
    %while3A_302 = arith.divsi %while3A_299, %while3A_301 : i32
    %while3A_303 = arith.muli %while3A_302, %while3A_301 : i32
    %while3A_304 = arith.addi %get3A_0, %while3A_303 : i32
    %while3A_305 = arith.constant 1 : i32
    %while3A_306:2 = scf.for %while3A_331 = %get3A_0 to %while3A_304 step %while3A_305 iter_args(%while3A_332 = %broadcast_in_dim3A_295, %while3A_333 = %broadcast_in_dim3A_297) -> (vector<128x1xf32>, vector<128x1xi32>)  : i32 {
      %get3A_334 = arith.index_cast %while3A_331 : i32 to index
      %get3A_335 = arith.constant 0 : index
      %get3A_336 = arith.constant 0 : index
      %get3A_337 = vector.load %arg8[%get3A_334, %get3A_335, %get3A_336] : memref<20x128x512xf32, #tpu.memory_space<vmem>>, vector<1x128x512xf32>
      %get3A_338 = vector.shape_cast %get3A_337 : vector<1x128x512xf32> to vector<128x512xf32>
      %iota3A_339 = tpu.iota {dimensions = array<i32: 1>} : vector<128x512xi32>
      %mul3A_340 = arith.constant 512 : i32
      %mul3A_341 = arith.muli %while3A_331, %mul3A_340 : i32
      %add3A_342 = vector.broadcast %mul3A_341 : i32 to vector<128x512xi32>
      %add3A_343 = arith.addi %iota3A_339, %add3A_342 : vector<128x512xi32>
      %gt3A = vector.broadcast %while3A_289#0 : vector<128x1xf32> to vector<128x512xf32>
      %gt3A_344 = arith.cmpf ogt, %get3A_338, %gt3A : vector<128x512xf32>
      %eq3A = vector.broadcast %while3A_289#0 : vector<128x1xf32> to vector<128x512xf32>
      %eq3A_345 = arith.cmpf oeq, %get3A_338, %eq3A : vector<128x512xf32>
      %gt3A_346 = vector.broadcast %while3A_289#1 : vector<128x1xi32> to vector<128x512xi32>
      %gt3A_347 = arith.cmpi sgt, %add3A_343, %gt3A_346 : vector<128x512xi32>
      %and3A = arith.andi %eq3A_345, %gt3A_347 : vector<128x512xi1>
      %or3A = arith.ori %gt3A_344, %and3A : vector<128x512xi1>
      %jit3A = arith.constant 0x7F800000 : f32
      %broadcast_in_dim3A_348 = vector.broadcast %jit3A : f32 to vector<128x512xf32>
      %select_n3A = arith.select %or3A, %get3A_338, %broadcast_in_dim3A_348 : vector<128x512xi1>, vector<128x512xf32>
      %reduce_min3A = arith.constant dense<0x7F800000> : vector<128xf32>
      %reduce_min3A_349 = vector.multi_reduction <minimumf>, %select_n3A, %reduce_min3A [1] : vector<128x512xf32> to vector<128xf32>
      %broadcast_in_dim3A_350 = vector.shape_cast %reduce_min3A_349 : vector<128xf32> to vector<128x1xf32>
      %eq3A_351 = vector.broadcast %broadcast_in_dim3A_350 : vector<128x1xf32> to vector<128x512xf32>
      %eq3A_352 = arith.cmpf oeq, %get3A_338, %eq3A_351 : vector<128x512xf32>
      %and3A_353 = arith.andi %or3A, %eq3A_352 : vector<128x512xi1>
      %broadcast_in_dim3A_354 = vector.broadcast %while3A_298 : i32 to vector<128x512xi32>
      %select_n3A_355 = arith.select %and3A_353, %add3A_343, %broadcast_in_dim3A_354 : vector<128x512xi1>, vector<128x512xi32>
      %reduce_min3A_356 = arith.constant dense<2147483647> : vector<128xi32>
      %reduce_min3A_357 = vector.multi_reduction <minsi>, %select_n3A_355, %reduce_min3A_356 [1] : vector<128x512xi32> to vector<128xi32>
      %broadcast_in_dim3A_358 = vector.shape_cast %reduce_min3A_357 : vector<128xi32> to vector<128x1xi32>
      %lt3A = arith.cmpf olt, %broadcast_in_dim3A_350, %while3A_332 : vector<128x1xf32>
      %eq3A_359 = arith.cmpf oeq, %broadcast_in_dim3A_350, %while3A_332 : vector<128x1xf32>
      %lt3A_360 = arith.cmpi slt, %broadcast_in_dim3A_358, %while3A_333 : vector<128x1xi32>
      %and3A_361 = arith.andi %eq3A_359, %lt3A_360 : vector<128x1xi1>
      %or3A_362 = arith.ori %lt3A, %and3A_361 : vector<128x1xi1>
      %select_n3A_363 = arith.select %or3A_362, %broadcast_in_dim3A_350, %while3A_332 : vector<128x1xi1>, vector<128x1xf32>
      %select_n3A_364 = arith.select %or3A_362, %broadcast_in_dim3A_358, %while3A_333 : vector<128x1xi1>, vector<128x1xi32>
      scf.yield %select_n3A_363, %select_n3A_364 : vector<128x1xf32>, vector<128x1xi32>
    }
    %while3A_307 = arith.constant 1 : i32
    %while3A_308:2 = scf.for %while3A_331 = %while3A_304 to %while3A_300 step %while3A_307 iter_args(%while3A_332 = %while3A_306#0, %while3A_333 = %while3A_306#1) -> (vector<128x1xf32>, vector<128x1xi32>)  : i32 {
      %get3A_334 = arith.index_cast %while3A_331 : i32 to index
      %get3A_335 = arith.constant 0 : index
      %get3A_336 = arith.constant 0 : index
      %get3A_337 = vector.load %arg8[%get3A_334, %get3A_335, %get3A_336] : memref<20x128x512xf32, #tpu.memory_space<vmem>>, vector<1x128x512xf32>
      %get3A_338 = vector.shape_cast %get3A_337 : vector<1x128x512xf32> to vector<128x512xf32>
      %iota3A_339 = tpu.iota {dimensions = array<i32: 1>} : vector<128x512xi32>
      %mul3A_340 = arith.constant 512 : i32
      %mul3A_341 = arith.muli %while3A_331, %mul3A_340 : i32
      %add3A_342 = vector.broadcast %mul3A_341 : i32 to vector<128x512xi32>
      %add3A_343 = arith.addi %iota3A_339, %add3A_342 : vector<128x512xi32>
      %gt3A = vector.broadcast %while3A_289#0 : vector<128x1xf32> to vector<128x512xf32>
      %gt3A_344 = arith.cmpf ogt, %get3A_338, %gt3A : vector<128x512xf32>
      %eq3A = vector.broadcast %while3A_289#0 : vector<128x1xf32> to vector<128x512xf32>
      %eq3A_345 = arith.cmpf oeq, %get3A_338, %eq3A : vector<128x512xf32>
      %gt3A_346 = vector.broadcast %while3A_289#1 : vector<128x1xi32> to vector<128x512xi32>
      %gt3A_347 = arith.cmpi sgt, %add3A_343, %gt3A_346 : vector<128x512xi32>
      %and3A = arith.andi %eq3A_345, %gt3A_347 : vector<128x512xi1>
      %or3A = arith.ori %gt3A_344, %and3A : vector<128x512xi1>
      %jit3A = arith.constant 0x7F800000 : f32
      %broadcast_in_dim3A_348 = vector.broadcast %jit3A : f32 to vector<128x512xf32>
      %select_n3A = arith.select %or3A, %get3A_338, %broadcast_in_dim3A_348 : vector<128x512xi1>, vector<128x512xf32>
      %reduce_min3A = arith.constant dense<0x7F800000> : vector<128xf32>
      %reduce_min3A_349 = vector.multi_reduction <minimumf>, %select_n3A, %reduce_min3A [1] : vector<128x512xf32> to vector<128xf32>
      %broadcast_in_dim3A_350 = vector.shape_cast %reduce_min3A_349 : vector<128xf32> to vector<128x1xf32>
      %eq3A_351 = vector.broadcast %broadcast_in_dim3A_350 : vector<128x1xf32> to vector<128x512xf32>
      %eq3A_352 = arith.cmpf oeq, %get3A_338, %eq3A_351 : vector<128x512xf32>
      %and3A_353 = arith.andi %or3A, %eq3A_352 : vector<128x512xi1>
      %broadcast_in_dim3A_354 = vector.broadcast %while3A_298 : i32 to vector<128x512xi32>
      %select_n3A_355 = arith.select %and3A_353, %add3A_343, %broadcast_in_dim3A_354 : vector<128x512xi1>, vector<128x512xi32>
      %reduce_min3A_356 = arith.constant dense<2147483647> : vector<128xi32>
      %reduce_min3A_357 = vector.multi_reduction <minsi>, %select_n3A_355, %reduce_min3A_356 [1] : vector<128x512xi32> to vector<128xi32>
      %broadcast_in_dim3A_358 = vector.shape_cast %reduce_min3A_357 : vector<128xi32> to vector<128x1xi32>
      %lt3A = arith.cmpf olt, %broadcast_in_dim3A_350, %while3A_332 : vector<128x1xf32>
      %eq3A_359 = arith.cmpf oeq, %broadcast_in_dim3A_350, %while3A_332 : vector<128x1xf32>
      %lt3A_360 = arith.cmpi slt, %broadcast_in_dim3A_358, %while3A_333 : vector<128x1xi32>
      %and3A_361 = arith.andi %eq3A_359, %lt3A_360 : vector<128x1xi1>
      %or3A_362 = arith.ori %lt3A, %and3A_361 : vector<128x1xi1>
      %select_n3A_363 = arith.select %or3A_362, %broadcast_in_dim3A_350, %while3A_332 : vector<128x1xi1>, vector<128x1xf32>
      %select_n3A_364 = arith.select %or3A_362, %broadcast_in_dim3A_358, %while3A_333 : vector<128x1xi1>, vector<128x1xi32>
      scf.yield %select_n3A_363, %select_n3A_364 : vector<128x1xf32>, vector<128x1xi32>
    }
    %swap3A_309 = arith.constant 0 : index
    %swap3A_310 = arith.constant 14 : index
    %swap3A_311 = vector.load %arg7[%swap3A_309, %swap3A_310] : memref<128x16xi32, #tpu.memory_space<vmem>>, vector<128x1xi32>
    tpu.vector_store %arg7[%swap3A_309, %swap3A_310], %while3A_308#1 {strides = array<i32>} : memref<128x16xi32, #tpu.memory_space<vmem>>, vector<128x1xi32>,
    %add3A_312 = arith.addi %get3A_0, %get3A_2 : i32
    %broadcast_in_dim3A_313 = arith.constant 0x7F800000 : f32
    %broadcast_in_dim3A_314 = vector.broadcast %broadcast_in_dim3A_313 : f32 to vector<128x1xf32>
    %broadcast_in_dim3A_315 = arith.constant 1073741824 : i32
    %broadcast_in_dim3A_316 = vector.broadcast %broadcast_in_dim3A_315 : i32 to vector<128x1xi32>
    %while3A_317 = arith.constant 1073741824 : i32
    %while3A_318 = arith.subi %add3A_312, %get3A_0 : i32
    %while3A_319 = arith.addi %get3A_0, %while3A_318 : i32
    %while3A_320 = arith.constant 1 : i32
    %while3A_321 = arith.divsi %while3A_318, %while3A_320 : i32
    %while3A_322 = arith.muli %while3A_321, %while3A_320 : i32
    %while3A_323 = arith.addi %get3A_0, %while3A_322 : i32
    %while3A_324 = arith.constant 1 : i32
    %while3A_325:2 = scf.for %while3A_331 = %get3A_0 to %while3A_323 step %while3A_324 iter_args(%while3A_332 = %broadcast_in_dim3A_314, %while3A_333 = %broadcast_in_dim3A_316) -> (vector<128x1xf32>, vector<128x1xi32>)  : i32 {
      %get3A_334 = arith.index_cast %while3A_331 : i32 to index
      %get3A_335 = arith.constant 0 : index
      %get3A_336 = arith.constant 0 : index
      %get3A_337 = vector.load %arg8[%get3A_334, %get3A_335, %get3A_336] : memref<20x128x512xf32, #tpu.memory_space<vmem>>, vector<1x128x512xf32>
      %get3A_338 = vector.shape_cast %get3A_337 : vector<1x128x512xf32> to vector<128x512xf32>
      %iota3A_339 = tpu.iota {dimensions = array<i32: 1>} : vector<128x512xi32>
      %mul3A_340 = arith.constant 512 : i32
      %mul3A_341 = arith.muli %while3A_331, %mul3A_340 : i32
      %add3A_342 = vector.broadcast %mul3A_341 : i32 to vector<128x512xi32>
      %add3A_343 = arith.addi %iota3A_339, %add3A_342 : vector<128x512xi32>
      %gt3A = vector.broadcast %while3A_308#0 : vector<128x1xf32> to vector<128x512xf32>
      %gt3A_344 = arith.cmpf ogt, %get3A_338, %gt3A : vector<128x512xf32>
      %eq3A = vector.broadcast %while3A_308#0 : vector<128x1xf32> to vector<128x512xf32>
      %eq3A_345 = arith.cmpf oeq, %get3A_338, %eq3A : vector<128x512xf32>
      %gt3A_346 = vector.broadcast %while3A_308#1 : vector<128x1xi32> to vector<128x512xi32>
      %gt3A_347 = arith.cmpi sgt, %add3A_343, %gt3A_346 : vector<128x512xi32>
      %and3A = arith.andi %eq3A_345, %gt3A_347 : vector<128x512xi1>
      %or3A = arith.ori %gt3A_344, %and3A : vector<128x512xi1>
      %jit3A = arith.constant 0x7F800000 : f32
      %broadcast_in_dim3A_348 = vector.broadcast %jit3A : f32 to vector<128x512xf32>
      %select_n3A = arith.select %or3A, %get3A_338, %broadcast_in_dim3A_348 : vector<128x512xi1>, vector<128x512xf32>
      %reduce_min3A = arith.constant dense<0x7F800000> : vector<128xf32>
      %reduce_min3A_349 = vector.multi_reduction <minimumf>, %select_n3A, %reduce_min3A [1] : vector<128x512xf32> to vector<128xf32>
      %broadcast_in_dim3A_350 = vector.shape_cast %reduce_min3A_349 : vector<128xf32> to vector<128x1xf32>
      %eq3A_351 = vector.broadcast %broadcast_in_dim3A_350 : vector<128x1xf32> to vector<128x512xf32>
      %eq3A_352 = arith.cmpf oeq, %get3A_338, %eq3A_351 : vector<128x512xf32>
      %and3A_353 = arith.andi %or3A, %eq3A_352 : vector<128x512xi1>
      %broadcast_in_dim3A_354 = vector.broadcast %while3A_317 : i32 to vector<128x512xi32>
      %select_n3A_355 = arith.select %and3A_353, %add3A_343, %broadcast_in_dim3A_354 : vector<128x512xi1>, vector<128x512xi32>
      %reduce_min3A_356 = arith.constant dense<2147483647> : vector<128xi32>
      %reduce_min3A_357 = vector.multi_reduction <minsi>, %select_n3A_355, %reduce_min3A_356 [1] : vector<128x512xi32> to vector<128xi32>
      %broadcast_in_dim3A_358 = vector.shape_cast %reduce_min3A_357 : vector<128xi32> to vector<128x1xi32>
      %lt3A = arith.cmpf olt, %broadcast_in_dim3A_350, %while3A_332 : vector<128x1xf32>
      %eq3A_359 = arith.cmpf oeq, %broadcast_in_dim3A_350, %while3A_332 : vector<128x1xf32>
      %lt3A_360 = arith.cmpi slt, %broadcast_in_dim3A_358, %while3A_333 : vector<128x1xi32>
      %and3A_361 = arith.andi %eq3A_359, %lt3A_360 : vector<128x1xi1>
      %or3A_362 = arith.ori %lt3A, %and3A_361 : vector<128x1xi1>
      %select_n3A_363 = arith.select %or3A_362, %broadcast_in_dim3A_350, %while3A_332 : vector<128x1xi1>, vector<128x1xf32>
      %select_n3A_364 = arith.select %or3A_362, %broadcast_in_dim3A_358, %while3A_333 : vector<128x1xi1>, vector<128x1xi32>
      scf.yield %select_n3A_363, %select_n3A_364 : vector<128x1xf32>, vector<128x1xi32>
    }
    %while3A_326 = arith.constant 1 : i32
    %while3A_327:2 = scf.for %while3A_331 = %while3A_323 to %while3A_319 step %while3A_326 iter_args(%while3A_332 = %while3A_325#0, %while3A_333 = %while3A_325#1) -> (vector<128x1xf32>, vector<128x1xi32>)  : i32 {
      %get3A_334 = arith.index_cast %while3A_331 : i32 to index
      %get3A_335 = arith.constant 0 : index
      %get3A_336 = arith.constant 0 : index
      %get3A_337 = vector.load %arg8[%get3A_334, %get3A_335, %get3A_336] : memref<20x128x512xf32, #tpu.memory_space<vmem>>, vector<1x128x512xf32>
      %get3A_338 = vector.shape_cast %get3A_337 : vector<1x128x512xf32> to vector<128x512xf32>
      %iota3A_339 = tpu.iota {dimensions = array<i32: 1>} : vector<128x512xi32>
      %mul3A_340 = arith.constant 512 : i32
      %mul3A_341 = arith.muli %while3A_331, %mul3A_340 : i32
      %add3A_342 = vector.broadcast %mul3A_341 : i32 to vector<128x512xi32>
      %add3A_343 = arith.addi %iota3A_339, %add3A_342 : vector<128x512xi32>
      %gt3A = vector.broadcast %while3A_308#0 : vector<128x1xf32> to vector<128x512xf32>
      %gt3A_344 = arith.cmpf ogt, %get3A_338, %gt3A : vector<128x512xf32>
      %eq3A = vector.broadcast %while3A_308#0 : vector<128x1xf32> to vector<128x512xf32>
      %eq3A_345 = arith.cmpf oeq, %get3A_338, %eq3A : vector<128x512xf32>
      %gt3A_346 = vector.broadcast %while3A_308#1 : vector<128x1xi32> to vector<128x512xi32>
      %gt3A_347 = arith.cmpi sgt, %add3A_343, %gt3A_346 : vector<128x512xi32>
      %and3A = arith.andi %eq3A_345, %gt3A_347 : vector<128x512xi1>
      %or3A = arith.ori %gt3A_344, %and3A : vector<128x512xi1>
      %jit3A = arith.constant 0x7F800000 : f32
      %broadcast_in_dim3A_348 = vector.broadcast %jit3A : f32 to vector<128x512xf32>
      %select_n3A = arith.select %or3A, %get3A_338, %broadcast_in_dim3A_348 : vector<128x512xi1>, vector<128x512xf32>
      %reduce_min3A = arith.constant dense<0x7F800000> : vector<128xf32>
      %reduce_min3A_349 = vector.multi_reduction <minimumf>, %select_n3A, %reduce_min3A [1] : vector<128x512xf32> to vector<128xf32>
      %broadcast_in_dim3A_350 = vector.shape_cast %reduce_min3A_349 : vector<128xf32> to vector<128x1xf32>
      %eq3A_351 = vector.broadcast %broadcast_in_dim3A_350 : vector<128x1xf32> to vector<128x512xf32>
      %eq3A_352 = arith.cmpf oeq, %get3A_338, %eq3A_351 : vector<128x512xf32>
      %and3A_353 = arith.andi %or3A, %eq3A_352 : vector<128x512xi1>
      %broadcast_in_dim3A_354 = vector.broadcast %while3A_317 : i32 to vector<128x512xi32>
      %select_n3A_355 = arith.select %and3A_353, %add3A_343, %broadcast_in_dim3A_354 : vector<128x512xi1>, vector<128x512xi32>
      %reduce_min3A_356 = arith.constant dense<2147483647> : vector<128xi32>
      %reduce_min3A_357 = vector.multi_reduction <minsi>, %select_n3A_355, %reduce_min3A_356 [1] : vector<128x512xi32> to vector<128xi32>
      %broadcast_in_dim3A_358 = vector.shape_cast %reduce_min3A_357 : vector<128xi32> to vector<128x1xi32>
      %lt3A = arith.cmpf olt, %broadcast_in_dim3A_350, %while3A_332 : vector<128x1xf32>
      %eq3A_359 = arith.cmpf oeq, %broadcast_in_dim3A_350, %while3A_332 : vector<128x1xf32>
      %lt3A_360 = arith.cmpi slt, %broadcast_in_dim3A_358, %while3A_333 : vector<128x1xi32>
      %and3A_361 = arith.andi %eq3A_359, %lt3A_360 : vector<128x1xi1>
      %or3A_362 = arith.ori %lt3A, %and3A_361 : vector<128x1xi1>
      %select_n3A_363 = arith.select %or3A_362, %broadcast_in_dim3A_350, %while3A_332 : vector<128x1xi1>, vector<128x1xf32>
      %select_n3A_364 = arith.select %or3A_362, %broadcast_in_dim3A_358, %while3A_333 : vector<128x1xi1>, vector<128x1xi32>
      scf.yield %select_n3A_363, %select_n3A_364 : vector<128x1xf32>, vector<128x1xi32>
    }
    %swap3A_328 = arith.constant 0 : index
    %swap3A_329 = arith.constant 15 : index
    %swap3A_330 = vector.load %arg7[%swap3A_328, %swap3A_329] : memref<128x16xi32, #tpu.memory_space<vmem>>, vector<128x1xi32>
    tpu.vector_store %arg7[%swap3A_328, %swap3A_329], %while3A_327#1 {strides = array<i32>} : memref<128x16xi32, #tpu.memory_space<vmem>>, vector<128x1xi32>,
    return
  }
  func.func @transform_0(%arg0: i32) -> i32 {
    %c0_i32 = arith.constant 0 : i32
    %c0_i32_0 = arith.constant 0 : i32
    return %c0_i32 : i32
  }
  func.func @transform_1(%arg0: i32) -> i32 {
    %c0_i32 = arith.constant 0 : i32
    %c0_i32_0 = arith.constant 0 : i32
    return %c0_i32 : i32
  }
  func.func @transform_2(%arg0: i32) -> (i32, i32) {
    %c0_i32 = arith.constant 0 : i32
    %c0_i32_0 = arith.constant 0 : i32
    return %arg0, %c0_i32 : i32, i32
  }
  func.func @transform_3(%arg0: i32) -> (i32, i32) {
    %c0_i32 = arith.constant 0 : i32
    %c0_i32_0 = arith.constant 0 : i32
    return %arg0, %c0_i32 : i32, i32
  }
  func.func @transform_4(%arg0: i32) -> (i32, i32, i32) {
    %c0_i32 = arith.constant 0 : i32
    %c0_i32_0 = arith.constant 0 : i32
    %c0_i32_1 = arith.constant 0 : i32
    %c0_i32_2 = arith.constant 0 : i32
    return %c0_i32, %c0_i32_0, %c0_i32_1 : i32, i32, i32
  }
  func.func @transform_5(%arg0: i32) -> (i32, i32, i32) {
    %c0_i32 = arith.constant 0 : i32
    %c0_i32_0 = arith.constant 0 : i32
    %c0_i32_1 = arith.constant 0 : i32
    %c0_i32_2 = arith.constant 0 : i32
    return %c0_i32, %c0_i32_0, %c0_i32_1 : i32, i32, i32
  }
  func.func @transform_6(%arg0: i32) -> (i32, i32) {
    %c0_i32 = arith.constant 0 : i32
    %c0_i32_0 = arith.constant 0 : i32
    return %arg0, %c0_i32 : i32, i32
  }
}

module attributes {stable_mosaic.version = 14 : i64} {
  func.func @_proj_body(%arg0: i32, %arg1: memref<200x128xf32, #tpu.memory_space<vmem>>, %arg2: memref<200x16xf32, #tpu.memory_space<vmem>>, %arg3: memref<128x128xf32, #tpu.memory_space<vmem>>, %arg4: memref<1x128xf32, #tpu.memory_space<vmem>>, %arg5: memref<128x128xf32, #tpu.memory_space<vmem>>, %arg6: memref<200x384xf32, #tpu.memory_space<vmem>>) attributes {dimension_semantics = [#tpu.dimension_semantics<arbitrary>], iteration_bounds = array<i64: 50>, scalar_prefetch = 0 : i64, scratch_operands = 0 : i64, tpu.core_type = #tpu.core_type<tc>, window_params = [{transform_indices = @transform_0, window_bounds = array<i64: 200, 128>}, {transform_indices = @transform_1, window_bounds = array<i64: 200, 16>}, {pipeline_mode = #tpu.pipeline_mode<synchronous>, transform_indices = @transform_2, window_bounds = array<i64: 128, 128>}, {pipeline_mode = #tpu.pipeline_mode<synchronous>, transform_indices = @transform_3, window_bounds = array<i64: 1, 128>}, {pipeline_mode = #tpu.pipeline_mode<synchronous>, transform_indices = @transform_4, window_bounds = array<i64: 128, 128>}, {transform_indices = @transform_5, window_bounds = array<i64: 200, 384>}]} {
    %get3A = arith.constant 0 : index
    %get3A_0 = arith.constant 0 : index
    %get3A_1 = vector.load %arg1[%get3A, %get3A_0] : memref<200x128xf32, #tpu.memory_space<vmem>>, vector<200x128xf32>
    %get3A_2 = arith.constant 0 : index
    %get3A_3 = arith.constant 0 : index
    %get3A_4 = vector.load %arg3[%get3A_2, %get3A_3] : memref<128x128xf32, #tpu.memory_space<vmem>>, vector<128x128xf32>
    %dot_general3A = arith.constant dense<0.000000e+00> : vector<200x128xf32>
    %dot_general3A_5 = tpu.matmul %get3A_1, %get3A_4, %dot_general3A {dimension_numbers = #tpu.dot_dimension_numbers<[1], [0], [0], [1], [0, 0, 1, 1], [], []>, transpose_lhs_hint = false} : vector<200x128xf32>, vector<128x128xf32>, vector<200x128xf32> -> vector<200x128xf32>
    %get3A_6 = arith.constant 0 : index
    %get3A_7 = arith.constant 0 : index
    %get3A_8 = vector.load %arg4[%get3A_6, %get3A_7] : memref<1x128xf32, #tpu.memory_space<vmem>>, vector<1x128xf32>
    %add3A = vector.broadcast %get3A_8 : vector<1x128xf32> to vector<200x128xf32>
    %add3A_9 = arith.addf %dot_general3A_5, %add3A : vector<200x128xf32>
    %get3A_10 = arith.constant 0 : index
    %get3A_11 = arith.constant 0 : index
    %get3A_12 = vector.load %arg5[%get3A_10, %get3A_11] : memref<128x128xf32, #tpu.memory_space<vmem>>, vector<128x128xf32>
    %dot_general3A_13 = arith.constant dense<0.000000e+00> : vector<200x128xf32>
    %dot_general3A_14 = tpu.matmul %get3A_1, %get3A_12, %dot_general3A_13 {dimension_numbers = #tpu.dot_dimension_numbers<[1], [0], [0], [1], [0, 0, 1, 1], [], []>, transpose_lhs_hint = false} : vector<200x128xf32>, vector<128x128xf32>, vector<200x128xf32> -> vector<200x128xf32>
    %swap3A = arith.constant 0 : index
    %swap3A_15 = arith.constant 0 : index
    %swap3A_16 = vector.load %arg6[%swap3A, %swap3A_15] : memref<200x384xf32, #tpu.memory_space<vmem>>, vector<200x128xf32>
    tpu.vector_store %arg6[%swap3A, %swap3A_15], %add3A_9 {strides = array<i32>} : memref<200x384xf32, #tpu.memory_space<vmem>>, vector<200x128xf32>,
    %swap3A_17 = arith.constant 0 : index
    %swap3A_18 = arith.constant 128 : index
    %swap3A_19 = vector.load %arg6[%swap3A_17, %swap3A_18] : memref<200x384xf32, #tpu.memory_space<vmem>>, vector<200x128xf32>
    tpu.vector_store %arg6[%swap3A_17, %swap3A_18], %dot_general3A_14 {strides = array<i32>} : memref<200x384xf32, #tpu.memory_space<vmem>>, vector<200x128xf32>,
    %get3A_20 = arith.constant 0 : index
    %get3A_21 = arith.constant 0 : index
    %get3A_22 = vector.load %arg2[%get3A_20, %get3A_21] : memref<200x16xf32, #tpu.memory_space<vmem>>, vector<200x16xf32>
    %swap3A_23 = arith.constant 0 : index
    %swap3A_24 = arith.constant 256 : index
    %swap3A_25 = vector.load %arg6[%swap3A_23, %swap3A_24] : memref<200x384xf32, #tpu.memory_space<vmem>>, vector<200x16xf32>
    tpu.vector_store %arg6[%swap3A_23, %swap3A_24], %get3A_22 {strides = array<i32>} : memref<200x384xf32, #tpu.memory_space<vmem>>, vector<200x16xf32>,
    return
  }
  func.func @transform_0(%arg0: i32) -> (i32, i32) {
    %c0_i32 = arith.constant 0 : i32
    %c0_i32_0 = arith.constant 0 : i32
    return %arg0, %c0_i32 : i32, i32
  }
  func.func @transform_1(%arg0: i32) -> (i32, i32) {
    %c0_i32 = arith.constant 0 : i32
    %c0_i32_0 = arith.constant 0 : i32
    return %arg0, %c0_i32 : i32, i32
  }
  func.func @transform_2(%arg0: i32) -> (i32, i32) {
    %c0_i32 = arith.constant 0 : i32
    %c0_i32_0 = arith.constant 0 : i32
    %c0_i32_1 = arith.constant 0 : i32
    return %c0_i32, %c0_i32_0 : i32, i32
  }
  func.func @transform_3(%arg0: i32) -> (i32, i32) {
    %c0_i32 = arith.constant 0 : i32
    %c0_i32_0 = arith.constant 0 : i32
    %c0_i32_1 = arith.constant 0 : i32
    return %c0_i32, %c0_i32_0 : i32, i32
  }
  func.func @transform_4(%arg0: i32) -> (i32, i32) {
    %c0_i32 = arith.constant 0 : i32
    %c0_i32_0 = arith.constant 0 : i32
    %c0_i32_1 = arith.constant 0 : i32
    return %c0_i32, %c0_i32_0 : i32, i32
  }
  func.func @transform_5(%arg0: i32) -> (i32, i32) {
    %c0_i32 = arith.constant 0 : i32
    %c0_i32_0 = arith.constant 0 : i32
    return %arg0, %c0_i32 : i32, i32
  }
}

module attributes {stable_mosaic.version = 14 : i64} {
  func.func @_edge_body(%arg0: i32, %arg1: memref<200x128xf32, #tpu.memory_space<vmem>>, %arg2: memref<200x16xf32, #tpu.memory_space<vmem>>, %arg3: memref<16x200x384xf32, #tpu.memory_space<vmem>>, %arg4: memref<128x128xf32, #tpu.memory_space<vmem>>, %arg5: memref<16x128xf32, #tpu.memory_space<vmem>>, %arg6: memref<1x128xf32, #tpu.memory_space<vmem>>, %arg7: memref<1x128xf32, #tpu.memory_space<vmem>>, %arg8: memref<1x128xf32, #tpu.memory_space<vmem>>, %arg9: memref<128x128xf32, #tpu.memory_space<vmem>>, %arg10: memref<1x128xf32, #tpu.memory_space<vmem>>, %arg11: memref<1x128xf32, #tpu.memory_space<vmem>>, %arg12: memref<1x128xf32, #tpu.memory_space<vmem>>, %arg13: memref<128x128xf32, #tpu.memory_space<vmem>>, %arg14: memref<1x128xf32, #tpu.memory_space<vmem>>, %arg15: memref<1x128xf32, #tpu.memory_space<vmem>>, %arg16: memref<1x128xf32, #tpu.memory_space<vmem>>, %arg17: memref<128x128xf32, #tpu.memory_space<vmem>>, %arg18: memref<1x128xf32, #tpu.memory_space<vmem>>, %arg19: memref<1x128xf32, #tpu.memory_space<vmem>>, %arg20: memref<1x128xf32, #tpu.memory_space<vmem>>, %arg21: memref<200x128xf32, #tpu.memory_space<vmem>>, %arg22: memref<16x200x128xf32, #tpu.memory_space<vmem>>, %arg23: memref<16x200x128xf32, #tpu.memory_space<vmem>>) attributes {dimension_semantics = [#tpu.dimension_semantics<arbitrary>], iteration_bounds = array<i64: 50>, scalar_prefetch = 0 : i64, scratch_operands = 2 : i64, tpu.core_type = #tpu.core_type<tc>, window_params = [{transform_indices = @transform_0, window_bounds = array<i64: 200, 128>}, {transform_indices = @transform_1, window_bounds = array<i64: 200, 16>}, {transform_indices = @transform_2, window_bounds = array<i64: 16, 200, 384>}, {pipeline_mode = #tpu.pipeline_mode<synchronous>, transform_indices = @transform_3, window_bounds = array<i64: 128, 128>}, {pipeline_mode = #tpu.pipeline_mode<synchronous>, transform_indices = @transform_4, window_bounds = array<i64: 16, 128>}, {pipeline_mode = #tpu.pipeline_mode<synchronous>, transform_indices = @transform_5, window_bounds = array<i64: 1, 128>}, {pipeline_mode = #tpu.pipeline_mode<synchronous>, transform_indices = @transform_6, window_bounds = array<i64: 1, 128>}, {pipeline_mode = #tpu.pipeline_mode<synchronous>, transform_indices = @transform_7, window_bounds = array<i64: 1, 128>}, {pipeline_mode = #tpu.pipeline_mode<synchronous>, transform_indices = @transform_8, window_bounds = array<i64: 128, 128>}, {pipeline_mode = #tpu.pipeline_mode<synchronous>, transform_indices = @transform_9, window_bounds = array<i64: 1, 128>}, {pipeline_mode = #tpu.pipeline_mode<synchronous>, transform_indices = @transform_10, window_bounds = array<i64: 1, 128>}, {pipeline_mode = #tpu.pipeline_mode<synchronous>, transform_indices = @transform_11, window_bounds = array<i64: 1, 128>}, {pipeline_mode = #tpu.pipeline_mode<synchronous>, transform_indices = @transform_12, window_bounds = array<i64: 128, 128>}, {pipeline_mode = #tpu.pipeline_mode<synchronous>, transform_indices = @transform_13, window_bounds = array<i64: 1, 128>}, {pipeline_mode = #tpu.pipeline_mode<synchronous>, transform_indices = @transform_14, window_bounds = array<i64: 1, 128>}, {pipeline_mode = #tpu.pipeline_mode<synchronous>, transform_indices = @transform_15, window_bounds = array<i64: 1, 128>}, {pipeline_mode = #tpu.pipeline_mode<synchronous>, transform_indices = @transform_16, window_bounds = array<i64: 128, 128>}, {pipeline_mode = #tpu.pipeline_mode<synchronous>, transform_indices = @transform_17, window_bounds = array<i64: 1, 128>}, {pipeline_mode = #tpu.pipeline_mode<synchronous>, transform_indices = @transform_18, window_bounds = array<i64: 1, 128>}, {pipeline_mode = #tpu.pipeline_mode<synchronous>, transform_indices = @transform_19, window_bounds = array<i64: 1, 128>}, {transform_indices = @transform_20, window_bounds = array<i64: 200, 128>}]} {
    %get3A = arith.constant 0 : index
    %get3A_0 = arith.constant 0 : index
    %get3A_1 = vector.load %arg1[%get3A, %get3A_0] : memref<200x128xf32, #tpu.memory_space<vmem>>, vector<200x128xf32>
    %get3A_2 = arith.constant 0 : index
    %get3A_3 = arith.constant 0 : index
    %get3A_4 = vector.load %arg4[%get3A_2, %get3A_3] : memref<128x128xf32, #tpu.memory_space<vmem>>, vector<128x128xf32>
    %dot_general3A = arith.constant dense<0.000000e+00> : vector<200x128xf32>
    %dot_general3A_5 = tpu.matmul %get3A_1, %get3A_4, %dot_general3A {dimension_numbers = #tpu.dot_dimension_numbers<[1], [0], [0], [1], [0, 0, 1, 1], [], []>, transpose_lhs_hint = false} : vector<200x128xf32>, vector<128x128xf32>, vector<200x128xf32> -> vector<200x128xf32>
    %get3A_6 = arith.constant 0 : index
    %get3A_7 = arith.constant 0 : index
    %get3A_8 = vector.load %arg2[%get3A_6, %get3A_7] : memref<200x16xf32, #tpu.memory_space<vmem>>, vector<200x16xf32>
    %broadcast_in_dim3A = arith.constant 0xFF800000 : f32
    %broadcast_in_dim3A_9 = vector.broadcast %broadcast_in_dim3A : f32 to vector<200x128xf32>
    %scan3A = arith.constant 0 : i32
    %scan3A_10 = arith.constant 16 : i32
    %scan3A_11 = arith.addi %scan3A, %scan3A_10 : i32
    %scan3A_12 = arith.constant 1 : i32
    %scan3A_13 = scf.for %scan3A_27 = %scan3A to %scan3A_11 step %scan3A_12 iter_args(%scan3A_28 = %broadcast_in_dim3A_9) -> (vector<200x128xf32>)  : i32 {
      %get3A_29 = arith.index_cast %scan3A_27 : i32 to index
      %get3A_30 = arith.constant 0 : index
      %get3A_31 = arith.constant 0 : index
      %get3A_32 = vector.load %arg3[%get3A_29, %get3A_30, %get3A_31] : memref<16x200x384xf32, #tpu.memory_space<vmem>>, vector<1x200x384xf32>
      %get3A_33 = vector.shape_cast %get3A_32 : vector<1x200x384xf32> to vector<200x384xf32>
      %slice3A = vector.extract_strided_slice %get3A_33 {offsets = [0, 0], sizes = [200, 128], strides = [1, 1]} : vector<200x384xf32> to vector<200x128xf32>
      %slice3A_34 = vector.extract_strided_slice %get3A_33 {offsets = [0, 128], sizes = [200, 128], strides = [1, 1]} : vector<200x384xf32> to vector<200x128xf32>
      %slice3A_35 = vector.extract_strided_slice %get3A_33 {offsets = [0, 256], sizes = [200, 16], strides = [1, 1]} : vector<200x384xf32> to vector<200x16xf32>
      %sub3A = arith.subf %get3A_8, %slice3A_35 : vector<200x16xf32>
      %get3A_36 = arith.constant 0 : index
      %get3A_37 = arith.constant 0 : index
      %get3A_38 = vector.load %arg5[%get3A_36, %get3A_37] : memref<16x128xf32, #tpu.memory_space<vmem>>, vector<16x128xf32>
      %dot_general3A_39 = arith.constant dense<0.000000e+00> : vector<200x128xf32>
      %dot_general3A_40 = tpu.matmul %sub3A, %get3A_38, %dot_general3A_39 {dimension_numbers = #tpu.dot_dimension_numbers<[1], [0], [0], [1], [0, 0, 1, 1], [], []>, transpose_lhs_hint = false} : vector<200x16xf32>, vector<16x128xf32>, vector<200x128xf32> -> vector<200x128xf32>
      %get3A_41 = arith.constant 0 : index
      %get3A_42 = arith.constant 0 : index
      %get3A_43 = vector.load %arg6[%get3A_41, %get3A_42] : memref<1x128xf32, #tpu.memory_space<vmem>>, vector<1x128xf32>
      %add3A = vector.broadcast %get3A_43 : vector<1x128xf32> to vector<200x128xf32>
      %add3A_44 = arith.addf %dot_general3A_40, %add3A : vector<200x128xf32>
      %get3A_45 = arith.constant 0 : index
      %get3A_46 = arith.constant 0 : index
      %get3A_47 = vector.load %arg7[%get3A_45, %get3A_46] : memref<1x128xf32, #tpu.memory_space<vmem>>, vector<1x128xf32>
      %get3A_48 = arith.constant 0 : index
      %get3A_49 = arith.constant 0 : index
      %get3A_50 = vector.load %arg8[%get3A_48, %get3A_49] : memref<1x128xf32, #tpu.memory_space<vmem>>, vector<1x128xf32>
      %reduce_sum3A = arith.constant dense<0.000000e+00> : vector<200xf32>
      %reduce_sum3A_51 = vector.multi_reduction <add>, %add3A_44, %reduce_sum3A [1] : vector<200x128xf32> to vector<200xf32>
      %broadcast_in_dim3A_52 = vector.shape_cast %reduce_sum3A_51 : vector<200xf32> to vector<200x1xf32>
      %div3A_53 = arith.constant 1.280000e+02 : f32
      %div3A_54 = vector.broadcast %div3A_53 : f32 to vector<200x1xf32>
      %div3A_55 = arith.divf %broadcast_in_dim3A_52, %div3A_54 : vector<200x1xf32>
      %jit3A = arith.constant 0 : i32
      %reduce_sum3A_56 = arith.constant dense<0.000000e+00> : vector<200xf32>
      %reduce_sum3A_57 = vector.multi_reduction <add>, %add3A_44, %reduce_sum3A_56 [1] : vector<200x128xf32> to vector<200xf32>
      %broadcast_in_dim3A_58 = vector.shape_cast %reduce_sum3A_57 : vector<200xf32> to vector<200x1xf32>
      %div3A_59 = arith.constant 1.280000e+02 : f32
      %div3A_60 = vector.broadcast %div3A_59 : f32 to vector<200x1xf32>
      %div3A_61 = arith.divf %broadcast_in_dim3A_58, %div3A_60 : vector<200x1xf32>
      %sub3A_62 = vector.broadcast %div3A_61 : vector<200x1xf32> to vector<200x128xf32>
      %sub3A_63 = arith.subf %add3A_44, %sub3A_62 : vector<200x128xf32>
      %square3A = arith.mulf %sub3A_63, %sub3A_63 : vector<200x128xf32>
      %convert_element_type3A = arith.sitofp %jit3A : i32 to f32
      %sub3A_64 = arith.constant 1.280000e+02 : f32
      %sub3A_65 = arith.subf %sub3A_64, %convert_element_type3A : f32
      %reduce_sum3A_66 = arith.constant dense<0.000000e+00> : vector<200xf32>
      %reduce_sum3A_67 = vector.multi_reduction <add>, %square3A, %reduce_sum3A_66 [1] : vector<200x128xf32> to vector<200xf32>
      %broadcast_in_dim3A_68 = vector.shape_cast %reduce_sum3A_67 : vector<200xf32> to vector<200x1xf32>
      %div3A_69 = vector.broadcast %sub3A_65 : f32 to vector<200x1xf32>
      %div3A_70 = arith.divf %broadcast_in_dim3A_68, %div3A_69 : vector<200x1xf32>
      %gt3A = arith.constant 0.000000e+00 : f32
      %gt3A_71 = arith.cmpf ogt, %sub3A_65, %gt3A : f32
      %jit3A_72 = arith.constant 0x7FC00000 : f32
      %broadcast_in_dim3A_73 = vector.broadcast %jit3A_72 : f32 to vector<200x1xf32>
      %select_n3A = arith.select %gt3A_71, %div3A_70, %broadcast_in_dim3A_73 : vector<200x1xf32>
      %sub3A_74 = vector.broadcast %div3A_55 : vector<200x1xf32> to vector<200x128xf32>
      %sub3A_75 = arith.subf %add3A_44, %sub3A_74 : vector<200x128xf32>
      %add3A_76 = arith.constant 9.99999974E-6 : f32
      %add3A_77 = vector.broadcast %add3A_76 : f32 to vector<200x1xf32>
      %add3A_78 = arith.addf %select_n3A, %add3A_77 : vector<200x1xf32>
      %rsqrt3A = math.rsqrt %add3A_78 : vector<200x1xf32>
      %mul3A = vector.broadcast %rsqrt3A : vector<200x1xf32> to vector<200x128xf32>
      %mul3A_79 = arith.mulf %sub3A_75, %mul3A : vector<200x128xf32>
      %mul3A_80 = vector.broadcast %get3A_47 : vector<1x128xf32> to vector<200x128xf32>
      %mul3A_81 = arith.mulf %mul3A_79, %mul3A_80 : vector<200x128xf32>
      %add3A_82 = vector.broadcast %get3A_50 : vector<1x128xf32> to vector<200x128xf32>
      %add3A_83 = arith.addf %mul3A_81, %add3A_82 : vector<200x128xf32>
      %gt3A_84 = arith.constant 0.000000e+00 : f32
      %gt3A_85 = vector.broadcast %gt3A_84 : f32 to vector<200x128xf32>
      %gt3A_86 = arith.cmpf ogt, %add3A_83, %gt3A_85 : vector<200x128xf32>
      %min3A = arith.constant 0.000000e+00 : f32
      %min3A_87 = vector.broadcast %min3A : f32 to vector<200x128xf32>
      %min3A_88 = arith.minimumf %add3A_83, %min3A_87 : vector<200x128xf32>
      %exp3A = math.exp %min3A_88 : vector<200x128xf32>
      %sub3A_89 = arith.constant 1.000000e+00 : f32
      %sub3A_90 = vector.broadcast %sub3A_89 : f32 to vector<200x128xf32>
      %sub3A_91 = arith.subf %exp3A, %sub3A_90 : vector<200x128xf32>
      %select_n3A_92 = arith.select %gt3A_86, %add3A_83, %sub3A_91 : vector<200x128xi1>, vector<200x128xf32>
      %get3A_93 = arith.constant 0 : index
      %get3A_94 = arith.constant 0 : index
      %get3A_95 = vector.load %arg9[%get3A_93, %get3A_94] : memref<128x128xf32, #tpu.memory_space<vmem>>, vector<128x128xf32>
      %dot_general3A_96 = arith.constant dense<0.000000e+00> : vector<200x128xf32>
      %dot_general3A_97 = tpu.matmul %select_n3A_92, %get3A_95, %dot_general3A_96 {dimension_numbers = #tpu.dot_dimension_numbers<[1], [0], [0], [1], [0, 0, 1, 1], [], []>, transpose_lhs_hint = false} : vector<200x128xf32>, vector<128x128xf32>, vector<200x128xf32> -> vector<200x128xf32>
      %get3A_98 = arith.constant 0 : index
      %get3A_99 = arith.constant 0 : index
      %get3A_100 = vector.load %arg10[%get3A_98, %get3A_99] : memref<1x128xf32, #tpu.memory_space<vmem>>, vector<1x128xf32>
      %add3A_101 = vector.broadcast %get3A_100 : vector<1x128xf32> to vector<200x128xf32>
      %add3A_102 = arith.addf %dot_general3A_97, %add3A_101 : vector<200x128xf32>
      %get3A_103 = arith.constant 0 : index
      %get3A_104 = arith.constant 0 : index
      %get3A_105 = vector.load %arg11[%get3A_103, %get3A_104] : memref<1x128xf32, #tpu.memory_space<vmem>>, vector<1x128xf32>
      %get3A_106 = arith.constant 0 : index
      %get3A_107 = arith.constant 0 : index
      %get3A_108 = vector.load %arg12[%get3A_106, %get3A_107] : memref<1x128xf32, #tpu.memory_space<vmem>>, vector<1x128xf32>
      %reduce_sum3A_109 = arith.constant dense<0.000000e+00> : vector<200xf32>
      %reduce_sum3A_110 = vector.multi_reduction <add>, %add3A_102, %reduce_sum3A_109 [1] : vector<200x128xf32> to vector<200xf32>
      %broadcast_in_dim3A_111 = vector.shape_cast %reduce_sum3A_110 : vector<200xf32> to vector<200x1xf32>
      %div3A_112 = arith.constant 1.280000e+02 : f32
      %div3A_113 = vector.broadcast %div3A_112 : f32 to vector<200x1xf32>
      %div3A_114 = arith.divf %broadcast_in_dim3A_111, %div3A_113 : vector<200x1xf32>
      %jit3A_115 = arith.constant 0 : i32
      %reduce_sum3A_116 = arith.constant dense<0.000000e+00> : vector<200xf32>
      %reduce_sum3A_117 = vector.multi_reduction <add>, %add3A_102, %reduce_sum3A_116 [1] : vector<200x128xf32> to vector<200xf32>
      %broadcast_in_dim3A_118 = vector.shape_cast %reduce_sum3A_117 : vector<200xf32> to vector<200x1xf32>
      %div3A_119 = arith.constant 1.280000e+02 : f32
      %div3A_120 = vector.broadcast %div3A_119 : f32 to vector<200x1xf32>
      %div3A_121 = arith.divf %broadcast_in_dim3A_118, %div3A_120 : vector<200x1xf32>
      %sub3A_122 = vector.broadcast %div3A_121 : vector<200x1xf32> to vector<200x128xf32>
      %sub3A_123 = arith.subf %add3A_102, %sub3A_122 : vector<200x128xf32>
      %square3A_124 = arith.mulf %sub3A_123, %sub3A_123 : vector<200x128xf32>
      %convert_element_type3A_125 = arith.sitofp %jit3A_115 : i32 to f32
      %sub3A_126 = arith.constant 1.280000e+02 : f32
      %sub3A_127 = arith.subf %sub3A_126, %convert_element_type3A_125 : f32
      %reduce_sum3A_128 = arith.constant dense<0.000000e+00> : vector<200xf32>
      %reduce_sum3A_129 = vector.multi_reduction <add>, %square3A_124, %reduce_sum3A_128 [1] : vector<200x128xf32> to vector<200xf32>
      %broadcast_in_dim3A_130 = vector.shape_cast %reduce_sum3A_129 : vector<200xf32> to vector<200x1xf32>
      %div3A_131 = vector.broadcast %sub3A_127 : f32 to vector<200x1xf32>
      %div3A_132 = arith.divf %broadcast_in_dim3A_130, %div3A_131 : vector<200x1xf32>
      %gt3A_133 = arith.constant 0.000000e+00 : f32
      %gt3A_134 = arith.cmpf ogt, %sub3A_127, %gt3A_133 : f32
      %jit3A_135 = arith.constant 0x7FC00000 : f32
      %broadcast_in_dim3A_136 = vector.broadcast %jit3A_135 : f32 to vector<200x1xf32>
      %select_n3A_137 = arith.select %gt3A_134, %div3A_132, %broadcast_in_dim3A_136 : vector<200x1xf32>
      %sub3A_138 = vector.broadcast %div3A_114 : vector<200x1xf32> to vector<200x128xf32>
      %sub3A_139 = arith.subf %add3A_102, %sub3A_138 : vector<200x128xf32>
      %add3A_140 = arith.constant 9.99999974E-6 : f32
      %add3A_141 = vector.broadcast %add3A_140 : f32 to vector<200x1xf32>
      %add3A_142 = arith.addf %select_n3A_137, %add3A_141 : vector<200x1xf32>
      %rsqrt3A_143 = math.rsqrt %add3A_142 : vector<200x1xf32>
      %mul3A_144 = vector.broadcast %rsqrt3A_143 : vector<200x1xf32> to vector<200x128xf32>
      %mul3A_145 = arith.mulf %sub3A_139, %mul3A_144 : vector<200x128xf32>
      %mul3A_146 = vector.broadcast %get3A_105 : vector<1x128xf32> to vector<200x128xf32>
      %mul3A_147 = arith.mulf %mul3A_145, %mul3A_146 : vector<200x128xf32>
      %add3A_148 = vector.broadcast %get3A_108 : vector<1x128xf32> to vector<200x128xf32>
      %add3A_149 = arith.addf %mul3A_147, %add3A_148 : vector<200x128xf32>
      %gt3A_150 = arith.constant 0.000000e+00 : f32
      %gt3A_151 = vector.broadcast %gt3A_150 : f32 to vector<200x128xf32>
      %gt3A_152 = arith.cmpf ogt, %add3A_149, %gt3A_151 : vector<200x128xf32>
      %min3A_153 = arith.constant 0.000000e+00 : f32
      %min3A_154 = vector.broadcast %min3A_153 : f32 to vector<200x128xf32>
      %min3A_155 = arith.minimumf %add3A_149, %min3A_154 : vector<200x128xf32>
      %exp3A_156 = math.exp %min3A_155 : vector<200x128xf32>
      %sub3A_157 = arith.constant 1.000000e+00 : f32
      %sub3A_158 = vector.broadcast %sub3A_157 : f32 to vector<200x128xf32>
      %sub3A_159 = arith.subf %exp3A_156, %sub3A_158 : vector<200x128xf32>
      %select_n3A_160 = arith.select %gt3A_152, %add3A_149, %sub3A_159 : vector<200x128xi1>, vector<200x128xf32>
      %sub3A_161 = arith.subf %dot_general3A_5, %slice3A_34 : vector<200x128xf32>
      %add3A_162 = arith.addf %sub3A_161, %select_n3A_160 : vector<200x128xf32>
      %get3A_163 = arith.constant 0 : index
      %get3A_164 = arith.constant 0 : index
      %get3A_165 = vector.load %arg13[%get3A_163, %get3A_164] : memref<128x128xf32, #tpu.memory_space<vmem>>, vector<128x128xf32>
      %dot_general3A_166 = arith.constant dense<0.000000e+00> : vector<200x128xf32>
      %dot_general3A_167 = tpu.matmul %add3A_162, %get3A_165, %dot_general3A_166 {dimension_numbers = #tpu.dot_dimension_numbers<[1], [0], [0], [1], [0, 0, 1, 1], [], []>, transpose_lhs_hint = false} : vector<200x128xf32>, vector<128x128xf32>, vector<200x128xf32> -> vector<200x128xf32>
      %get3A_168 = arith.constant 0 : index
      %get3A_169 = arith.constant 0 : index
      %get3A_170 = vector.load %arg14[%get3A_168, %get3A_169] : memref<1x128xf32, #tpu.memory_space<vmem>>, vector<1x128xf32>
      %add3A_171 = vector.broadcast %get3A_170 : vector<1x128xf32> to vector<200x128xf32>
      %add3A_172 = arith.addf %dot_general3A_167, %add3A_171 : vector<200x128xf32>
      %get3A_173 = arith.constant 0 : index
      %get3A_174 = arith.constant 0 : index
      %get3A_175 = vector.load %arg15[%get3A_173, %get3A_174] : memref<1x128xf32, #tpu.memory_space<vmem>>, vector<1x128xf32>
      %get3A_176 = arith.constant 0 : index
      %get3A_177 = arith.constant 0 : index
      %get3A_178 = vector.load %arg16[%get3A_176, %get3A_177] : memref<1x128xf32, #tpu.memory_space<vmem>>, vector<1x128xf32>
      %reduce_sum3A_179 = arith.constant dense<0.000000e+00> : vector<200xf32>
      %reduce_sum3A_180 = vector.multi_reduction <add>, %add3A_172, %reduce_sum3A_179 [1] : vector<200x128xf32> to vector<200xf32>
      %broadcast_in_dim3A_181 = vector.shape_cast %reduce_sum3A_180 : vector<200xf32> to vector<200x1xf32>
      %div3A_182 = arith.constant 1.280000e+02 : f32
      %div3A_183 = vector.broadcast %div3A_182 : f32 to vector<200x1xf32>
      %div3A_184 = arith.divf %broadcast_in_dim3A_181, %div3A_183 : vector<200x1xf32>
      %jit3A_185 = arith.constant 0 : i32
      %reduce_sum3A_186 = arith.constant dense<0.000000e+00> : vector<200xf32>
      %reduce_sum3A_187 = vector.multi_reduction <add>, %add3A_172, %reduce_sum3A_186 [1] : vector<200x128xf32> to vector<200xf32>
      %broadcast_in_dim3A_188 = vector.shape_cast %reduce_sum3A_187 : vector<200xf32> to vector<200x1xf32>
      %div3A_189 = arith.constant 1.280000e+02 : f32
      %div3A_190 = vector.broadcast %div3A_189 : f32 to vector<200x1xf32>
      %div3A_191 = arith.divf %broadcast_in_dim3A_188, %div3A_190 : vector<200x1xf32>
      %sub3A_192 = vector.broadcast %div3A_191 : vector<200x1xf32> to vector<200x128xf32>
      %sub3A_193 = arith.subf %add3A_172, %sub3A_192 : vector<200x128xf32>
      %square3A_194 = arith.mulf %sub3A_193, %sub3A_193 : vector<200x128xf32>
      %convert_element_type3A_195 = arith.sitofp %jit3A_185 : i32 to f32
      %sub3A_196 = arith.constant 1.280000e+02 : f32
      %sub3A_197 = arith.subf %sub3A_196, %convert_element_type3A_195 : f32
      %reduce_sum3A_198 = arith.constant dense<0.000000e+00> : vector<200xf32>
      %reduce_sum3A_199 = vector.multi_reduction <add>, %square3A_194, %reduce_sum3A_198 [1] : vector<200x128xf32> to vector<200xf32>
      %broadcast_in_dim3A_200 = vector.shape_cast %reduce_sum3A_199 : vector<200xf32> to vector<200x1xf32>
      %div3A_201 = vector.broadcast %sub3A_197 : f32 to vector<200x1xf32>
      %div3A_202 = arith.divf %broadcast_in_dim3A_200, %div3A_201 : vector<200x1xf32>
      %gt3A_203 = arith.constant 0.000000e+00 : f32
      %gt3A_204 = arith.cmpf ogt, %sub3A_197, %gt3A_203 : f32
      %jit3A_205 = arith.constant 0x7FC00000 : f32
      %broadcast_in_dim3A_206 = vector.broadcast %jit3A_205 : f32 to vector<200x1xf32>
      %select_n3A_207 = arith.select %gt3A_204, %div3A_202, %broadcast_in_dim3A_206 : vector<200x1xf32>
      %sub3A_208 = vector.broadcast %div3A_184 : vector<200x1xf32> to vector<200x128xf32>
      %sub3A_209 = arith.subf %add3A_172, %sub3A_208 : vector<200x128xf32>
      %add3A_210 = arith.constant 9.99999974E-6 : f32
      %add3A_211 = vector.broadcast %add3A_210 : f32 to vector<200x1xf32>
      %add3A_212 = arith.addf %select_n3A_207, %add3A_211 : vector<200x1xf32>
      %rsqrt3A_213 = math.rsqrt %add3A_212 : vector<200x1xf32>
      %mul3A_214 = vector.broadcast %rsqrt3A_213 : vector<200x1xf32> to vector<200x128xf32>
      %mul3A_215 = arith.mulf %sub3A_209, %mul3A_214 : vector<200x128xf32>
      %mul3A_216 = vector.broadcast %get3A_175 : vector<1x128xf32> to vector<200x128xf32>
      %mul3A_217 = arith.mulf %mul3A_215, %mul3A_216 : vector<200x128xf32>
      %add3A_218 = vector.broadcast %get3A_178 : vector<1x128xf32> to vector<200x128xf32>
      %add3A_219 = arith.addf %mul3A_217, %add3A_218 : vector<200x128xf32>
      %gt3A_220 = arith.constant 0.000000e+00 : f32
      %gt3A_221 = vector.broadcast %gt3A_220 : f32 to vector<200x128xf32>
      %gt3A_222 = arith.cmpf ogt, %add3A_219, %gt3A_221 : vector<200x128xf32>
      %min3A_223 = arith.constant 0.000000e+00 : f32
      %min3A_224 = vector.broadcast %min3A_223 : f32 to vector<200x128xf32>
      %min3A_225 = arith.minimumf %add3A_219, %min3A_224 : vector<200x128xf32>
      %exp3A_226 = math.exp %min3A_225 : vector<200x128xf32>
      %sub3A_227 = arith.constant 1.000000e+00 : f32
      %sub3A_228 = vector.broadcast %sub3A_227 : f32 to vector<200x128xf32>
      %sub3A_229 = arith.subf %exp3A_226, %sub3A_228 : vector<200x128xf32>
      %select_n3A_230 = arith.select %gt3A_222, %add3A_219, %sub3A_229 : vector<200x128xi1>, vector<200x128xf32>
      %get3A_231 = arith.constant 0 : index
      %get3A_232 = arith.constant 0 : index
      %get3A_233 = vector.load %arg17[%get3A_231, %get3A_232] : memref<128x128xf32, #tpu.memory_space<vmem>>, vector<128x128xf32>
      %dot_general3A_234 = arith.constant dense<0.000000e+00> : vector<200x128xf32>
      %dot_general3A_235 = tpu.matmul %select_n3A_230, %get3A_233, %dot_general3A_234 {dimension_numbers = #tpu.dot_dimension_numbers<[1], [0], [0], [1], [0, 0, 1, 1], [], []>, transpose_lhs_hint = false} : vector<200x128xf32>, vector<128x128xf32>, vector<200x128xf32> -> vector<200x128xf32>
      %get3A_236 = arith.constant 0 : index
      %get3A_237 = arith.constant 0 : index
      %get3A_238 = vector.load %arg18[%get3A_236, %get3A_237] : memref<1x128xf32, #tpu.memory_space<vmem>>, vector<1x128xf32>
      %add3A_239 = vector.broadcast %get3A_238 : vector<1x128xf32> to vector<200x128xf32>
      %add3A_240 = arith.addf %dot_general3A_235, %add3A_239 : vector<200x128xf32>
      %get3A_241 = arith.constant 0 : index
      %get3A_242 = arith.constant 0 : index
      %get3A_243 = vector.load %arg19[%get3A_241, %get3A_242] : memref<1x128xf32, #tpu.memory_space<vmem>>, vector<1x128xf32>
      %get3A_244 = arith.constant 0 : index
      %get3A_245 = arith.constant 0 : index
      %get3A_246 = vector.load %arg20[%get3A_244, %get3A_245] : memref<1x128xf32, #tpu.memory_space<vmem>>, vector<1x128xf32>
      %reduce_sum3A_247 = arith.constant dense<0.000000e+00> : vector<200xf32>
      %reduce_sum3A_248 = vector.multi_reduction <add>, %add3A_240, %reduce_sum3A_247 [1] : vector<200x128xf32> to vector<200xf32>
      %broadcast_in_dim3A_249 = vector.shape_cast %reduce_sum3A_248 : vector<200xf32> to vector<200x1xf32>
      %div3A_250 = arith.constant 1.280000e+02 : f32
      %div3A_251 = vector.broadcast %div3A_250 : f32 to vector<200x1xf32>
      %div3A_252 = arith.divf %broadcast_in_dim3A_249, %div3A_251 : vector<200x1xf32>
      %jit3A_253 = arith.constant 0 : i32
      %reduce_sum3A_254 = arith.constant dense<0.000000e+00> : vector<200xf32>
      %reduce_sum3A_255 = vector.multi_reduction <add>, %add3A_240, %reduce_sum3A_254 [1] : vector<200x128xf32> to vector<200xf32>
      %broadcast_in_dim3A_256 = vector.shape_cast %reduce_sum3A_255 : vector<200xf32> to vector<200x1xf32>
      %div3A_257 = arith.constant 1.280000e+02 : f32
      %div3A_258 = vector.broadcast %div3A_257 : f32 to vector<200x1xf32>
      %div3A_259 = arith.divf %broadcast_in_dim3A_256, %div3A_258 : vector<200x1xf32>
      %sub3A_260 = vector.broadcast %div3A_259 : vector<200x1xf32> to vector<200x128xf32>
      %sub3A_261 = arith.subf %add3A_240, %sub3A_260 : vector<200x128xf32>
      %square3A_262 = arith.mulf %sub3A_261, %sub3A_261 : vector<200x128xf32>
      %convert_element_type3A_263 = arith.sitofp %jit3A_253 : i32 to f32
      %sub3A_264 = arith.constant 1.280000e+02 : f32
      %sub3A_265 = arith.subf %sub3A_264, %convert_element_type3A_263 : f32
      %reduce_sum3A_266 = arith.constant dense<0.000000e+00> : vector<200xf32>
      %reduce_sum3A_267 = vector.multi_reduction <add>, %square3A_262, %reduce_sum3A_266 [1] : vector<200x128xf32> to vector<200xf32>
      %broadcast_in_dim3A_268 = vector.shape_cast %reduce_sum3A_267 : vector<200xf32> to vector<200x1xf32>
      %div3A_269 = vector.broadcast %sub3A_265 : f32 to vector<200x1xf32>
      %div3A_270 = arith.divf %broadcast_in_dim3A_268, %div3A_269 : vector<200x1xf32>
      %gt3A_271 = arith.constant 0.000000e+00 : f32
      %gt3A_272 = arith.cmpf ogt, %sub3A_265, %gt3A_271 : f32
      %jit3A_273 = arith.constant 0x7FC00000 : f32
      %broadcast_in_dim3A_274 = vector.broadcast %jit3A_273 : f32 to vector<200x1xf32>
      %select_n3A_275 = arith.select %gt3A_272, %div3A_270, %broadcast_in_dim3A_274 : vector<200x1xf32>
      %sub3A_276 = vector.broadcast %div3A_252 : vector<200x1xf32> to vector<200x128xf32>
      %sub3A_277 = arith.subf %add3A_240, %sub3A_276 : vector<200x128xf32>
      %add3A_278 = arith.constant 9.99999974E-6 : f32
      %add3A_279 = vector.broadcast %add3A_278 : f32 to vector<200x1xf32>
      %add3A_280 = arith.addf %select_n3A_275, %add3A_279 : vector<200x1xf32>
      %rsqrt3A_281 = math.rsqrt %add3A_280 : vector<200x1xf32>
      %mul3A_282 = vector.broadcast %rsqrt3A_281 : vector<200x1xf32> to vector<200x128xf32>
      %mul3A_283 = arith.mulf %sub3A_277, %mul3A_282 : vector<200x128xf32>
      %mul3A_284 = vector.broadcast %get3A_243 : vector<1x128xf32> to vector<200x128xf32>
      %mul3A_285 = arith.mulf %mul3A_283, %mul3A_284 : vector<200x128xf32>
      %add3A_286 = vector.broadcast %get3A_246 : vector<1x128xf32> to vector<200x128xf32>
      %add3A_287 = arith.addf %mul3A_285, %add3A_286 : vector<200x128xf32>
      %gt3A_288 = arith.constant 0.000000e+00 : f32
      %gt3A_289 = vector.broadcast %gt3A_288 : f32 to vector<200x128xf32>
      %gt3A_290 = arith.cmpf ogt, %add3A_287, %gt3A_289 : vector<200x128xf32>
      %min3A_291 = arith.constant 0.000000e+00 : f32
      %min3A_292 = vector.broadcast %min3A_291 : f32 to vector<200x128xf32>
      %min3A_293 = arith.minimumf %add3A_287, %min3A_292 : vector<200x128xf32>
      %exp3A_294 = math.exp %min3A_293 : vector<200x128xf32>
      %sub3A_295 = arith.constant 1.000000e+00 : f32
      %sub3A_296 = vector.broadcast %sub3A_295 : f32 to vector<200x128xf32>
      %sub3A_297 = arith.subf %exp3A_294, %sub3A_296 : vector<200x128xf32>
      %select_n3A_298 = arith.select %gt3A_290, %add3A_287, %sub3A_297 : vector<200x128xi1>, vector<200x128xf32>
      %swap3A_299 = arith.index_cast %scan3A_27 : i32 to index
      %swap3A_300 = arith.constant 0 : index
      %swap3A_301 = arith.constant 0 : index
      %swap3A_302 = vector.load %arg22[%swap3A_299, %swap3A_300, %swap3A_301] : memref<16x200x128xf32, #tpu.memory_space<vmem>>, vector<1x200x128xf32>
      %swap3A_303 = vector.shape_cast %swap3A_302 : vector<1x200x128xf32> to vector<200x128xf32>
      %swap3A_304 = vector.shape_cast %select_n3A_298 : vector<200x128xf32> to vector<1x200x128xf32>
      tpu.vector_store %arg22[%swap3A_299, %swap3A_300, %swap3A_301], %swap3A_304 {strides = array<i32>} : memref<16x200x128xf32, #tpu.memory_space<vmem>>, vector<1x200x128xf32>,
      %add3A_305 = arith.addf %slice3A, %select_n3A_160 : vector<200x128xf32>
      %swap3A_306 = arith.index_cast %scan3A_27 : i32 to index
      %swap3A_307 = arith.constant 0 : index
      %swap3A_308 = arith.constant 0 : index
      %swap3A_309 = vector.load %arg23[%swap3A_306, %swap3A_307, %swap3A_308] : memref<16x200x128xf32, #tpu.memory_space<vmem>>, vector<1x200x128xf32>
      %swap3A_310 = vector.shape_cast %swap3A_309 : vector<1x200x128xf32> to vector<200x128xf32>
      %swap3A_311 = vector.shape_cast %add3A_305 : vector<200x128xf32> to vector<1x200x128xf32>
      tpu.vector_store %arg23[%swap3A_306, %swap3A_307, %swap3A_308], %swap3A_311 {strides = array<i32>} : memref<16x200x128xf32, #tpu.memory_space<vmem>>, vector<1x200x128xf32>,
      %max3A = arith.maximumf %scan3A_28, %select_n3A_298 : vector<200x128xf32>
      scf.yield %max3A : vector<200x128xf32>
    }
    %scan3A_14 = arith.constant 16 : i32
    %broadcast_in_dim3A_15 = arith.constant 0.000000e+00 : f32
    %broadcast_in_dim3A_16 = vector.broadcast %broadcast_in_dim3A_15 : f32 to vector<200x128xf32>
    %broadcast_in_dim3A_17 = arith.constant 0.000000e+00 : f32
    %broadcast_in_dim3A_18 = vector.broadcast %broadcast_in_dim3A_17 : f32 to vector<200x128xf32>
    %scan3A_19 = arith.constant 0 : i32
    %scan3A_20 = arith.constant 16 : i32
    %scan3A_21 = arith.addi %scan3A_19, %scan3A_20 : i32
    %scan3A_22 = arith.constant 1 : i32
    %scan3A_23:2 = scf.for %scan3A_27 = %scan3A_19 to %scan3A_21 step %scan3A_22 iter_args(%scan3A_28 = %broadcast_in_dim3A_16, %scan3A_29 = %broadcast_in_dim3A_18) -> (vector<200x128xf32>, vector<200x128xf32>)  : i32 {
      %get3A_30 = arith.index_cast %scan3A_27 : i32 to index
      %get3A_31 = arith.constant 0 : index
      %get3A_32 = arith.constant 0 : index
      %get3A_33 = vector.load %arg22[%get3A_30, %get3A_31, %get3A_32] : memref<16x200x128xf32, #tpu.memory_space<vmem>>, vector<1x200x128xf32>
      %get3A_34 = vector.shape_cast %get3A_33 : vector<1x200x128xf32> to vector<200x128xf32>
      %sub3A = arith.subf %get3A_34, %scan3A_13 : vector<200x128xf32>
      %exp3A = math.exp %sub3A : vector<200x128xf32>
      %add3A = arith.addf %scan3A_28, %exp3A : vector<200x128xf32>
      %get3A_35 = arith.index_cast %scan3A_27 : i32 to index
      %get3A_36 = arith.constant 0 : index
      %get3A_37 = arith.constant 0 : index
      %get3A_38 = vector.load %arg23[%get3A_35, %get3A_36, %get3A_37] : memref<16x200x128xf32, #tpu.memory_space<vmem>>, vector<1x200x128xf32>
      %get3A_39 = vector.shape_cast %get3A_38 : vector<1x200x128xf32> to vector<200x128xf32>
      %mul3A = arith.mulf %exp3A, %get3A_39 : vector<200x128xf32>
      %add3A_40 = arith.addf %scan3A_29, %mul3A : vector<200x128xf32>
      scf.yield %add3A, %add3A_40 : vector<200x128xf32>, vector<200x128xf32>
    }
    %scan3A_24 = arith.constant 16 : i32
    %div3A = arith.divf %scan3A_23#1, %scan3A_23#0 : vector<200x128xf32>
    %swap3A = arith.constant 0 : index
    %swap3A_25 = arith.constant 0 : index
    %swap3A_26 = vector.load %arg21[%swap3A, %swap3A_25] : memref<200x128xf32, #tpu.memory_space<vmem>>, vector<200x128xf32>
    tpu.vector_store %arg21[%swap3A, %swap3A_25], %div3A {strides = array<i32>} : memref<200x128xf32, #tpu.memory_space<vmem>>, vector<200x128xf32>,
    return
  }
  func.func @transform_0(%arg0: i32) -> (i32, i32) {
    %c0_i32 = arith.constant 0 : i32
    %c0_i32_0 = arith.constant 0 : i32
    return %arg0, %c0_i32 : i32, i32
  }
  func.func @transform_1(%arg0: i32) -> (i32, i32) {
    %c0_i32 = arith.constant 0 : i32
    %c0_i32_0 = arith.constant 0 : i32
    return %arg0, %c0_i32 : i32, i32
  }
  func.func @transform_2(%arg0: i32) -> (i32, i32, i32) {
    %c0_i32 = arith.constant 0 : i32
    %c0_i32_0 = arith.constant 0 : i32
    %c0_i32_1 = arith.constant 0 : i32
    return %c0_i32, %arg0, %c0_i32_0 : i32, i32, i32
  }
  func.func @transform_3(%arg0: i32) -> (i32, i32) {
    %c0_i32 = arith.constant 0 : i32
    %c0_i32_0 = arith.constant 0 : i32
    %c0_i32_1 = arith.constant 0 : i32
    return %c0_i32, %c0_i32_0 : i32, i32
  }
  func.func @transform_4(%arg0: i32) -> (i32, i32) {
    %c0_i32 = arith.constant 0 : i32
    %c0_i32_0 = arith.constant 0 : i32
    %c0_i32_1 = arith.constant 0 : i32
    return %c0_i32, %c0_i32_0 : i32, i32
  }
  func.func @transform_5(%arg0: i32) -> (i32, i32) {
    %c0_i32 = arith.constant 0 : i32
    %c0_i32_0 = arith.constant 0 : i32
    %c0_i32_1 = arith.constant 0 : i32
    return %c0_i32, %c0_i32_0 : i32, i32
  }
  func.func @transform_6(%arg0: i32) -> (i32, i32) {
    %c0_i32 = arith.constant 0 : i32
    %c0_i32_0 = arith.constant 0 : i32
    %c0_i32_1 = arith.constant 0 : i32
    return %c0_i32, %c0_i32_0 : i32, i32
  }
  func.func @transform_7(%arg0: i32) -> (i32, i32) {
    %c0_i32 = arith.constant 0 : i32
    %c0_i32_0 = arith.constant 0 : i32
    %c0_i32_1 = arith.constant 0 : i32
    return %c0_i32, %c0_i32_0 : i32, i32
  }
  func.func @transform_8(%arg0: i32) -> (i32, i32) {
    %c0_i32 = arith.constant 0 : i32
    %c0_i32_0 = arith.constant 0 : i32
    %c0_i32_1 = arith.constant 0 : i32
    return %c0_i32, %c0_i32_0 : i32, i32
  }
  func.func @transform_9(%arg0: i32) -> (i32, i32) {
    %c0_i32 = arith.constant 0 : i32
    %c0_i32_0 = arith.constant 0 : i32
    %c0_i32_1 = arith.constant 0 : i32
    return %c0_i32, %c0_i32_0 : i32, i32
  }
  func.func @transform_10(%arg0: i32) -> (i32, i32) {
    %c0_i32 = arith.constant 0 : i32
    %c0_i32_0 = arith.constant 0 : i32
    %c0_i32_1 = arith.constant 0 : i32
    return %c0_i32, %c0_i32_0 : i32, i32
  }
  func.func @transform_11(%arg0: i32) -> (i32, i32) {
    %c0_i32 = arith.constant 0 : i32
    %c0_i32_0 = arith.constant 0 : i32
    %c0_i32_1 = arith.constant 0 : i32
    return %c0_i32, %c0_i32_0 : i32, i32
  }
  func.func @transform_12(%arg0: i32) -> (i32, i32) {
    %c0_i32 = arith.constant 0 : i32
    %c0_i32_0 = arith.constant 0 : i32
    %c0_i32_1 = arith.constant 0 : i32
    return %c0_i32, %c0_i32_0 : i32, i32
  }
  func.func @transform_13(%arg0: i32) -> (i32, i32) {
    %c0_i32 = arith.constant 0 : i32
    %c0_i32_0 = arith.constant 0 : i32
    %c0_i32_1 = arith.constant 0 : i32
    return %c0_i32, %c0_i32_0 : i32, i32
  }
  func.func @transform_14(%arg0: i32) -> (i32, i32) {
    %c0_i32 = arith.constant 0 : i32
    %c0_i32_0 = arith.constant 0 : i32
    %c0_i32_1 = arith.constant 0 : i32
    return %c0_i32, %c0_i32_0 : i32, i32
  }
  func.func @transform_15(%arg0: i32) -> (i32, i32) {
    %c0_i32 = arith.constant 0 : i32
    %c0_i32_0 = arith.constant 0 : i32
    %c0_i32_1 = arith.constant 0 : i32
    return %c0_i32, %c0_i32_0 : i32, i32
  }
  func.func @transform_16(%arg0: i32) -> (i32, i32) {
    %c0_i32 = arith.constant 0 : i32
    %c0_i32_0 = arith.constant 0 : i32
    %c0_i32_1 = arith.constant 0 : i32
    return %c0_i32, %c0_i32_0 : i32, i32
  }
  func.func @transform_17(%arg0: i32) -> (i32, i32) {
    %c0_i32 = arith.constant 0 : i32
    %c0_i32_0 = arith.constant 0 : i32
    %c0_i32_1 = arith.constant 0 : i32
    return %c0_i32, %c0_i32_0 : i32, i32
  }
  func.func @transform_18(%arg0: i32) -> (i32, i32) {
    %c0_i32 = arith.constant 0 : i32
    %c0_i32_0 = arith.constant 0 : i32
    %c0_i32_1 = arith.constant 0 : i32
    return %c0_i32, %c0_i32_0 : i32, i32
  }
  func.func @transform_19(%arg0: i32) -> (i32, i32) {
    %c0_i32 = arith.constant 0 : i32
    %c0_i32_0 = arith.constant 0 : i32
    %c0_i32_1 = arith.constant 0 : i32
    return %c0_i32, %c0_i32_0 : i32, i32
  }
  func.func @transform_20(%arg0: i32) -> (i32, i32) {
    %c0_i32 = arith.constant 0 : i32
    %c0_i32_0 = arith.constant 0 : i32
    return %arg0, %c0_i32 : i32, i32
  }
}

</mosaic_0001>

<sc_bundles>
// kernel: kernel.6.cloned.1.call-start
scs
__scs_entry_jumppad:
0x0: {  	(pc) =	sbr.rel $0x88, $3  }
0x1: {  	(tag) =	ssettag $0x0;
	lr =	simm.s32 $0x1  }
0x2: {  	[smem:$0x3F8A] =	sst lr;
	_ =	strace $0xD0000000  }
0x3: {  	_ = 	snop  }
0x4: {  	_ = 	snop  }
0x5: {  	_ = 	snop  }
0x6: {  	_ = 	snop  }
0x7: {  	_ = 	snop  }
__scs_overlays_trampoline_lowered:
0x8: {  	[smem:$0x3F99] =	sst s0  }
0x9: {  	[smem:$0x3F9A] =	sst s1  }
0xa: {  	[smem:$0x3F9B] =	sst s2  }
0xb: {  	[smem:$0x3F9C] =	sst s3  }
0xc: {  	[smem:$0x3F9D] =	sst s4  }
0xd: {  	[smem:$0x3F9E] =	sst s5  }
0xe: {  	[smem:$0x3F9F] =	sst s6  }
0xf: {  	[smem:$0x3FA0] =	sst s7  }
0x10: {  	[smem:$0x3FA1] =	sst s8  }
0x11: {  	[smem:$0x3FA2] =	sst s9;
	s0 =	simm.s32 @!p0 $0x0  }
0x12: {  	s1 =	sld [smem:$0x3F88];
	s0 =	simm.s32 @p0 $0x1  }
0x13: {  	[smem:$0x3FA3] =	sst s0;
	s0 =	simm.s32 @!p1 $0x0  }
0x14: {  	s2 =	sld [smem:$0x3F87];
	s0 =	simm.s32 @p1 $0x1  }
0x15: {  	[smem:$0x3FA4] =	sst s0;
	s0 =	simm.s32 @!p2 $0x0  }
0x16: {  	s3 =	sld [smem:$0x3FDB];
	s0 =	simm.s32 @p2 $0x1  }
0x17: {  	s4 =	simm.s32 $0x1BF5;
	[smem:$0x3FA6] =	sst s0  }
0x18: {  	s0 =	sld [smem:$0x3F89];
	_ =	swait.ge [sflag:s4], $0x0  }
0x19: {  	s7 =	sld [smem:$0x3F8A]  }
0x1a: {  	s8 =	sadd.s32 $0xFFFFE003, lr  }
0x1b: {  	s9 =	sadd.s32 $0xFFFFFEF7, lr;
	s5 =	simm.s32 $0xFFFFFFFF;
	p2 =	slt.u32 s8, $0xFFFFF086  }
0x1c: {  	p1 =	slt.u32 s9, $0xF7A;
	s5 =	simm.s32 @!p2 $0x0  }
0x1d: {  	s5 =	simm.s32 @p1 $0x1;
	p0 =	seq.s32 s7, s2  }
0x1e: {  	s7 =	smul.u32 @!p0 $0xF7A, s2;
	p2 =	seq.s32 @!p0 s5, $0x0  }
0x1f: {  	s9 =	smul.u32 $0xF7A, s1;
	s8 =	simm.s32 @!p0 $0x1BF5;
	p2 =	por !p2, p0  }
0x20: {  	[sflag:s8] =	ssyncset.s32 @!p0 $0xFFFFF086;
	s6 =	sadd.s32 @!p0 s3, s7;
	s7 =	simm.s32 @!p0 $0x108  }
0x21: {  	s3 =	sadd.s32 s3, s9;
	s6 =	sadd.s32 @!p0 $0x88, s6;
	s7 =	simm.s32 @p2 $0x1082  }
0x22: {  	[simem:s7], [sflag:s8] =	dma.local @!p0 [hbm:s6], $0xF7A  }
0x23: {  	s9 =	sor.u32 $0xD0000000, s2;
	s6 =	simm.s32 $0x108;
	_ =	swait.ge @!p0 [sflag:s8], $0x0  }
0x24: {  	s3 =	sadd.s32 $0x88, s3;
	s6 =	simm.s32 @!p1 $0x1082;
	[sflag:s4] =	ssyncset.s32 $0xFFFFF086  }
0x25: {  	[simem:s6], [sflag:s4] =	dma.local [hbm:s3], $0xF7A  }
0x26: {  	[smem:$0x3F8A] =	sst s1;
	(tag) =	ssettag s2;
	_ =	strace s9  }
0x27: {  	s1 =	sld [smem:$0x3F9A]  }
0x28: {  	s2 =	sld [smem:$0x3F9B]  }
0x29: {  	s4 =	sld [smem:$0x3F9D]  }
0x2a: {  	p0 =	seq.s32 s5, $0x0;
	s5 =	sld [smem:$0x3F9E]  }
0x2b: {  	s6 =	sld [smem:$0x3F9F]  }
0x2c: {  	s7 =	sld [smem:$0x3FA0]  }
0x2d: {  	s3 =	simm.s32 $0x108;
	s8 =	sld [smem:$0x3FA1]  }
0x2e: {  	s3 =	simm.s32 @!p0 $0x1082;
	s9 =	sld [smem:$0x3FA2]  }
0x2f: {  	lr =	sadd.s32 s0, s3;
	s0 =	sld [smem:$0x3F99]  }
0x30: {  	s3 =	sld [smem:$0x3F9C]  }
0x31: {  	[smem:$0x3FA5] =	sst s10  }
0x32: {  	s10 =	sld [smem:$0x3FA3];
	_ =	sdelay $0x3  }
0x33: {  	p0 =	seq.s32 s10, $0x1;
	s10 =	sld [smem:$0x3FA5];
	_ =	sdelay $0x3  }
0x34: {  	[smem:$0x3FA5] =	sst s10  }
0x35: {  	s10 =	sld [smem:$0x3FA4];
	_ =	sdelay $0x3  }
0x36: {  	p1 =	seq.s32 s10, $0x1;
	s10 =	sld [smem:$0x3FA5];
	_ =	sdelay $0x3  }
0x37: {  	[smem:$0x3FA5] =	sst s10  }
0x38: {  	s10 =	sld [smem:$0x3FA6]  }
0x39: {  	_ = 	snop;
	(pc) =	sbr.ind lr, $3  }
0x3a: {  	_ = 	snop  }
0x3b: {  	_ = 	snop  }
0x3c: {  	p2 =	seq.s32 s10, $0x1;
	s10 =	sld [smem:$0x3FA5]  }
0x3d: {  	_ =	shalt  }
0x3e: {  	_ =	shalt  }
0x3f: {  	_ =	shalt  }
0x40: {  	_ =	shalt  }
0x41: {  	_ =	shalt  }
0x42: {  	_ =	shalt  }
0x43: {  	_ =	shalt  }
0x44: {  	_ =	shalt  }
0x45: {  	_ =	shalt  }
0x46: {  	_ =	shalt  }
0x47: {  	_ =	shalt  }
0x48: {  	_ =	shalt  }
0x49: {  	_ =	shalt  }
0x4a: {  	_ =	shalt  }
0x4b: {  	_ =	shalt  }
0x4c: {  	_ =	shalt  }
0x4d: {  	_ =	shalt  }
0x4e: {  	_ =	shalt  }
0x4f: {  	_ =	shalt  }
0x50: {  	_ =	shalt  }
0x51: {  	_ =	shalt  }
0x52: {  	_ =	shalt  }
0x53: {  	_ =	shalt  }
0x54: {  	_ =	shalt  }
0x55: {  	_ =	shalt  }
0x56: {  	_ =	shalt  }
0x57: {  	_ =	shalt  }
0x58: {  	_ =	shalt  }
0x59: {  	_ =	shalt  }
0x5a: {  	_ =	shalt  }
0x5b: {  	_ =	shalt  }
0x5c: {  	_ =	shalt  }
0x5d: {  	_ =	shalt  }
0x5e: {  	_ =	shalt  }
0x5f: {  	_ =	shalt  }
0x60: {  	_ =	shalt  }
0x61: {  	_ =	shalt  }
0x62: {  	_ =	shalt  }
0x63: {  	_ =	shalt  }
0x64: {  	_ =	shalt  }
0x65: {  	_ =	shalt  }
0x66: {  	_ =	shalt  }
0x67: {  	_ =	shalt  }
0x68: {  	_ =	shalt  }
0x69: {  	_ =	shalt  }
0x6a: {  	_ =	shalt  }
0x6b: {  	_ =	shalt  }
0x6c: {  	_ =	shalt  }
0x6d: {  	_ =	shalt  }
0x6e: {  	_ =	shalt  }
0x6f: {  	_ =	shalt  }
0x70: {  	_ =	shalt  }
0x71: {  	_ =	shalt  }
0x72: {  	_ =	shalt  }
0x73: {  	_ =	shalt  }
0x74: {  	_ =	shalt  }
0x75: {  	_ =	shalt  }
0x76: {  	_ =	shalt  }
0x77: {  	_ =	shalt  }
0x78: {  	_ =	shalt  }
0x79: {  	_ =	shalt  }
0x7a: {  	_ =	shalt  }
0x7b: {  	_ =	shalt  }
0x7c: {  	_ =	shalt  }
0x7d: {  	_ =	shalt  }
0x7e: {  	_ =	shalt  }
0x7f: {  	_ =	shalt  }
0x80: {  	_ =	shalt  }
0x81: {  	_ =	shalt  }
0x82: {  	_ =	shalt  }
0x83: {  	_ =	shalt  }
0x84: {  	_ =	shalt  }
0x85: {  	_ =	shalt  }
0x86: {  	_ =	shalt  }
0x87: {  	_ =	shalt  }
.Lfunc_end0:
.L_simem_size_0:
called_computation_lowered:
.L_overlay_start_0:
0x88: {  	s2 =	sld [smem:$0x3FD9]  }
0x89: {  	s3 =	sld [smem:$0x3FFE];
	_ =	sdelay $0x1  }
0x8a: {  	s1 =	srdreg.scid  }
0x8b: {  	s0 =	sand.u32 $0x1, s1  }
0x8c: {  	s16 =	sshll.u32 s0, $0xA;
	s2 =	sadd.s32 s3, s2  }
0x8d: {  	s2 =	sadd.s32 s2, s16  }
0x8e: {  	[smem:$0x3FB1] =	sst s2  }
0x8f: {  	_ = 	snop  }
0x90: {  	(tm) =	ssettm $0x1  }
0x91: {  	s17 =	sld [smem:$0x3FFB];
	_ =	sdelay $0x3  }
0x92: {  	_ =	strace s17  }
0x93: {  	s2 =	sld [smem:$0x3FFC];
	_ =	sdelay $0x3  }
0x94: {  	_ =	strace s2  }
0x95: {  	s2 =	sld [smem:$0x3FFD];
	_ =	sdelay $0x3  }
0x96: {  	_ =	strace s2  }
0x97: {  	_ =	strace $0x8FFFFFFF  }
0x98: {  	s18 =	sld [smem:$0x3FDB];
	_ =	sdelay $0x1  }
0x99: {  	s19 =	simm.s32 $_scs_section_size  }
0x9a: {  	s4 =	simm.s32 $_size__tile_overlayer_lowered;
	s5 =	simm.s32 $_tile_overlayer_lowered  }
0x9b: {  	s22 =	simm.s32 $0x1BFF;
	s21 =	sshll.u32 s5, $0x1;
	s2 =	sadd.s32 s19, s18  }
0x9c: {  	s6 =	simm.s32 $0x0;
	s20 =	sshll.u32 s4, $0x1;
	s4 =	sadd.s32 s21, s2  }
0x9d: {  	[timem:s6], [sflag:s22] =	dma.local [hbm:s4], s20  }
0x9e: {  	_ =	swait.ge [sflag:s22], s20  }
0x9f: {  	s3 =	ssub.s32 $0x0, s20;
	[sflag:s22] =	ssyncset.done $0x0  }
0xa0: {  	[sflag:s22] =	ssyncadd.s32 s3;
	_ =	sdelay $0x1  }
0xa1: {  	s23 =	simm.s32 $0x1B8B  }
0xa2: {  	_ =	swait.ge [sflag:s23], $0x1  }
0xa3: {  	[sflag:s23] =	ssyncset.done $0x0  }
0xa4: {  	s25 =	simm.s32 $0x1B8E;
	s24 =	sld [smem:$0x3FFE];
	[sflag:s23] =	ssyncadd.s32 $0xFFFFFFFF  }
0xa5: {  	s26 =	simm.s32 $execute0_lowered;
	[smem:$0x3FD2] =	sst s25  }
0xa6: {  	s4 =	sshll.u32 s26, $0x1;
	_ =	strace $0x80000046;
	[dreg:$0x1] =	wrdreg $0xFFFFFFFF  }
0xa7: {  	s28 =	simm.s32 $_size_execute0_lowered;
	s2 =	sadd.s32 s2, s4;
	[dreg:$0x0] =	wrdreg $0x0  }
0xa8: {  	s4 =	sshll.u32 s28, $0x1;
	[dreg:$0x2] =	wrdreg s2  }
0xa9: {  	[dreg:$0x3] =	wrdreg s4  }
0xaa: {  	[dreg:$0x4] =	wrdreg $0xC0  }
0xab: {  	_ =	task [dreg:s6], $0x5FFFF  }
0xac: {  	[dreg:$0x1] =	wrdreg $0xFFFFFFFF  }
0xad: {  	[dreg:$0x0] =	wrdreg $0x60  }
0xae: {  	[dreg:$0x2] =	wrdreg s24  }
0xaf: {  	[dreg:$0x3] =	wrdreg $0x9  }
0xb0: {  	_ =	task.clear_ibuf [dreg:s6], $0x4FFFF;
	_ =	strace $0x90000046  }
0xb1: {  	s29 =	simm.s32 $0x9;
	_ =	strace $0x80000048  }
0xb2: {  	_ =	swait.ge [sflag:s29], $0x1  }
0xb3: {  	[sflag:s29] =	ssyncadd.s32 $0xFFFFFFFF  }
0xb4: {  	_ =	strace $0x90000048  }
0xb5: {  	_ =	sfence  }
0xb6: {  	s30 =	sld [smem:$0x0];
	_ =	sdelay $0x2  }
0xb7: {  	s31 =	sshll.u32 s1, $0xD;
	s1 =	sshrl.u32 s1, $0x2  }
0xb8: {  	s3 =	sand.u32 $0x4000, s31;
	s1 =	sadd.s32 s1, s30  }
0xb9: {  	s0 =	sor.u32 s3, s0;
	s1 =	sshll.u32 s1, $0x11  }
0xba: {  	s0 =	sor.u32 s1, s0  }
0xbb: {  	s0 =	sadd.s32 $0x8F2B, s0  }
0xbc: {  	[sflag:s0] =	ssyncadd.remote.s32 $0x1  }
0xbd: {  	_ =	sfence.sel $0xFFFF  }
0xbe: {  	[dreg:$0x0] =	wrdreg $0xFFFFFFFF;
	(pc) =	sbr.abs _section_cstart, $3  }
0xbf: {  	[dreg:$0x1] =	wrdreg $0xFFFFFFFF  }
0xc0: {  	_ =	task.clear_ibuf [dreg:s6], $0x2FFFF;
	_ =	strace $0x9FFFFFFF  }
0xc1: {  	(tm) =	ssettm $0x7FFFFFFF  }
tec
execute0_lowered:
.L_overlay_start_1:
0x0: {  	(tag) =	ssettag $0x1  }
0x1: {  	s0 =	srdreg.scid  }
0x2: {  	s9 =	stileid.u32;
	s1 =	rddreg [dreg:$0x0];
	s2 =	simm.s32 $0x0  }
0x3: {  	s12 =	simm.s32 $0x1C00;
	s13 =	simm.s32 $0x2000;
	s15 =	simm.s32 $0x2800  }
0x4: {  	s16 =	simm.s32 $0x2C00;
	s17 =	simm.s32 $0x3400;
	[smem:$0x7FF] =	sst s2  }
0x5: {  	s19 =	simm.s32 $0x3800;
	_ =	strace $0x80000047;
	[dreg:$0x2] =	wrdreg s12  }
0x6: {  	s20 =	simm.s32 $0x4000;
	s21 =	simm.s32 $0x4400;
	[dreg:$0x3] =	wrdreg s13  }
0x7: {  	s22 =	simm.s32 $0x4C00;
	s24 =	simm.s32 $0x5000;
	[dreg:$0x4] =	wrdreg s15  }
0x8: {  	s25 =	simm.s32 $0x5800;
	s26 =	simm.s32 $0x5C00;
	[dreg:$0x5] =	wrdreg s16  }
0x9: {  	s10 =	simm.s32 $0x1400;
	s11 =	simm.s32 $0x6400;
	[dreg:$0x6] =	wrdreg s17  }
0xa: {  	s28 =	simm.s32 $0xC400;
	s29 =	simm.s32 $0xC800;
	[dreg:$0x7] =	wrdreg s19  }
0xb: {  	s30 =	simm.s32 $0xD000;
	s31 =	simm.s32 $0x1;
	[dreg:$0x8] =	wrdreg s20  }
0xc: {  	s0 =	sand.u32 $0x1, s0;
	s5 =	smul.u32 $0x78000, s9;
	[dreg:$0x9] =	wrdreg s21  }
0xd: {  	s3 =	sshll.u32 s9, $0x1;
	s9 =	smul.u32 $0xFFFFFFB0, s9;
	[dreg:$0xa] =	wrdreg s22  }
0xe: {  	s3 =	sor.u32 s0, s3;
	s14 =	smul.u32 $0xFFFFFFD8, s0;
	[dreg:$0xb] =	wrdreg s24  }
0xf: {  	s6 =	ssub.s32 $0x2, s0;
	s0 =	smul.u32 $0x3C000, s0;
	[dreg:$0xc] =	wrdreg s25  }
0x10: {  	[dreg:$0xd] =	wrdreg s26;
	s12 =	simm.s32 $0x6800;
	s13 =	simm.s32 $0x7000  }
0x11: {  	s15 =	simm.s32 $0x7C00;
	s16 =	simm.s32 $0x8000;
	s17 =	simm.s32 $0x8800  }
0x12: {  	s19 =	simm.s32 $0x9400;
	s20 =	simm.s32 $0x9800;
	s21 =	simm.s32 $0xA000  }
0x13: {  	s22 =	simm.s32 $0xA400;
	s24 =	simm.s32 $0xB000;
	s25 =	simm.s32 $0xB800  }
0x14: {  	s26 =	simm.s32 $0xBC00;
	s4 =	smul.u32 $0x280, s3;
	s3 =	sadd.s32 $0x9600, s1  }
0x15: {  	s7 =	sshrl.u32 s6, $0x1;
	s8 =	sadd.s32 s5, s1;
	s5 =	sadd.s32 $0x9700, s1  }
0x16: {  	s6 =	ssub.s32 s6, s7;
	s18 =	sadd.s32 s9, s14;
	s0 =	sadd.s32 s0, s8  }
0x17: {  	s9 =	simm.s32 $0x2;
	s4 =	sadd.s32 s4, s1;
	s23 =	smax.u32 s6, $0x1  }
0x18: {  	s14 =	simm.s32 $0x7400;
	s4 =	sadd.s32 $0x4600, s4;
	[dreg:$0x10] =	wrdreg s23  }
0x19: {  	v2 =	vlaneseq.u32;
	s0 =	sadd.s32 $0x7EA00, s0;
	[dreg:$0xe] =	wrdreg s4;
	s4 =	sadd.s32 $0x4E2, s18  }
0x1a: {  	vm0 =	vmmov $0xffff;
	vm1 =	vmmov $0xff;
	v1 =	vshrl.u32 v2, $0x3;
	s1 =	simm.s32 $0x0;
	[dreg:$0x11] =	wrdreg s0;
	s4 =	smin.u32 s4, $0x28  }
0x1b: {  	v0 =	vand.u32 $0x7, v2;
	v2 =	vor.u32 $0x8, v2;
	v1 =	vmul.u32 $0x8, v1;
	s23 =	simm.s32 $0xAC00;
	s18 =	simm.s32 $0x8C00;
	[dreg:$0xf] =	wrdreg s4  }
.LBB2_1:
0x1c: {  	s0 =	rddreg [dreg:$0xe]  }
0x1d: {  	[tilespmem:s2], [sflag:$0x2] =	stream.linear.gather [hbm4b:s0+s2], $0x1400, $0x38;
	[tilespmem:$0xD400] =	vst v63  }
0x1e: {  	_ =	swait.ge [sflag:s9], $0x1400  }
0x1f: {  	[sflag:s9] =	ssyncset.done $0x0;
	s8 =	rddreg [dreg:$0x11]  }
0x20: {  	s0 =	simm.s32 $0x40;
	s6 =	rddreg [dreg:$0xf];
	[sflag:s9] =	ssyncadd.s32 $0xFFFFEC00  }
.LBB2_2:
0x21: {  	v3 =	vld [tilespmem:s0+$0xFFFFFFC0];
	_ =	sdelay $0x4  }
0x22: {  	v4 =	vshrl.u32 v3, $0x3  }
0x23: {  	v4 =	vmul.u32 $0x18, v4  }
0x24: {  	v3 =	vand.u32 $0x7, v3  }
0x25: {  	v3 =	vor.u32 v3, v4  }
0x26: {  	v4 =	vperm.xlane v3, v0;
	_ =	sdelay $0x1  }
0x27: {  	v4 =	vadd.s32 v1, v4;
	_ =	sdelay $0x1  }
0x28: {  	v3 =	vperm.xlane v3, v2;
	_ =	sdelay $0x1  }
0x29: {  	v3 =	vadd.s32 v1, v3  }
0x2a: {  	[tilespmem:s10], [sflag:$0x1] =	stream.indirect_vreg.gather [hbm4b:s3+s2], $0x80, v4, vm0, $0xb8;
	[tilespmem:$0xD400] =	vst v63  }
0x2b: {  	s7 =	rddreg [dreg:$0x2]  }
0x2c: {  	[tilespmem:s7], [sflag:$0x1] =	stream.indirect_vreg.gather [hbm4b:s5+s2], $0x80, v4, vm1, $0xb8;
	[tilespmem:$0xD400] =	vst v63  }
0x2d: {  	s4 =	rddreg [dreg:$0x3]  }
0x2e: {  	[tilespmem:s4], [sflag:$0x1] =	stream.indirect_vreg.gather [hbm4b:s3+s2], $0x80, v3, vm0, $0xb8;
	[tilespmem:$0xD400] =	vst v63  }
0x2f: {  	s7 =	rddreg [dreg:$0x4]  }
0x30: {  	[tilespmem:s7], [sflag:$0x1] =	stream.indirect_vreg.gather [hbm4b:s5+s2], $0x80, v3, vm1, $0xb8;
	[tilespmem:$0xD400] =	vst v63  }
0x31: {  	v3 =	vld [tilespmem:s0+$0xFFFFFFD0];
	_ =	sdelay $0x4  }
0x32: {  	v57 =	vshrl.u32 v3, $0x3  }
0x33: {  	v4 =	vmul.u32 $0x18, v57  }
0x34: {  	v3 =	vand.u32 $0x7, v3  }
0x35: {  	v3 =	vor.u32 v3, v4  }
0x36: {  	v4 =	vperm.xlane v3, v0;
	_ =	sdelay $0x1  }
0x37: {  	v4 =	vadd.s32 v1, v4;
	_ =	sdelay $0x1  }
0x38: {  	v3 =	vperm.xlane v3, v2;
	_ =	sdelay $0x1  }
0x39: {  	s4 =	rddreg [dreg:$0x5];
	v3 =	vadd.s32 v1, v3  }
0x3a: {  	[tilespmem:s4], [sflag:$0x1] =	stream.indirect_vreg.gather [hbm4b:s3+s2], $0x80, v4, vm0, $0xb8;
	[tilespmem:$0xD400] =	vst v63  }
0x3b: {  	s7 =	rddreg [dreg:$0x6]  }
0x3c: {  	[tilespmem:s7], [sflag:$0x1] =	stream.indirect_vreg.gather [hbm4b:s5+s2], $0x80, v4, vm1, $0xb8;
	[tilespmem:$0xD400] =	vst v63  }
0x3d: {  	s4 =	rddreg [dreg:$0x7]  }
0x3e: {  	[tilespmem:s4], [sflag:$0x1] =	stream.indirect_vreg.gather [hbm4b:s3+s2], $0x80, v3, vm0, $0xb8;
	[tilespmem:$0xD400] =	vst v63  }
0x3f: {  	s7 =	rddreg [dreg:$0x8]  }
0x40: {  	[tilespmem:s7], [sflag:$0x1] =	stream.indirect_vreg.gather [hbm4b:s5+s2], $0x80, v3, vm1, $0xb8;
	[tilespmem:$0xD400] =	vst v63  }
0x41: {  	v3 =	vld [tilespmem:s0+$0xFFFFFFE0];
	_ =	sdelay $0x4  }
0x42: {  	v58 =	vshrl.u32 v3, $0x3  }
0x43: {  	v4 =	vmul.u32 $0x18, v58  }
0x44: {  	v3 =	vand.u32 $0x7, v3  }
0x45: {  	v3 =	vor.u32 v3, v4  }
0x46: {  	v4 =	vperm.xlane v3, v0;
	_ =	sdelay $0x1  }
0x47: {  	v4 =	vadd.s32 v1, v4;
	_ =	sdelay $0x1  }
0x48: {  	v3 =	vperm.xlane v3, v2;
	_ =	sdelay $0x1  }
0x49: {  	s4 =	rddreg [dreg:$0x9];
	v3 =	vadd.s32 v1, v3  }
0x4a: {  	[tilespmem:s4], [sflag:$0x1] =	stream.indirect_vreg.gather [hbm4b:s3+s2], $0x80, v4, vm0, $0xb8;
	[tilespmem:$0xD400] =	vst v63  }
0x4b: {  	s7 =	rddreg [dreg:$0xa]  }
0x4c: {  	[tilespmem:s7], [sflag:$0x1] =	stream.indirect_vreg.gather [hbm4b:s5+s2], $0x80, v4, vm1, $0xb8;
	[tilespmem:$0xD400] =	vst v63  }
0x4d: {  	s4 =	rddreg [dreg:$0xb]  }
0x4e: {  	[tilespmem:s4], [sflag:$0x1] =	stream.indirect_vreg.gather [hbm4b:s3+s2], $0x80, v3, vm0, $0xb8;
	[tilespmem:$0xD400] =	vst v63  }
0x4f: {  	s7 =	rddreg [dreg:$0xc]  }
0x50: {  	[tilespmem:s7], [sflag:$0x1] =	stream.indirect_vreg.gather [hbm4b:s5+s2], $0x80, v3, vm1, $0xb8;
	[tilespmem:$0xD400] =	vst v63  }
0x51: {  	v3 =	vld [tilespmem:s0+$0xFFFFFFF0];
	_ =	sdelay $0x4  }
0x52: {  	v59 =	vshrl.u32 v3, $0x3  }
0x53: {  	v4 =	vmul.u32 $0x18, v59  }
0x54: {  	v3 =	vand.u32 $0x7, v3  }
0x55: {  	v3 =	vor.u32 v3, v4  }
0x56: {  	v4 =	vperm.xlane v3, v0;
	_ =	sdelay $0x1  }
0x57: {  	v4 =	vadd.s32 v1, v4;
	_ =	sdelay $0x1  }
0x58: {  	v3 =	vperm.xlane v3, v2;
	_ =	sdelay $0x1  }
0x59: {  	s7 =	rddreg [dreg:$0xd];
	v3 =	vadd.s32 v1, v3  }
0x5a: {  	[tilespmem:s7], [sflag:$0x1] =	stream.indirect_vreg.gather [hbm4b:s3+s2], $0x80, v4, vm0, $0xb8;
	[tilespmem:$0xD400] =	vst v63  }
0x5b: {  	_ = 	snop  }
0x5c: {  	[tilespmem:s11], [sflag:$0x1] =	stream.indirect_vreg.gather [hbm4b:s5+s2], $0x80, v4, vm1, $0xb8;
	[tilespmem:$0xD400] =	vst v63  }
0x5d: {  	_ = 	snop  }
0x5e: {  	[tilespmem:s12], [sflag:$0x1] =	stream.indirect_vreg.gather [hbm4b:s3+s2], $0x80, v3, vm0, $0xb8;
	[tilespmem:$0xD400] =	vst v63  }
0x5f: {  	_ = 	snop  }
0x60: {  	[tilespmem:s13], [sflag:$0x1] =	stream.indirect_vreg.gather [hbm4b:s5+s2], $0x80, v3, vm1, $0xb8;
	[tilespmem:$0xD400] =	vst v63  }
0x61: {  	v3 =	vld [tilespmem:s0+$0x0];
	_ =	sdelay $0x4  }
0x62: {  	v60 =	vshrl.u32 v3, $0x3  }
0x63: {  	v4 =	vmul.u32 $0x18, v60  }
0x64: {  	v3 =	vand.u32 $0x7, v3  }
0x65: {  	v3 =	vor.u32 v3, v4  }
0x66: {  	v4 =	vperm.xlane v3, v0;
	_ =	sdelay $0x1  }
0x67: {  	v4 =	vadd.s32 v1, v4;
	_ =	sdelay $0x1  }
0x68: {  	v3 =	vperm.xlane v3, v2;
	_ =	sdelay $0x1  }
0x69: {  	v3 =	vadd.s32 v1, v3  }
0x6a: {  	[tilespmem:s14], [sflag:$0x1] =	stream.indirect_vreg.gather [hbm4b:s3+s2], $0x80, v4, vm0, $0xb8;
	[tilespmem:$0xD400] =	vst v63  }
0x6b: {  	_ = 	snop  }
0x6c: {  	[tilespmem:s15], [sflag:$0x1] =	stream.indirect_vreg.gather [hbm4b:s5+s2], $0x80, v4, vm1, $0xb8;
	[tilespmem:$0xD400] =	vst v63  }
0x6d: {  	_ = 	snop  }
0x6e: {  	[tilespmem:s16], [sflag:$0x1] =	stream.indirect_vreg.gather [hbm4b:s3+s2], $0x80, v3, vm0, $0xb8;
	[tilespmem:$0xD400] =	vst v63  }
0x6f: {  	_ = 	snop  }
0x70: {  	[tilespmem:s17], [sflag:$0x1] =	stream.indirect_vreg.gather [hbm4b:s5+s2], $0x80, v3, vm1, $0xb8;
	[tilespmem:$0xD400] =	vst v63  }
0x71: {  	v3 =	vld [tilespmem:s0+$0x10];
	_ =	sdelay $0x4  }
0x72: {  	v61 =	vshrl.u32 v3, $0x3  }
0x73: {  	v4 =	vmul.u32 $0x18, v61  }
0x74: {  	v3 =	vand.u32 $0x7, v3  }
0x75: {  	v3 =	vor.u32 v3, v4  }
0x76: {  	v4 =	vperm.xlane v3, v0;
	_ =	sdelay $0x1  }
0x77: {  	v4 =	vadd.s32 v1, v4;
	_ =	sdelay $0x1  }
0x78: {  	v3 =	vperm.xlane v3, v2;
	_ =	sdelay $0x1  }
0x79: {  	v3 =	vadd.s32 v1, v3  }
0x7a: {  	[tilespmem:s18], [sflag:$0x1] =	stream.indirect_vreg.gather [hbm4b:s3+s2], $0x80, v4, vm0, $0xb8;
	[tilespmem:$0xD400] =	vst v63  }
0x7b: {  	_ = 	snop  }
0x7c: {  	[tilespmem:s19], [sflag:$0x1] =	stream.indirect_vreg.gather [hbm4b:s5+s2], $0x80, v4, vm1, $0xb8;
	[tilespmem:$0xD400] =	vst v63  }
0x7d: {  	_ = 	snop  }
0x7e: {  	[tilespmem:s20], [sflag:$0x1] =	stream.indirect_vreg.gather [hbm4b:s3+s2], $0x80, v3, vm0, $0xb8;
	[tilespmem:$0xD400] =	vst v63  }
0x7f: {  	_ = 	snop  }
0x80: {  	[tilespmem:s21], [sflag:$0x1] =	stream.indirect_vreg.gather [hbm4b:s5+s2], $0x80, v3, vm1, $0xb8;
	[tilespmem:$0xD400] =	vst v63  }
0x81: {  	v3 =	vld [tilespmem:s0+$0x20];
	_ =	sdelay $0x4  }
0x82: {  	v62 =	vshrl.u32 v3, $0x3  }
0x83: {  	v4 =	vmul.u32 $0x18, v62  }
0x84: {  	v3 =	vand.u32 $0x7, v3  }
0x85: {  	v3 =	vor.u32 v3, v4  }
0x86: {  	v4 =	vperm.xlane v3, v0;
	_ =	sdelay $0x1  }
0x87: {  	v4 =	vadd.s32 v1, v4;
	_ =	sdelay $0x1  }
0x88: {  	v3 =	vperm.xlane v3, v2;
	_ =	sdelay $0x1  }
0x89: {  	v3 =	vadd.s32 v1, v3  }
0x8a: {  	[tilespmem:s22], [sflag:$0x1] =	stream.indirect_vreg.gather [hbm4b:s3+s2], $0x80, v4, vm0, $0xb8;
	[tilespmem:$0xD400] =	vst v63  }
0x8b: {  	_ = 	snop  }
0x8c: {  	[tilespmem:s23], [sflag:$0x1] =	stream.indirect_vreg.gather [hbm4b:s5+s2], $0x80, v4, vm1, $0xb8;
	[tilespmem:$0xD400] =	vst v63  }
0x8d: {  	_ = 	snop  }
0x8e: {  	[tilespmem:s24], [sflag:$0x1] =	stream.indirect_vreg.gather [hbm4b:s3+s2], $0x80, v3, vm0, $0xb8;
	[tilespmem:$0xD400] =	vst v63  }
0x8f: {  	_ = 	snop  }
0x90: {  	[tilespmem:s25], [sflag:$0x1] =	stream.indirect_vreg.gather [hbm4b:s5+s2], $0x80, v3, vm1, $0xb8;
	[tilespmem:$0xD400] =	vst v63  }
0x91: {  	v3 =	vld [tilespmem:s0+$0x30];
	_ =	sdelay $0x4  }
0x92: {  	v63 =	vshrl.u32 v3, $0x3  }
0x93: {  	v4 =	vmul.u32 $0x18, v63  }
0x94: {  	v3 =	vand.u32 $0x7, v3  }
0x95: {  	v3 =	vor.u32 v3, v4  }
0x96: {  	v4 =	vperm.xlane v3, v0;
	_ =	sdelay $0x1  }
0x97: {  	v4 =	vadd.s32 v1, v4;
	_ =	sdelay $0x1  }
0x98: {  	v3 =	vperm.xlane v3, v2;
	_ =	sdelay $0x1  }
0x99: {  	v3 =	vadd.s32 v1, v3  }
0x9a: {  	[tilespmem:s26], [sflag:$0x1] =	stream.indirect_vreg.gather [hbm4b:s3+s2], $0x80, v4, vm0, $0xb8;
	[tilespmem:$0xD400] =	vst v63  }
0x9b: {  	_ = 	snop  }
0x9c: {  	[tilespmem:s28], [sflag:$0x1] =	stream.indirect_vreg.gather [hbm4b:s5+s2], $0x80, v4, vm1, $0xb8;
	[tilespmem:$0xD400] =	vst v63  }
0x9d: {  	_ = 	snop  }
0x9e: {  	[tilespmem:s29], [sflag:$0x1] =	stream.indirect_vreg.gather [hbm4b:s3+s2], $0x80, v3, vm0, $0xb8;
	[tilespmem:$0xD400] =	vst v63  }
0x9f: {  	_ = 	snop  }
0xa0: {  	[tilespmem:s30], [sflag:$0x1] =	stream.indirect_vreg.gather [hbm4b:s5+s2], $0x80, v3, vm1, $0xb8;
	[tilespmem:$0xD400] =	vst v63  }
0xa1: {  	_ =	swait.ge [sflag:s31], $0xC000  }
0xa2: {  	p0 =	sne.s32 s6, $0x1;
	[sflag:s31] =	ssyncset.done $0x0  }
.Ltmp0:
0xa3: {  	[sflag:s31] =	ssyncadd.s32 $0xFFFF4000;
	(pc) =	sbr.rel @p0 .LBB2_2-.Ltmp0, $4  }
0xa4: {  	[hbm4b:s8+s2] =	stream.linear.scatter [tilespmem:s10], [sflag:$0x2], $0xC000, $0x38;
	[tilespmem:$0xD400] =	vst v63  }
0xa5: {  	_ =	swait.ge [sflag:s9], $0xC000  }
0xa6: {  	s6 =	sadd.s32 $0xFFFFFFFF, s6;
	[sflag:s9] =	ssyncset.done $0x0  }
0xa7: {  	s0 =	sadd.s32 $0x80, s0;
	s8 =	sadd.s32 $0x1800, s8;
	[sflag:s9] =	ssyncadd.s32 $0xFFFF4000  }
0xa8: {  	s1 =	sadd.s32 $0x1, s1;
	s0 =	rddreg [dreg:$0x10]  }
0xa9: {  	p0 =	sne.s32 s1, s0  }
.Ltmp1:
0xaa: {  	_ = 	snop;
	(pc) =	sbr.rel @p0 .LBB2_1-.Ltmp1, $1  }
0xab: {  	_ =	sdelay $0x3  }
0xac: {  	_ =	sfence.sel $0x180000  }
0xad: {  	[bflag:$0x0] =	sbarrier.arrive $0xFFFF  }
0xae: {  	_ =	strace $0x90000047  }
0xaf: {  	s0 =	stileid.u32;
	[bflag:$0x2] =	sbarrier.arrive $0xFFFF  }
0xb0: {  	p0 =	sne.s32 s0, $0x0;
	s0 =	rddreg [dreg:$0x1]  }
0xb1: {  	s0 =	sadd.s32 @!p0 $0x100000, s0  }
0xb2: {  	[sflag:s0] =	ssyncadd.tile.s32 @!p0 $0x1;
	_ =	shalt  }
.Lfunc_end2:
_tile_overlayer_lowered:
.L_overlay_start_2:
0xb3: {  	(tag) =	ssettag $0x2  }
0xb4: {  	s0 =	rddreg [dreg:$0x0];
	s2 =	stileid.u32  }
0xb5: {  	s1 =	rddreg [dreg:$0x1];
	p0 =	sne.s32 s2, $0x0  }
0xb6: {  	s3 =	rddreg [dreg:$0x2];
	[bflag:$0x3] =	sbarrier.arrive $0xFFFF;
	s2 =	simm.s32 @!p0 $0x1C02  }
0xb7: {  	[timem:s3], [sflag:s2] =	dma.local @!p0 [hbm:s0], s1  }
0xb8: {  	s0 =	simm.s32 @!p0 $0x2  }
0xb9: {  	_ =	swait.ge @!p0 [sflag:s0], s1  }
0xba: {  	s1 =	ssub.s32 @!p0 $0x0, s1;
	[sflag:s0] =	ssyncset.done @!p0 $0x0  }
0xbb: {  	[sflag:s0] =	ssyncadd.s32 @!p0 s1  }
0xbc: {  	[bflag:$0x3] =	sbarrier.arrive $0xFFFF  }
0xbd: {  	_ =	shalt  }

</sc_bundles>
